<compile_context>
chip_gen: v7x
topology: tpu7x:2x2x1
jax: 0.10.2.dev20260603
libtpu: 0.0.44.dev20260713+nightly
codegen_flags: <defaults>
</compile_context>

<pallas_src>
import functools

import jax
import jax.numpy as jnp
from jax import lax
from jax.experimental import pallas as pl
from jax.experimental.pallas import tpu as pltpu
from jax.experimental.pallas import tpu_sc as plsc

_N = 10000
_B = 8
_NPG = 1250
_D = 128
_KC = 16
_K = 4
_NC = 2
_NS = 16
_NW = _NC * _NS


def _sc_scatter_rows(values, src_idx, dst_idx, n_out, chunk, use_ones,
                     stage_table=False):
    e_tot = src_idx.shape[0]
    w = values.shape[1]
    per_tile = e_tot // _NW
    assert per_tile * _NW == e_tot and per_tile % chunk == 0
    nchunks = per_tile // chunk
    rows_out = -(-n_out // (_NS * chunk)) * chunk
    n_acc = rows_out * _NS
    n_full = rows_out // chunk
    n_vals = values.shape[0]
    if stage_table:
        assert n_vals % _NS == 0
    vrows_tile = n_vals // _NS
    src3 = src_idx.reshape(_NW, nchunks, chunk)
    dst3 = dst_idx.reshape(_NW, nchunks, chunk)
    fill = jnp.stack([jnp.zeros((chunk, w), jnp.float32),
                      jnp.ones((chunk, w), jnp.float32)])
    mesh = plsc.VectorSubcoreMesh(core_axis_name="c", subcore_axis_name="s")

    @functools.partial(
        pl.kernel,
        out_type=jax.ShapeDtypeStruct((_NC, n_acc, w), jnp.float32),
        mesh=mesh,
        compiler_params=pltpu.CompilerParams(use_tc_tiling_on_sc=False),
        scratch_types=[
            pltpu.VMEM((nchunks, chunk), jnp.int32),
            pltpu.VMEM((nchunks, chunk), jnp.int32),
            pltpu.VMEM((chunk, w), jnp.float32),
            pltpu.VMEM((chunk, w), jnp.float32),
            pltpu.VMEM_SHARED((n_acc, w), jnp.float32),
            pltpu.VMEM_SHARED((n_vals if stage_table else 8, w), jnp.float32),
            pltpu.SemaphoreType.DMA,
            pltpu.SemaphoreType.DMA,
        ],
    )
    def k(vals_hbm, src_hbm, dst_hbm, fill_hbm, out_hbm,
          src_v, dst_v, rows_a, rows_b, acc_sh, tbl_sh, sem_a, sem_b):
        vals = tbl_sh if stage_table else vals_hbm
        c = lax.axis_index("c")
        s = lax.axis_index("s")
        wid = c * _NS + s
        base_r = s * rows_out
        pltpu.sync_copy(fill_hbm.at[0], rows_a)

        def zero_body(j, carry):
            pltpu.sync_copy(rows_a, acc_sh.at[pl.ds(base_r + j * chunk, chunk)])
            return carry

        lax.fori_loop(0, n_full, zero_body, 0)
        if stage_table:
            pltpu.sync_copy(vals_hbm.at[pl.ds(s * vrows_tile, vrows_tile)],
                            tbl_sh.at[pl.ds(s * vrows_tile, vrows_tile)])
        pltpu.sync_copy(src_hbm.at[wid], src_v)
        pltpu.sync_copy(dst_hbm.at[wid], dst_v)
        plsc.subcore_barrier()

        if use_ones:
            pltpu.sync_copy(fill_hbm.at[1], rows_a)

            def chunk_body(j, carry):
                pltpu.sync_copy(rows_a, acc_sh.at[dst_v.at[j]], add=True)
                return carry

            lax.fori_loop(0, nchunks, chunk_body, 0)
        else:
            bufs = (rows_a, rows_b)
            sems = (sem_a, sem_b)
            pltpu.async_copy(vals.at[src_v.at[0]], rows_a, sem_a)

            def chunk_body(j, carry):
                for par in (0, 1):
                    @pl.when(j % 2 == par)
                    def _():
                        buf, sem = bufs[par], sems[par]
                        nbuf, nsem = bufs[1 - par], sems[1 - par]
                        pltpu.make_async_copy(
                            vals_hbm.at[pl.ds(0, chunk)], buf, sem).wait()

                        @pl.when(j + 1 < nchunks)
                        def _():
                            pltpu.async_copy(
                                vals.at[src_v.at[j + 1]], nbuf, nsem)
                        pltpu.sync_copy(buf, acc_sh.at[dst_v.at[j]], add=True)
                return carry

            lax.fori_loop(0, nchunks, chunk_body, 0)
        plsc.subcore_barrier()
        pltpu.sync_copy(acc_sh.at[pl.ds(base_r, rows_out)],
                        out_hbm.at[c, pl.ds(base_r, rows_out)])

    return k(values, src3, dst3, fill)


_ROWS = 1000


def _bdot(a, b, dims=(((1,), (0,)), ((), ()))):
    return lax.dot_general(a.astype(jnp.bfloat16), b.astype(jnp.bfloat16),
                           dims, preferred_element_type=jnp.float32)


def _mms_body(x_ref, w_ref, c_ref, o_ref):
    cnt = c_ref[0, :, 0:1] + c_ref[1, :, 0:1]
    dinv = lax.rsqrt(cnt + 1.0)
    o_ref[...] = _bdot(x_ref[...], w_ref[...]) * dinv


def _mm_scale(x, w, cntp):
    return pl.pallas_call(
        _mms_body,
        grid=(_N // _ROWS,),
        in_specs=[pl.BlockSpec((_ROWS, _D), lambda i: (i, 0)),
                  pl.BlockSpec((_D, _D), lambda i: (0, 0)),
                  pl.BlockSpec((2, _ROWS, _KC), lambda i: (0, i, 0))],
        out_specs=pl.BlockSpec((_ROWS, _D), lambda i: (i, 0)),
        out_shape=jax.ShapeDtypeStruct((_N, _D), jnp.float32),
    )(x, w, cntp)


def _conv1_body(hws_ref, agg_ref, c_ref, b1_ref, w2_ref, h_ref, hw2_ref):
    cnt = c_ref[0, :, 0:1] + c_ref[1, :, 0:1]
    dinv = lax.rsqrt(cnt + 1.0)
    tot = agg_ref[0] + agg_ref[1] + hws_ref[...]
    h = jnp.maximum(dinv * tot + b1_ref[...], 0.0)
    h_ref[...] = h
    hw2_ref[...] = _bdot(h, w2_ref[...])


def _conv1_finish(hws, aggp, cntp, b1, w2):
    return pl.pallas_call(
        _conv1_body,
        grid=(_N // _ROWS,),
        in_specs=[pl.BlockSpec((_ROWS, _D), lambda i: (i, 0)),
                  pl.BlockSpec((2, _ROWS, _D), lambda i: (0, i, 0)),
                  pl.BlockSpec((2, _ROWS, _KC), lambda i: (0, i, 0)),
                  pl.BlockSpec((1, _D), lambda i: (0, 0)),
                  pl.BlockSpec((_D, _D), lambda i: (0, 0))],
        out_specs=[pl.BlockSpec((_ROWS, _D), lambda i: (i, 0)),
                   pl.BlockSpec((_ROWS, _D), lambda i: (i, 0))],
        out_shape=[jax.ShapeDtypeStruct((_N, _D), jnp.float32),
                   jax.ShapeDtypeStruct((_N, _D), jnp.float32)],
    )(hws, aggp, cntp, b1.reshape(1, _D), w2)


def _sqrow_body(h_ref, o_ref):
    p = h_ref[0]
    col128 = lax.broadcasted_iota(jnp.int32, (_NPG, _D), 1)
    pm = jnp.where(col128 < 3, p, 0.0)
    sq_col = jnp.sum(pm * pm, axis=1, keepdims=True)
    rows_i = lax.broadcasted_iota(jnp.int32, (_NPG, _NPG), 0)
    cols_i = lax.broadcasted_iota(jnp.int32, (_NPG, _NPG), 1)
    eyef = jnp.where(rows_i == cols_i, 1.0, 0.0)
    o_ref[0] = lax.dot_general(sq_col, eyef, (((0,), (0,)), ((), ())),
                               precision=lax.Precision.HIGHEST,
                               preferred_element_type=jnp.float32)


def _sqrow(h3):
    return pl.pallas_call(
        _sqrow_body,
        grid=(_B,),
        in_specs=[pl.BlockSpec((1, _NPG, _D), lambda b: (b, 0, 0))],
        out_specs=pl.BlockSpec((1, 1, _NPG), lambda b: (b, 0, 0)),
        out_shape=jax.ShapeDtypeStruct((_B, 1, _NPG), jnp.float32),
    )(h3)


def _knn_body(hb_ref, sqr_ref, o_ref):
    hb = hb_ref[0]
    col128 = lax.broadcasted_iota(jnp.int32, (_NPG, _D), 1)
    pmb = jnp.where(col128 < 3, hb, 0.0)
    g = _bdot(pmb, hb, (((1,), (1,)), ((), ())))
    sqb = jnp.sum(pmb * pmb, axis=1, keepdims=True)
    d = sqb + sqr_ref[0] - 2.0 * g
    rows_g = lax.broadcasted_iota(jnp.int32, (_NPG, _NPG), 0)
    cols_i = lax.broadcasted_iota(jnp.int32, (_NPG, _NPG), 1)
    d = jnp.where(cols_i == rows_g, jnp.inf, d)
    ams = []
    for _ in range(_K):
        m = jnp.min(d, axis=1, keepdims=True)
        am = jnp.min(jnp.where(d == m, cols_i, jnp.int32(1 << 30)),
                     axis=1, keepdims=True)
        ams.append(am)
        d = jnp.where(cols_i == am, jnp.inf, d)
    nbr = jnp.concatenate(ams + ams[:_K], axis=1)
    o_ref[0] = nbr + pl.program_id(0) * _NPG


def _knn(h3, sqr):
    return pl.pallas_call(
        _knn_body,
        grid=(_B,),
        in_specs=[pl.BlockSpec((1, _NPG, _D), lambda b: (b, 0, 0)),
                  pl.BlockSpec((1, 1, _NPG), lambda b: (b, 0, 0))],
        out_specs=pl.BlockSpec((1, _NPG, 2 * _K), lambda b: (b, 0, 0)),
        out_shape=jax.ShapeDtypeStruct((_B, _NPG, 2 * _K), jnp.int32),
    )(h3, sqr)


def _conv2_body(hw2_ref, agg_ref, b2_ref, wp_ref, bp_ref, h2_ref, s_ref):
    tot = (hw2_ref[...] + agg_ref[0] + agg_ref[1]) * 0.2
    h2 = jnp.maximum(tot + b2_ref[...], 0.0)
    h2_ref[...] = h2
    logits = _bdot(h2, wp_ref[...]) + bp_ref[...]
    mx = jnp.max(logits, axis=1, keepdims=True)
    ex = jnp.exp(logits - mx)
    s_ref[...] = ex / jnp.sum(ex, axis=1, keepdims=True)


def _conv2_s(hw2, agg2p, b2, wp, bp):
    return pl.pallas_call(
        _conv2_body,
        grid=(_N // _ROWS,),
        in_specs=[pl.BlockSpec((_ROWS, _D), lambda i: (i, 0)),
                  pl.BlockSpec((2, _ROWS, _D), lambda i: (0, i, 0)),
                  pl.BlockSpec((1, _D), lambda i: (0, 0)),
                  pl.BlockSpec((_D, _KC), lambda i: (0, 0)),
                  pl.BlockSpec((1, _KC), lambda i: (0, 0))],
        out_specs=[pl.BlockSpec((_ROWS, _D), lambda i: (i, 0)),
                   pl.BlockSpec((_ROWS, _KC), lambda i: (i, 0))],
        out_shape=[jax.ShapeDtypeStruct((_N, _D), jnp.float32),
                   jax.ShapeDtypeStruct((_N, _KC), jnp.float32)],
    )(hw2, agg2p, b2.reshape(1, _D), wp, bp.reshape(1, _KC))


_SELU_ALPHA = 1.6732632423543772
_SELU_SCALE = 1.0507009873554805


def _pool_body(s_ref, h_ref, u_ref, c_ref, lsm_ref, scal_ref):
    sb = s_ref[0]
    h2b = h_ref[0]
    ub = u_ref[0, 0] + u_ref[1, 0]
    cntb = c_ref[0, 0, :, 0:1] + c_ref[1, 0, :, 0:1]
    dn = (((0,), (0,)), ((), ()))
    outb = _bdot(sb, h2b, dn)
    oadj = lax.dot_general(ub, sb, dn, preferred_element_type=jnp.float32)
    m = jnp.sum(cntb) * 0.5
    ca = lax.dot_general(sb, cntb, dn, preferred_element_type=jnp.float32)
    norm = lax.dot_general(ca, ca, (((1,), (1,)), ((), ())),
                           preferred_element_type=jnp.float32) / (2.0 * m)
    dec = oadj - norm
    r16 = lax.broadcasted_iota(jnp.int32, (_KC, _KC), 0)
    c16 = lax.broadcasted_iota(jnp.int32, (_KC, _KC), 1)
    eye16 = r16 == c16
    spec = -jnp.sum(jnp.where(eye16, dec, 0.0)) / (2.0 * m)
    ss = lax.dot_general(sb, sb, dn, preferred_element_type=jnp.float32)
    ssf = jnp.sqrt(jnp.sum(ss * ss))
    dif = ss / ssf - jnp.where(eye16, 0.25, 0.0)
    orth = jnp.sqrt(jnp.sum(dif * dif))
    csize = jnp.sum(sb, axis=0, keepdims=True)
    cl = jnp.sqrt(jnp.sum(csize * csize)) / _NPG * 4.0 - 1.0
    x = outb
    selu = _SELU_SCALE * jnp.where(x > 0.0, x,
                                   _SELU_ALPHA * (jnp.exp(x) - 1.0))
    mx = jnp.max(selu, axis=1, keepdims=True)
    sh = selu - mx
    lsm_ref[0] = sh - jnp.log(jnp.sum(jnp.exp(sh), axis=1, keepdims=True))
    lane = lax.broadcasted_iota(jnp.int32, (1, 1, _D), 2)
    scal_ref[...] = jnp.where(lane == 0, spec,
                              jnp.where(lane == 1, orth,
                                        jnp.where(lane == 2, cl, 0.0)))


def _pool(s3, h23, u4, c4):
    return pl.pallas_call(
        _pool_body,
        grid=(_B,),
        in_specs=[pl.BlockSpec((1, _NPG, _KC), lambda b: (b, 0, 0)),
                  pl.BlockSpec((1, _NPG, _D), lambda b: (b, 0, 0)),
                  pl.BlockSpec((2, 1, _NPG, _KC), lambda b: (0, b, 0, 0)),
                  pl.BlockSpec((2, 1, _NPG, _KC), lambda b: (0, b, 0, 0))],
        out_specs=[pl.BlockSpec((1, _KC, _D), lambda b: (b, 0, 0)),
                   pl.BlockSpec((1, 1, _D), lambda b: (b, 0, 0))],
        out_shape=[jax.ShapeDtypeStruct((_B, _KC, _D), jnp.float32),
                   jax.ShapeDtypeStruct((_B, 1, _D), jnp.float32)],
    )(s3, h23, u4, c4)


def kernel(x, edge_index, batch, W1, b1, W2, b2, Wp, bp):
    src = edge_index[0]
    dst = edge_index[1]
    ones_tbl = jnp.ones((8, _KC), jnp.float32)
    zsrc = jnp.zeros_like(src)
    cntp = _sc_scatter_rows(ones_tbl, zsrc, dst, _N, 80, use_ones=True)
    hws = _mm_scale(x, W1, cntp)
    aggp = _sc_scatter_rows(hws, src, dst, _N, 80, use_ones=False)
    h, hw2 = _conv1_finish(hws, aggp, cntp, b1, W2)
    h3 = h.reshape(_B, _NPG, _D)
    nbr8 = _knn(h3, _sqrow(h3))
    src2 = nbr8[..., :_K].reshape(-1)
    pad = 32 * 1280 - _N * _K
    src2p = jnp.concatenate([src2, jnp.zeros((pad,), jnp.int32)])
    dst2 = jnp.repeat(jnp.arange(_N, dtype=jnp.int32), _K)
    dst2p = jnp.concatenate([dst2, jnp.full((pad,), _N, jnp.int32)])
    agg2p = _sc_scatter_rows(hw2, src2p, dst2p, _N, 80, use_ones=False)
    h2, s = _conv2_s(hw2, agg2p, b2, Wp, bp)
    up = _sc_scatter_rows(s, src, dst, _N, 80, use_ones=False,
                          stage_table=True)
    lsm, scal = _pool(s.reshape(_B, _NPG, _KC),
                      h2.reshape(_B, _NPG, _D),
                      up[:, :_N].reshape(2, _B, _NPG, _KC),
                      cntp[:, :_N].reshape(2, _B, _NPG, _KC))
    loss = scal[:, 0, 0].mean() + scal[:, 0, 1].mean() + scal[:, 0, 2].mean()
    return lsm, loss, s.reshape(_B, _NPG, _KC)

# --- scband reference (transcript-rebuilt; emitter-appended) ---
"""Pipeline reference for scband-dynamic-net-58591943852321 (READ-ONLY COPY).

The authoritative reference and input builder live on the scoring server;
editing this copy changes nothing except your own understanding.
"""

import jax, jax.numpy as jnp
import numpy as np

N = 10000
B = 8
NPG = N // B
E = 320000
D = 128
KC = 16
KNN_K = 4


def _glorot(key, shape):
    lim = float(np.sqrt(6.0 / (shape[0] + shape[1])))
    return jax.random.uniform(key, shape, jnp.float32, -lim, lim)


def setup_inputs(seed: int = 0):
    key = jax.random.key(seed)
    ks = jax.random.split(key, 8)
    x = jax.random.normal(ks[0], (N, D), dtype=jnp.float32)
    batch = jnp.repeat(jnp.arange(B, dtype=jnp.int32), NPG)
    src = jax.random.randint(ks[1], (E,), 0, N, dtype=jnp.int32)
    off = jax.random.randint(ks[2], (E,), 0, NPG - 1, dtype=jnp.int32)
    dst = (src // NPG) * NPG + (src % NPG + 1 + off) % NPG
    edge_index = jnp.stack([src, dst]).astype(jnp.int32)
    W1 = _glorot(ks[3], (D, 128))
    b1 = jnp.zeros((128,), jnp.float32)
    W2 = _glorot(ks[4], (128, 128))
    b2 = jnp.zeros((128,), jnp.float32)
    Wp = _glorot(ks[5], (128, KC))
    bp = jnp.zeros((KC,), jnp.float32)
    return {"x": x, "edge_index": edge_index, "batch": batch, "W1": W1, "b1": b1, "W2": W2, "b2": b2, "Wp": Wp, "bp": bp}


def _gcn_conv(x, edge_index, W, b):
    n = x.shape[0]
    loop = jnp.arange(n, dtype=edge_index.dtype)
    src = jnp.concatenate([edge_index[0], loop])
    dst = jnp.concatenate([edge_index[1], loop])
    w = jnp.ones(src.shape[0], x.dtype)
    deg = jnp.zeros((n,), x.dtype).at[dst].add(w)
    dinv = jnp.where(deg > 0, jax.lax.rsqrt(jnp.maximum(deg, 1e-20)), 0.0)
    norm = dinv[src] * w * dinv[dst]
    h = x @ W
    out = jnp.zeros((n, W.shape[1]), x.dtype).at[dst].add(h[src] * norm[:, None])
    return out + b


def _knn_graph(pos, k):
    p = pos.reshape(B, NPG, -1)
    sq = jnp.sum(p * p, axis=-1)
    d = sq[:, :, None] + sq[:, None, :] - 2.0 * jnp.einsum('bnd,bmd->bnm', p, p)
    d = jnp.where(jnp.eye(NPG, dtype=bool)[None], jnp.inf, d)
    _, idx = jax.lax.top_k(-d, k)
    base = (jnp.arange(B, dtype=jnp.int32) * NPG)[:, None, None]
    nbr = (idx.astype(jnp.int32) + base).reshape(-1)
    qry = jnp.repeat(jnp.arange(B * NPG, dtype=jnp.int32), k)
    return jnp.stack([nbr, qry])


def _dmon_pool(xd, adj, mask, Wp, bp):
    s = jax.nn.softmax(xd @ Wp + bp, axis=-1)
    C = s.shape[-1]
    mf = mask[..., None].astype(xd.dtype)
    xm = xd * mf
    sm = s * mf
    st = jnp.swapaxes(sm, 1, 2)
    out = jax.nn.selu(st @ xm)
    out_adj = st @ adj @ sm
    degrees = jnp.einsum('ijk->ik', adj)[..., None] * mf
    m = jnp.einsum('ijk->i', degrees) / 2.0
    ca = st @ degrees
    cb = jnp.swapaxes(degrees, 1, 2) @ sm
    normalizer = (ca @ cb) / 2.0 / m[:, None, None]
    decompose = out_adj - normalizer
    spectral_loss = jnp.mean(-jnp.trace(decompose, axis1=-2, axis2=-1) / 2.0 / m)
    ss = st @ sm
    i_s = jnp.eye(C, dtype=ss.dtype)
    ortho = jnp.linalg.norm(ss / jnp.linalg.norm(ss, axis=(-2, -1), keepdims=True) - i_s / jnp.linalg.norm(i_s), axis=(-2, -1))
    ortho_loss = jnp.mean(ortho)
    cluster_size = jnp.einsum('ijk->ik', sm)
    cl = jnp.linalg.norm(cluster_size, axis=1) / mf.sum(axis=1) * jnp.linalg.norm(i_s) - 1.0
    cluster_loss = jnp.mean(cl)
    EPS = 1e-15
    oa = out_adj * (1.0 - i_s)
    dd = jnp.sqrt(jnp.einsum('ijk->ij', oa))[:, None, :] + EPS
    oa = oa / dd / jnp.swapaxes(dd, 1, 2)
    return sm, out, oa, spectral_loss, ortho_loss, cluster_loss


def _forward(x, edge_index, W1, b1, W2, b2, Wp, bp):
    h = jax.nn.relu(_gcn_conv(x, edge_index, W1, b1))
    ei2 = _knn_graph(h[:, :3], KNN_K)
    h2 = jax.nn.relu(_gcn_conv(h, ei2, W2, b2))
    xd = h2.reshape(B, NPG, 128)
    mask = jnp.ones((B, NPG), dtype=bool)
    src, dst = edge_index[0], edge_index[1]
    adj = jnp.zeros((B, NPG, NPG), x.dtype).at[src // NPG, src % NPG, dst % NPG].add(1.0)
    s, out, oa, sp, o, c = _dmon_pool(xd, adj, mask, Wp, bp)
    return jax.nn.log_softmax(out, axis=-1), sp + o + c, s


def reference(x, edge_index, batch, W1, b1, W2, b2, Wp, bp):
    return _forward(x, edge_index, W1, b1, W2, b2, Wp, bp)

if __name__ == "__main__":
    import jax
    _d = setup_inputs()
    print(jax.jit(kernel)(*tuple(_d.values())))

</pallas_src>

<mosaic_0001>
#map = affine_map<(d0, d1) -> (0, 0)>
#map1 = affine_map<(d0, d1) -> (0, 0, 0)>
module attributes {stable_mosaic.version = 14 : i64} {
  func.func @k(%arg0: i32, %arg1: i32, %arg2: memref<10000x128xf32, #tpu.memory_space<hbm>>, %arg3: memref<32x125x80xi32, #tpu.memory_space<hbm>>, %arg4: memref<32x125x80xi32, #tpu.memory_space<hbm>>, %arg5: memref<2x80x128xf32, #tpu.memory_space<hbm>>, %arg6: memref<2x10240x128xf32, #tpu.memory_space<hbm>>, %arg7: memref<125x80xi32, #tpu.memory_space<vmem>>, %arg8: memref<125x80xi32, #tpu.memory_space<vmem>>, %arg9: memref<80x128xf32, #tpu.memory_space<vmem>>, %arg10: memref<80x128xf32, #tpu.memory_space<vmem>>, %arg11: memref<10240x128xf32, #tpu.memory_space<vmem_shared>>, %arg12: memref<8x128xf32, #tpu.memory_space<vmem_shared>>, %arg13: memref<!tpu.dma_semaphore, #tpu.memory_space<semaphore_mem>>, %arg14: memref<!tpu.dma_semaphore, #tpu.memory_space<semaphore_mem>>) attributes {dimension_semantics = [#tpu.dimension_semantics<core_parallel>, #tpu.dimension_semantics<subcore_parallel>], iteration_bounds = array<i64: 2, 16>, scalar_prefetch = 0 : i64, scratch_operands = 8 : i64, tpu.core_type = #tpu.core_type<sc_vector_subcore>, window_params = [{transform_indices = #map}, {transform_indices = #map1}, {transform_indices = #map1}, {transform_indices = #map1}, {transform_indices = #map1}]} {
    %mul3A = arith.constant 16 : i32
    %mul3A_0 = arith.muli %arg0, %mul3A : i32
    %add3A = arith.addi %mul3A_0, %arg1 : i32
    %mul3A_1 = arith.constant 640 : i32
    %mul3A_2 = arith.muli %arg1, %mul3A_1 : i32
    %run_scoped3A = arith.constant 0 : i32
    "tpu.region"() ({
      %run_scoped3A_21 = tpu.sem_alloc : memref<!tpu.dma_semaphore, #tpu.memory_space<semaphore_mem>>
      %dma_start3A_22 = arith.constant 0 : i32
      %dma_start3A_23 = arith.constant 0 : i32
      %dma_start3A_24 = tpu.memref_slice %arg5[%run_scoped3A, %dma_start3A_22, %dma_start3A_23] : memref<2x80x128xf32, #tpu.memory_space<hbm>> -> memref<1x80x128xf32, #tpu.memory_space<hbm>>
      %dma_start3A_25 = tpu.memref_squeeze %dma_start3A_24 : memref<1x80x128xf32, #tpu.memory_space<hbm>> -> memref<80x128xf32, #tpu.memory_space<hbm>>
      %dma_start3A_26 = arith.constant 0 : i32
      %dma_start3A_27 = arith.constant 0 : i32
      %dma_start3A_28 = tpu.memref_slice %arg5[%run_scoped3A, %dma_start3A_26, %dma_start3A_27] : memref<2x80x128xf32, #tpu.memory_space<hbm>> -> memref<1x80x128xf32, #tpu.memory_space<hbm>>
      %dma_start3A_29 = tpu.memref_squeeze %dma_start3A_28 : memref<1x80x128xf32, #tpu.memory_space<hbm>> -> memref<80x128xf32, #tpu.memory_space<hbm>>
      tpu.enqueue_dma source(%dma_start3A_29 : memref<80x128xf32, #tpu.memory_space<hbm>>) target(%arg9 : memref<80x128xf32, #tpu.memory_space<vmem>>) target_semaphore(%run_scoped3A_21 : memref<!tpu.dma_semaphore, #tpu.memory_space<semaphore_mem>>)
      %dma_wait3A = arith.constant 0 : i32
      %dma_wait3A_30 = arith.constant 0 : i32
      %dma_wait3A_31 = tpu.memref_slice %arg5[%run_scoped3A, %dma_wait3A, %dma_wait3A_30] : memref<2x80x128xf32, #tpu.memory_space<hbm>> -> memref<1x80x128xf32, #tpu.memory_space<hbm>>
      %dma_wait3A_32 = tpu.memref_squeeze %dma_wait3A_31 : memref<1x80x128xf32, #tpu.memory_space<hbm>> -> memref<80x128xf32, #tpu.memory_space<hbm>>
      %dma_wait3A_33 = arith.constant 0 : i32
      %dma_wait3A_34 = arith.constant 0 : i32
      %dma_wait3A_35 = tpu.memref_slice %arg5[%run_scoped3A, %dma_wait3A_33, %dma_wait3A_34] : memref<2x80x128xf32, #tpu.memory_space<hbm>> -> memref<1x80x128xf32, #tpu.memory_space<hbm>>
      %dma_wait3A_36 = tpu.memref_squeeze %dma_wait3A_35 : memref<1x80x128xf32, #tpu.memory_space<hbm>> -> memref<80x128xf32, #tpu.memory_space<hbm>>
      tpu.wait_dma2 semaphore(%run_scoped3A_21 : memref<!tpu.dma_semaphore, #tpu.memory_space<semaphore_mem>>) src(%dma_wait3A_36 : memref<80x128xf32, #tpu.memory_space<hbm>>) dst(%arg9 : memref<80x128xf32, #tpu.memory_space<vmem>>)
      tpu.yield
    }) : () -> ()
    %scan3A = arith.constant 0 : i32
    %scan3A_3 = arith.constant 0 : i32
    %scan3A_4 = arith.constant 8 : i32
    %scan3A_5 = arith.addi %scan3A_3, %scan3A_4 : i32
    %scan3A_6 = arith.constant 1 : i32
    scf.for %scan3A_21 = %scan3A_3 to %scan3A_5 step %scan3A_6  : i32 {
      %mul3A_22 = arith.constant 80 : i32
      %mul3A_23 = arith.muli %scan3A_21, %mul3A_22 : i32
      %add3A_24 = arith.addi %mul3A_2, %mul3A_23 : i32
      "tpu.region"() ({
        %run_scoped3A_25 = tpu.sem_alloc : memref<!tpu.dma_semaphore, #tpu.memory_space<semaphore_mem>>
        %dma_start3A_26 = arith.constant 0 : i32
        %dma_start3A_27 = tpu.memref_slice %arg11[%add3A_24, %dma_start3A_26] : memref<10240x128xf32, #tpu.memory_space<vmem_shared>> -> memref<80x128xf32, #tpu.memory_space<vmem_shared>>
        %dma_start3A_28 = arith.constant 0 : i32
        %dma_start3A_29 = tpu.memref_slice %arg11[%add3A_24, %dma_start3A_28] : memref<10240x128xf32, #tpu.memory_space<vmem_shared>> -> memref<80x128xf32, #tpu.memory_space<vmem_shared>>
        tpu.enqueue_dma source(%arg9 : memref<80x128xf32, #tpu.memory_space<vmem>>) target(%dma_start3A_29 : memref<80x128xf32, #tpu.memory_space<vmem_shared>>) target_semaphore(%run_scoped3A_25 : memref<!tpu.dma_semaphore, #tpu.memory_space<semaphore_mem>>)
        %dma_wait3A = arith.constant 0 : i32
        %dma_wait3A_30 = tpu.memref_slice %arg11[%add3A_24, %dma_wait3A] : memref<10240x128xf32, #tpu.memory_space<vmem_shared>> -> memref<80x128xf32, #tpu.memory_space<vmem_shared>>
        %dma_wait3A_31 = arith.constant 0 : i32
        %dma_wait3A_32 = tpu.memref_slice %arg11[%add3A_24, %dma_wait3A_31] : memref<10240x128xf32, #tpu.memory_space<vmem_shared>> -> memref<80x128xf32, #tpu.memory_space<vmem_shared>>
        tpu.wait_dma2 semaphore(%run_scoped3A_25 : memref<!tpu.dma_semaphore, #tpu.memory_space<semaphore_mem>>) src(%arg9 : memref<80x128xf32, #tpu.memory_space<vmem>>) dst(%dma_wait3A_32 : memref<80x128xf32, #tpu.memory_space<vmem_shared>>)
        tpu.yield
      }) : () -> ()
    }
    %scan3A_7 = arith.constant 8 : i32
    "tpu.region"() ({
      %run_scoped3A_21 = tpu.sem_alloc : memref<!tpu.dma_semaphore, #tpu.memory_space<semaphore_mem>>
      %dma_start3A_22 = arith.constant 0 : i32
      %dma_start3A_23 = arith.constant 0 : i32
      %dma_start3A_24 = tpu.memref_slice %arg3[%add3A, %dma_start3A_22, %dma_start3A_23] : memref<32x125x80xi32, #tpu.memory_space<hbm>> -> memref<1x125x80xi32, #tpu.memory_space<hbm>>
      %dma_start3A_25 = tpu.memref_squeeze %dma_start3A_24 : memref<1x125x80xi32, #tpu.memory_space<hbm>> -> memref<125x80xi32, #tpu.memory_space<hbm>>
      %dma_start3A_26 = arith.constant 0 : i32
      %dma_start3A_27 = arith.constant 0 : i32
      %dma_start3A_28 = tpu.memref_slice %arg3[%add3A, %dma_start3A_26, %dma_start3A_27] : memref<32x125x80xi32, #tpu.memory_space<hbm>> -> memref<1x125x80xi32, #tpu.memory_space<hbm>>
      %dma_start3A_29 = tpu.memref_squeeze %dma_start3A_28 : memref<1x125x80xi32, #tpu.memory_space<hbm>> -> memref<125x80xi32, #tpu.memory_space<hbm>>
      tpu.enqueue_dma source(%dma_start3A_29 : memref<125x80xi32, #tpu.memory_space<hbm>>) target(%arg7 : memref<125x80xi32, #tpu.memory_space<vmem>>) target_semaphore(%run_scoped3A_21 : memref<!tpu.dma_semaphore, #tpu.memory_space<semaphore_mem>>)
      %dma_wait3A = arith.constant 0 : i32
      %dma_wait3A_30 = arith.constant 0 : i32
      %dma_wait3A_31 = tpu.memref_slice %arg3[%add3A, %dma_wait3A, %dma_wait3A_30] : memref<32x125x80xi32, #tpu.memory_space<hbm>> -> memref<1x125x80xi32, #tpu.memory_space<hbm>>
      %dma_wait3A_32 = tpu.memref_squeeze %dma_wait3A_31 : memref<1x125x80xi32, #tpu.memory_space<hbm>> -> memref<125x80xi32, #tpu.memory_space<hbm>>
      %dma_wait3A_33 = arith.constant 0 : i32
      %dma_wait3A_34 = arith.constant 0 : i32
      %dma_wait3A_35 = tpu.memref_slice %arg3[%add3A, %dma_wait3A_33, %dma_wait3A_34] : memref<32x125x80xi32, #tpu.memory_space<hbm>> -> memref<1x125x80xi32, #tpu.memory_space<hbm>>
      %dma_wait3A_36 = tpu.memref_squeeze %dma_wait3A_35 : memref<1x125x80xi32, #tpu.memory_space<hbm>> -> memref<125x80xi32, #tpu.memory_space<hbm>>
      tpu.wait_dma2 semaphore(%run_scoped3A_21 : memref<!tpu.dma_semaphore, #tpu.memory_space<semaphore_mem>>) src(%dma_wait3A_36 : memref<125x80xi32, #tpu.memory_space<hbm>>) dst(%arg7 : memref<125x80xi32, #tpu.memory_space<vmem>>)
      tpu.yield
    }) : () -> ()
    "tpu.region"() ({
      %run_scoped3A_21 = tpu.sem_alloc : memref<!tpu.dma_semaphore, #tpu.memory_space<semaphore_mem>>
      %dma_start3A_22 = arith.constant 0 : i32
      %dma_start3A_23 = arith.constant 0 : i32
      %dma_start3A_24 = tpu.memref_slice %arg4[%add3A, %dma_start3A_22, %dma_start3A_23] : memref<32x125x80xi32, #tpu.memory_space<hbm>> -> memref<1x125x80xi32, #tpu.memory_space<hbm>>
      %dma_start3A_25 = tpu.memref_squeeze %dma_start3A_24 : memref<1x125x80xi32, #tpu.memory_space<hbm>> -> memref<125x80xi32, #tpu.memory_space<hbm>>
      %dma_start3A_26 = arith.constant 0 : i32
      %dma_start3A_27 = arith.constant 0 : i32
      %dma_start3A_28 = tpu.memref_slice %arg4[%add3A, %dma_start3A_26, %dma_start3A_27] : memref<32x125x80xi32, #tpu.memory_space<hbm>> -> memref<1x125x80xi32, #tpu.memory_space<hbm>>
      %dma_start3A_29 = tpu.memref_squeeze %dma_start3A_28 : memref<1x125x80xi32, #tpu.memory_space<hbm>> -> memref<125x80xi32, #tpu.memory_space<hbm>>
      tpu.enqueue_dma source(%dma_start3A_29 : memref<125x80xi32, #tpu.memory_space<hbm>>) target(%arg8 : memref<125x80xi32, #tpu.memory_space<vmem>>) target_semaphore(%run_scoped3A_21 : memref<!tpu.dma_semaphore, #tpu.memory_space<semaphore_mem>>)
      %dma_wait3A = arith.constant 0 : i32
      %dma_wait3A_30 = arith.constant 0 : i32
      %dma_wait3A_31 = tpu.memref_slice %arg4[%add3A, %dma_wait3A, %dma_wait3A_30] : memref<32x125x80xi32, #tpu.memory_space<hbm>> -> memref<1x125x80xi32, #tpu.memory_space<hbm>>
      %dma_wait3A_32 = tpu.memref_squeeze %dma_wait3A_31 : memref<1x125x80xi32, #tpu.memory_space<hbm>> -> memref<125x80xi32, #tpu.memory_space<hbm>>
      %dma_wait3A_33 = arith.constant 0 : i32
      %dma_wait3A_34 = arith.constant 0 : i32
      %dma_wait3A_35 = tpu.memref_slice %arg4[%add3A, %dma_wait3A_33, %dma_wait3A_34] : memref<32x125x80xi32, #tpu.memory_space<hbm>> -> memref<1x125x80xi32, #tpu.memory_space<hbm>>
      %dma_wait3A_36 = tpu.memref_squeeze %dma_wait3A_35 : memref<1x125x80xi32, #tpu.memory_space<hbm>> -> memref<125x80xi32, #tpu.memory_space<hbm>>
      tpu.wait_dma2 semaphore(%run_scoped3A_21 : memref<!tpu.dma_semaphore, #tpu.memory_space<semaphore_mem>>) src(%dma_wait3A_36 : memref<125x80xi32, #tpu.memory_space<hbm>>) dst(%arg8 : memref<125x80xi32, #tpu.memory_space<vmem>>)
      tpu.yield
    }) : () -> ()
    %barrier3A = arith.constant 0 : index
    tpu.barrier barrier_id(%barrier3A)
    %dma_start3A = arith.constant 0 : i32
    %dma_start3A_8 = arith.constant 0 : i32
    %dma_start3A_9 = tpu.memref_slice %arg7[%dma_start3A, %dma_start3A_8] : memref<125x80xi32, #tpu.memory_space<vmem>> -> memref<1x80xi32, #tpu.memory_space<vmem>>
    %dma_start3A_10 = tpu.memref_squeeze %dma_start3A_9 : memref<1x80xi32, #tpu.memory_space<vmem>> -> memref<80xi32, #tpu.memory_space<vmem>>
    %dma_start3A_11 = arith.constant 0 : i32
    %dma_start3A_12 = arith.constant 0 : i32
    %dma_start3A_13 = tpu.memref_slice %arg2[%dma_start3A_11, %dma_start3A_12] : memref<10000x128xf32, #tpu.memory_space<hbm>> -> memref<10000x128xf32, #tpu.memory_space<hbm>>
    tpu.enqueue_indirect_dma source(%dma_start3A_13 : memref<10000x128xf32, #tpu.memory_space<hbm>>) target(%arg9 : memref<80x128xf32, #tpu.memory_space<vmem>>) offsets(%dma_start3A_10 : memref<80xi32, #tpu.memory_space<vmem>>) semaphore(%arg13 : memref<!tpu.dma_semaphore, #tpu.memory_space<semaphore_mem>>)
    %scan3A_14 = arith.constant 0 : i32
    %scan3A_15 = arith.constant 0 : i32
    %scan3A_16 = arith.constant 125 : i32
    %scan3A_17 = arith.addi %scan3A_15, %scan3A_16 : i32
    %scan3A_18 = arith.constant 1 : i32
    scf.for %scan3A_21 = %scan3A_15 to %scan3A_17 step %scan3A_18  : i32 {
      %jit3A = arith.constant 2 : i32
      %eq3A = arith.constant 0 : i32
      %eq3A_22 = arith.cmpi eq, %jit3A, %eq3A : i32
      %jit3A_23 = arith.constant 1 : i32
      %select_n3A = arith.select %eq3A_22, %jit3A_23, %jit3A : i32
      %rem3A = arith.remsi %scan3A_21, %select_n3A : i32
      %ne3A = arith.constant 0 : i32
      %ne3A_24 = arith.cmpi ne, %rem3A, %ne3A : i32
      %lt3A = arith.constant 0 : i32
      %lt3A_25 = arith.cmpi slt, %rem3A, %lt3A : i32
      %lt3A_26 = arith.constant 0 : i32
      %lt3A_27 = arith.cmpi slt, %select_n3A, %lt3A_26 : i32
      %ne3A_28 = arith.xori %lt3A_25, %lt3A_27 : i1
      %and3A = arith.andi %ne3A_28, %ne3A_24 : i1
      %add3A_29 = arith.addi %rem3A, %select_n3A : i32
      %select_n3A_30 = arith.select %and3A, %add3A_29, %rem3A : i32
      %eq3A_31 = arith.constant 0 : i32
      %eq3A_32 = arith.cmpi eq, %select_n3A_30, %eq3A_31 : i32
      %convert_element_type3A = arith.extui %eq3A_32 : i1 to i32
      %cond3A = arith.constant 0 : i32
      %cond3A_33 = arith.cmpi ne, %convert_element_type3A, %cond3A : i32
      scf.if %cond3A_33 {
        %dma_wait3A = arith.constant 0 : i32
        %dma_wait3A_55 = arith.constant 0 : i32
        %dma_wait3A_56 = tpu.memref_slice %arg2[%dma_wait3A, %dma_wait3A_55] : memref<10000x128xf32, #tpu.memory_space<hbm>> -> memref<80x128xf32, #tpu.memory_space<hbm>>
        %dma_wait3A_57 = arith.constant 0 : i32
        %dma_wait3A_58 = arith.constant 0 : i32
        %dma_wait3A_59 = tpu.memref_slice %arg2[%dma_wait3A_57, %dma_wait3A_58] : memref<10000x128xf32, #tpu.memory_space<hbm>> -> memref<80x128xf32, #tpu.memory_space<hbm>>
        tpu.wait_dma2 semaphore(%arg13 : memref<!tpu.dma_semaphore, #tpu.memory_space<semaphore_mem>>) src(%dma_wait3A_59 : memref<80x128xf32, #tpu.memory_space<hbm>>) dst(%arg9 : memref<80x128xf32, #tpu.memory_space<vmem>>)
        %add3A_60 = arith.constant 1 : i32
        %add3A_61 = arith.addi %scan3A_21, %add3A_60 : i32
        %lt3A_62 = arith.constant 125 : i32
        %lt3A_63 = arith.cmpi slt, %add3A_61, %lt3A_62 : i32
        %convert_element_type3A_64 = arith.extui %lt3A_63 : i1 to i32
        %cond3A_65 = arith.constant 0 : i32
        %cond3A_66 = arith.cmpi ne, %convert_element_type3A_64, %cond3A_65 : i32
        scf.if %cond3A_66 {
          %add3A_67 = arith.constant 1 : i32
          %add3A_68 = arith.addi %scan3A_21, %add3A_67 : i32
          %dma_start3A_69 = arith.constant 0 : i32
          %dma_start3A_70 = tpu.memref_slice %arg7[%add3A_68, %dma_start3A_69] : memref<125x80xi32, #tpu.memory_space<vmem>> -> memref<1x80xi32, #tpu.memory_space<vmem>>
          %dma_start3A_71 = tpu.memref_squeeze %dma_start3A_70 : memref<1x80xi32, #tpu.memory_space<vmem>> -> memref<80xi32, #tpu.memory_space<vmem>>
          %dma_start3A_72 = arith.constant 0 : i32
          %dma_start3A_73 = arith.constant 0 : i32
          %dma_start3A_74 = tpu.memref_slice %arg2[%dma_start3A_72, %dma_start3A_73] : memref<10000x128xf32, #tpu.memory_space<hbm>> -> memref<10000x128xf32, #tpu.memory_space<hbm>>
          tpu.enqueue_indirect_dma source(%dma_start3A_74 : memref<10000x128xf32, #tpu.memory_space<hbm>>) target(%arg10 : memref<80x128xf32, #tpu.memory_space<vmem>>) offsets(%dma_start3A_71 : memref<80xi32, #tpu.memory_space<vmem>>) semaphore(%arg14 : memref<!tpu.dma_semaphore, #tpu.memory_space<semaphore_mem>>)
        } else {
        }
        "tpu.region"() ({
          %run_scoped3A_67 = tpu.sem_alloc : memref<!tpu.dma_semaphore, #tpu.memory_space<semaphore_mem>>
          %dma_start3A_68 = arith.constant 0 : i32
          %dma_start3A_69 = tpu.memref_slice %arg8[%scan3A_21, %dma_start3A_68] : memref<125x80xi32, #tpu.memory_space<vmem>> -> memref<1x80xi32, #tpu.memory_space<vmem>>
          %dma_start3A_70 = tpu.memref_squeeze %dma_start3A_69 : memref<1x80xi32, #tpu.memory_space<vmem>> -> memref<80xi32, #tpu.memory_space<vmem>>
          %dma_start3A_71 = arith.constant 0 : i32
          %dma_start3A_72 = arith.constant 0 : i32
          %dma_start3A_73 = tpu.memref_slice %arg11[%dma_start3A_71, %dma_start3A_72] : memref<10240x128xf32, #tpu.memory_space<vmem_shared>> -> memref<10240x128xf32, #tpu.memory_space<vmem_shared>>
          tpu.enqueue_indirect_dma source(%arg9 : memref<80x128xf32, #tpu.memory_space<vmem>>) target(%dma_start3A_73 : memref<10240x128xf32, #tpu.memory_space<vmem_shared>>) offsets(%dma_start3A_70 : memref<80xi32, #tpu.memory_space<vmem>>) semaphore(%run_scoped3A_67 : memref<!tpu.dma_semaphore, #tpu.memory_space<semaphore_mem>>) {add = true}
          %dma_wait3A_74 = arith.constant 0 : i32
          %dma_wait3A_75 = tpu.memref_slice %arg8[%scan3A_21, %dma_wait3A_74] : memref<125x80xi32, #tpu.memory_space<vmem>> -> memref<1x80xi32, #tpu.memory_space<vmem>>
          %dma_wait3A_76 = tpu.memref_squeeze %dma_wait3A_75 : memref<1x80xi32, #tpu.memory_space<vmem>> -> memref<80xi32, #tpu.memory_space<vmem>>
          %dma_wait3A_77 = arith.constant 0 : i32
          %dma_wait3A_78 = arith.constant 0 : i32
          %dma_wait3A_79 = tpu.memref_slice %arg11[%dma_wait3A_77, %dma_wait3A_78] : memref<10240x128xf32, #tpu.memory_space<vmem_shared>> -> memref<10240x128xf32, #tpu.memory_space<vmem_shared>>
          tpu.wait_indirect_dma semaphore(%run_scoped3A_67 : memref<!tpu.dma_semaphore, #tpu.memory_space<semaphore_mem>>) src(%arg9 : memref<80x128xf32, #tpu.memory_space<vmem>>) dst(%dma_wait3A_79 : memref<10240x128xf32, #tpu.memory_space<vmem_shared>>)
          tpu.yield
        }) : () -> ()
      } else {
      }
      %jit3A_34 = arith.constant 2 : i32
      %eq3A_35 = arith.constant 0 : i32
      %eq3A_36 = arith.cmpi eq, %jit3A_34, %eq3A_35 : i32
      %jit3A_37 = arith.constant 1 : i32
      %select_n3A_38 = arith.select %eq3A_36, %jit3A_37, %jit3A_34 : i32
      %rem3A_39 = arith.remsi %scan3A_21, %select_n3A_38 : i32
      %ne3A_40 = arith.constant 0 : i32
      %ne3A_41 = arith.cmpi ne, %rem3A_39, %ne3A_40 : i32
      %lt3A_42 = arith.constant 0 : i32
      %lt3A_43 = arith.cmpi slt, %rem3A_39, %lt3A_42 : i32
      %lt3A_44 = arith.constant 0 : i32
      %lt3A_45 = arith.cmpi slt, %select_n3A_38, %lt3A_44 : i32
      %ne3A_46 = arith.xori %lt3A_43, %lt3A_45 : i1
      %and3A_47 = arith.andi %ne3A_46, %ne3A_41 : i1
      %add3A_48 = arith.addi %rem3A_39, %select_n3A_38 : i32
      %select_n3A_49 = arith.select %and3A_47, %add3A_48, %rem3A_39 : i32
      %eq3A_50 = arith.constant 1 : i32
      %eq3A_51 = arith.cmpi eq, %select_n3A_49, %eq3A_50 : i32
      %convert_element_type3A_52 = arith.extui %eq3A_51 : i1 to i32
      %cond3A_53 = arith.constant 0 : i32
      %cond3A_54 = arith.cmpi ne, %convert_element_type3A_52, %cond3A_53 : i32
      scf.if %cond3A_54 {
        %dma_wait3A = arith.constant 0 : i32
        %dma_wait3A_55 = arith.constant 0 : i32
        %dma_wait3A_56 = tpu.memref_slice %arg2[%dma_wait3A, %dma_wait3A_55] : memref<10000x128xf32, #tpu.memory_space<hbm>> -> memref<80x128xf32, #tpu.memory_space<hbm>>
        %dma_wait3A_57 = arith.constant 0 : i32
        %dma_wait3A_58 = arith.constant 0 : i32
        %dma_wait3A_59 = tpu.memref_slice %arg2[%dma_wait3A_57, %dma_wait3A_58] : memref<10000x128xf32, #tpu.memory_space<hbm>> -> memref<80x128xf32, #tpu.memory_space<hbm>>
        tpu.wait_dma2 semaphore(%arg14 : memref<!tpu.dma_semaphore, #tpu.memory_space<semaphore_mem>>) src(%dma_wait3A_59 : memref<80x128xf32, #tpu.memory_space<hbm>>) dst(%arg10 : memref<80x128xf32, #tpu.memory_space<vmem>>)
        %add3A_60 = arith.constant 1 : i32
        %add3A_61 = arith.addi %scan3A_21, %add3A_60 : i32
        %lt3A_62 = arith.constant 125 : i32
        %lt3A_63 = arith.cmpi slt, %add3A_61, %lt3A_62 : i32
        %convert_element_type3A_64 = arith.extui %lt3A_63 : i1 to i32
        %cond3A_65 = arith.constant 0 : i32
        %cond3A_66 = arith.cmpi ne, %convert_element_type3A_64, %cond3A_65 : i32
        scf.if %cond3A_66 {
          %add3A_67 = arith.constant 1 : i32
          %add3A_68 = arith.addi %scan3A_21, %add3A_67 : i32
          %dma_start3A_69 = arith.constant 0 : i32
          %dma_start3A_70 = tpu.memref_slice %arg7[%add3A_68, %dma_start3A_69] : memref<125x80xi32, #tpu.memory_space<vmem>> -> memref<1x80xi32, #tpu.memory_space<vmem>>
          %dma_start3A_71 = tpu.memref_squeeze %dma_start3A_70 : memref<1x80xi32, #tpu.memory_space<vmem>> -> memref<80xi32, #tpu.memory_space<vmem>>
          %dma_start3A_72 = arith.constant 0 : i32
          %dma_start3A_73 = arith.constant 0 : i32
          %dma_start3A_74 = tpu.memref_slice %arg2[%dma_start3A_72, %dma_start3A_73] : memref<10000x128xf32, #tpu.memory_space<hbm>> -> memref<10000x128xf32, #tpu.memory_space<hbm>>
          tpu.enqueue_indirect_dma source(%dma_start3A_74 : memref<10000x128xf32, #tpu.memory_space<hbm>>) target(%arg9 : memref<80x128xf32, #tpu.memory_space<vmem>>) offsets(%dma_start3A_71 : memref<80xi32, #tpu.memory_space<vmem>>) semaphore(%arg13 : memref<!tpu.dma_semaphore, #tpu.memory_space<semaphore_mem>>)
        } else {
        }
        "tpu.region"() ({
          %run_scoped3A_67 = tpu.sem_alloc : memref<!tpu.dma_semaphore, #tpu.memory_space<semaphore_mem>>
          %dma_start3A_68 = arith.constant 0 : i32
          %dma_start3A_69 = tpu.memref_slice %arg8[%scan3A_21, %dma_start3A_68] : memref<125x80xi32, #tpu.memory_space<vmem>> -> memref<1x80xi32, #tpu.memory_space<vmem>>
          %dma_start3A_70 = tpu.memref_squeeze %dma_start3A_69 : memref<1x80xi32, #tpu.memory_space<vmem>> -> memref<80xi32, #tpu.memory_space<vmem>>
          %dma_start3A_71 = arith.constant 0 : i32
          %dma_start3A_72 = arith.constant 0 : i32
          %dma_start3A_73 = tpu.memref_slice %arg11[%dma_start3A_71, %dma_start3A_72] : memref<10240x128xf32, #tpu.memory_space<vmem_shared>> -> memref<10240x128xf32, #tpu.memory_space<vmem_shared>>
          tpu.enqueue_indirect_dma source(%arg10 : memref<80x128xf32, #tpu.memory_space<vmem>>) target(%dma_start3A_73 : memref<10240x128xf32, #tpu.memory_space<vmem_shared>>) offsets(%dma_start3A_70 : memref<80xi32, #tpu.memory_space<vmem>>) semaphore(%run_scoped3A_67 : memref<!tpu.dma_semaphore, #tpu.memory_space<semaphore_mem>>) {add = true}
          %dma_wait3A_74 = arith.constant 0 : i32
          %dma_wait3A_75 = tpu.memref_slice %arg8[%scan3A_21, %dma_wait3A_74] : memref<125x80xi32, #tpu.memory_space<vmem>> -> memref<1x80xi32, #tpu.memory_space<vmem>>
          %dma_wait3A_76 = tpu.memref_squeeze %dma_wait3A_75 : memref<1x80xi32, #tpu.memory_space<vmem>> -> memref<80xi32, #tpu.memory_space<vmem>>
          %dma_wait3A_77 = arith.constant 0 : i32
          %dma_wait3A_78 = arith.constant 0 : i32
          %dma_wait3A_79 = tpu.memref_slice %arg11[%dma_wait3A_77, %dma_wait3A_78] : memref<10240x128xf32, #tpu.memory_space<vmem_shared>> -> memref<10240x128xf32, #tpu.memory_space<vmem_shared>>
          tpu.wait_indirect_dma semaphore(%run_scoped3A_67 : memref<!tpu.dma_semaphore, #tpu.memory_space<semaphore_mem>>) src(%arg10 : memref<80x128xf32, #tpu.memory_space<vmem>>) dst(%dma_wait3A_79 : memref<10240x128xf32, #tpu.memory_space<vmem_shared>>)
          tpu.yield
        }) : () -> ()
      } else {
      }
    }
    %scan3A_19 = arith.constant 125 : i32
    %barrier3A_20 = arith.constant 0 : index
    tpu.barrier barrier_id(%barrier3A_20)
    "tpu.region"() ({
      %run_scoped3A_21 = tpu.sem_alloc : memref<!tpu.dma_semaphore, #tpu.memory_space<semaphore_mem>>
      %dma_start3A_22 = arith.constant 0 : i32
      %dma_start3A_23 = tpu.memref_slice %arg6[%arg0, %mul3A_2, %dma_start3A_22] : memref<2x10240x128xf32, #tpu.memory_space<hbm>> -> memref<1x640x128xf32, #tpu.memory_space<hbm>>
      %dma_start3A_24 = tpu.memref_squeeze %dma_start3A_23 : memref<1x640x128xf32, #tpu.memory_space<hbm>> -> memref<640x128xf32, #tpu.memory_space<hbm>>
      %dma_start3A_25 = arith.constant 0 : i32
      %dma_start3A_26 = tpu.memref_slice %arg11[%mul3A_2, %dma_start3A_25] : memref<10240x128xf32, #tpu.memory_space<vmem_shared>> -> memref<640x128xf32, #tpu.memory_space<vmem_shared>>
      tpu.enqueue_dma source(%dma_start3A_26 : memref<640x128xf32, #tpu.memory_space<vmem_shared>>) target(%dma_start3A_24 : memref<640x128xf32, #tpu.memory_space<hbm>>) target_semaphore(%run_scoped3A_21 : memref<!tpu.dma_semaphore, #tpu.memory_space<semaphore_mem>>)
      %dma_wait3A = arith.constant 0 : i32
      %dma_wait3A_27 = tpu.memref_slice %arg6[%arg0, %mul3A_2, %dma_wait3A] : memref<2x10240x128xf32, #tpu.memory_space<hbm>> -> memref<1x640x128xf32, #tpu.memory_space<hbm>>
      %dma_wait3A_28 = tpu.memref_squeeze %dma_wait3A_27 : memref<1x640x128xf32, #tpu.memory_space<hbm>> -> memref<640x128xf32, #tpu.memory_space<hbm>>
      %dma_wait3A_29 = arith.constant 0 : i32
      %dma_wait3A_30 = tpu.memref_slice %arg11[%mul3A_2, %dma_wait3A_29] : memref<10240x128xf32, #tpu.memory_space<vmem_shared>> -> memref<640x128xf32, #tpu.memory_space<vmem_shared>>
      tpu.wait_dma2 semaphore(%run_scoped3A_21 : memref<!tpu.dma_semaphore, #tpu.memory_space<semaphore_mem>>) src(%dma_wait3A_30 : memref<640x128xf32, #tpu.memory_space<vmem_shared>>) dst(%dma_wait3A_28 : memref<640x128xf32, #tpu.memory_space<hbm>>)
      tpu.yield
    }) : () -> ()
    return
  }
}

#map = affine_map<(d0, d1) -> (0, 0)>
#map1 = affine_map<(d0, d1) -> (0, 0, 0)>
module attributes {stable_mosaic.version = 14 : i64} {
  func.func @k(%arg0: i32, %arg1: i32, %arg2: memref<10000x128xf32, #tpu.memory_space<hbm>>, %arg3: memref<32x16x80xi32, #tpu.memory_space<hbm>>, %arg4: memref<32x16x80xi32, #tpu.memory_space<hbm>>, %arg5: memref<2x80x128xf32, #tpu.memory_space<hbm>>, %arg6: memref<2x10240x128xf32, #tpu.memory_space<hbm>>, %arg7: memref<16x80xi32, #tpu.memory_space<vmem>>, %arg8: memref<16x80xi32, #tpu.memory_space<vmem>>, %arg9: memref<80x128xf32, #tpu.memory_space<vmem>>, %arg10: memref<80x128xf32, #tpu.memory_space<vmem>>, %arg11: memref<10240x128xf32, #tpu.memory_space<vmem_shared>>, %arg12: memref<8x128xf32, #tpu.memory_space<vmem_shared>>, %arg13: memref<!tpu.dma_semaphore, #tpu.memory_space<semaphore_mem>>, %arg14: memref<!tpu.dma_semaphore, #tpu.memory_space<semaphore_mem>>) attributes {dimension_semantics = [#tpu.dimension_semantics<core_parallel>, #tpu.dimension_semantics<subcore_parallel>], iteration_bounds = array<i64: 2, 16>, scalar_prefetch = 0 : i64, scratch_operands = 8 : i64, tpu.core_type = #tpu.core_type<sc_vector_subcore>, window_params = [{transform_indices = #map}, {transform_indices = #map1}, {transform_indices = #map1}, {transform_indices = #map1}, {transform_indices = #map1}]} {
    %mul3A = arith.constant 16 : i32
    %mul3A_0 = arith.muli %arg0, %mul3A : i32
    %add3A = arith.addi %mul3A_0, %arg1 : i32
    %mul3A_1 = arith.constant 640 : i32
    %mul3A_2 = arith.muli %arg1, %mul3A_1 : i32
    %run_scoped3A = arith.constant 0 : i32
    "tpu.region"() ({
      %run_scoped3A_21 = tpu.sem_alloc : memref<!tpu.dma_semaphore, #tpu.memory_space<semaphore_mem>>
      %dma_start3A_22 = arith.constant 0 : i32
      %dma_start3A_23 = arith.constant 0 : i32
      %dma_start3A_24 = tpu.memref_slice %arg5[%run_scoped3A, %dma_start3A_22, %dma_start3A_23] : memref<2x80x128xf32, #tpu.memory_space<hbm>> -> memref<1x80x128xf32, #tpu.memory_space<hbm>>
      %dma_start3A_25 = tpu.memref_squeeze %dma_start3A_24 : memref<1x80x128xf32, #tpu.memory_space<hbm>> -> memref<80x128xf32, #tpu.memory_space<hbm>>
      %dma_start3A_26 = arith.constant 0 : i32
      %dma_start3A_27 = arith.constant 0 : i32
      %dma_start3A_28 = tpu.memref_slice %arg5[%run_scoped3A, %dma_start3A_26, %dma_start3A_27] : memref<2x80x128xf32, #tpu.memory_space<hbm>> -> memref<1x80x128xf32, #tpu.memory_space<hbm>>
      %dma_start3A_29 = tpu.memref_squeeze %dma_start3A_28 : memref<1x80x128xf32, #tpu.memory_space<hbm>> -> memref<80x128xf32, #tpu.memory_space<hbm>>
      tpu.enqueue_dma source(%dma_start3A_29 : memref<80x128xf32, #tpu.memory_space<hbm>>) target(%arg9 : memref<80x128xf32, #tpu.memory_space<vmem>>) target_semaphore(%run_scoped3A_21 : memref<!tpu.dma_semaphore, #tpu.memory_space<semaphore_mem>>)
      %dma_wait3A = arith.constant 0 : i32
      %dma_wait3A_30 = arith.constant 0 : i32
      %dma_wait3A_31 = tpu.memref_slice %arg5[%run_scoped3A, %dma_wait3A, %dma_wait3A_30] : memref<2x80x128xf32, #tpu.memory_space<hbm>> -> memref<1x80x128xf32, #tpu.memory_space<hbm>>
      %dma_wait3A_32 = tpu.memref_squeeze %dma_wait3A_31 : memref<1x80x128xf32, #tpu.memory_space<hbm>> -> memref<80x128xf32, #tpu.memory_space<hbm>>
      %dma_wait3A_33 = arith.constant 0 : i32
      %dma_wait3A_34 = arith.constant 0 : i32
      %dma_wait3A_35 = tpu.memref_slice %arg5[%run_scoped3A, %dma_wait3A_33, %dma_wait3A_34] : memref<2x80x128xf32, #tpu.memory_space<hbm>> -> memref<1x80x128xf32, #tpu.memory_space<hbm>>
      %dma_wait3A_36 = tpu.memref_squeeze %dma_wait3A_35 : memref<1x80x128xf32, #tpu.memory_space<hbm>> -> memref<80x128xf32, #tpu.memory_space<hbm>>
      tpu.wait_dma2 semaphore(%run_scoped3A_21 : memref<!tpu.dma_semaphore, #tpu.memory_space<semaphore_mem>>) src(%dma_wait3A_36 : memref<80x128xf32, #tpu.memory_space<hbm>>) dst(%arg9 : memref<80x128xf32, #tpu.memory_space<vmem>>)
      tpu.yield
    }) : () -> ()
    %scan3A = arith.constant 0 : i32
    %scan3A_3 = arith.constant 0 : i32
    %scan3A_4 = arith.constant 8 : i32
    %scan3A_5 = arith.addi %scan3A_3, %scan3A_4 : i32
    %scan3A_6 = arith.constant 1 : i32
    scf.for %scan3A_21 = %scan3A_3 to %scan3A_5 step %scan3A_6  : i32 {
      %mul3A_22 = arith.constant 80 : i32
      %mul3A_23 = arith.muli %scan3A_21, %mul3A_22 : i32
      %add3A_24 = arith.addi %mul3A_2, %mul3A_23 : i32
      "tpu.region"() ({
        %run_scoped3A_25 = tpu.sem_alloc : memref<!tpu.dma_semaphore, #tpu.memory_space<semaphore_mem>>
        %dma_start3A_26 = arith.constant 0 : i32
        %dma_start3A_27 = tpu.memref_slice %arg11[%add3A_24, %dma_start3A_26] : memref<10240x128xf32, #tpu.memory_space<vmem_shared>> -> memref<80x128xf32, #tpu.memory_space<vmem_shared>>
        %dma_start3A_28 = arith.constant 0 : i32
        %dma_start3A_29 = tpu.memref_slice %arg11[%add3A_24, %dma_start3A_28] : memref<10240x128xf32, #tpu.memory_space<vmem_shared>> -> memref<80x128xf32, #tpu.memory_space<vmem_shared>>
        tpu.enqueue_dma source(%arg9 : memref<80x128xf32, #tpu.memory_space<vmem>>) target(%dma_start3A_29 : memref<80x128xf32, #tpu.memory_space<vmem_shared>>) target_semaphore(%run_scoped3A_25 : memref<!tpu.dma_semaphore, #tpu.memory_space<semaphore_mem>>)
        %dma_wait3A = arith.constant 0 : i32
        %dma_wait3A_30 = tpu.memref_slice %arg11[%add3A_24, %dma_wait3A] : memref<10240x128xf32, #tpu.memory_space<vmem_shared>> -> memref<80x128xf32, #tpu.memory_space<vmem_shared>>
        %dma_wait3A_31 = arith.constant 0 : i32
        %dma_wait3A_32 = tpu.memref_slice %arg11[%add3A_24, %dma_wait3A_31] : memref<10240x128xf32, #tpu.memory_space<vmem_shared>> -> memref<80x128xf32, #tpu.memory_space<vmem_shared>>
        tpu.wait_dma2 semaphore(%run_scoped3A_25 : memref<!tpu.dma_semaphore, #tpu.memory_space<semaphore_mem>>) src(%arg9 : memref<80x128xf32, #tpu.memory_space<vmem>>) dst(%dma_wait3A_32 : memref<80x128xf32, #tpu.memory_space<vmem_shared>>)
        tpu.yield
      }) : () -> ()
    }
    %scan3A_7 = arith.constant 8 : i32
    "tpu.region"() ({
      %run_scoped3A_21 = tpu.sem_alloc : memref<!tpu.dma_semaphore, #tpu.memory_space<semaphore_mem>>
      %dma_start3A_22 = arith.constant 0 : i32
      %dma_start3A_23 = arith.constant 0 : i32
      %dma_start3A_24 = tpu.memref_slice %arg3[%add3A, %dma_start3A_22, %dma_start3A_23] : memref<32x16x80xi32, #tpu.memory_space<hbm>> -> memref<1x16x80xi32, #tpu.memory_space<hbm>>
      %dma_start3A_25 = tpu.memref_squeeze %dma_start3A_24 : memref<1x16x80xi32, #tpu.memory_space<hbm>> -> memref<16x80xi32, #tpu.memory_space<hbm>>
      %dma_start3A_26 = arith.constant 0 : i32
      %dma_start3A_27 = arith.constant 0 : i32
      %dma_start3A_28 = tpu.memref_slice %arg3[%add3A, %dma_start3A_26, %dma_start3A_27] : memref<32x16x80xi32, #tpu.memory_space<hbm>> -> memref<1x16x80xi32, #tpu.memory_space<hbm>>
      %dma_start3A_29 = tpu.memref_squeeze %dma_start3A_28 : memref<1x16x80xi32, #tpu.memory_space<hbm>> -> memref<16x80xi32, #tpu.memory_space<hbm>>
      tpu.enqueue_dma source(%dma_start3A_29 : memref<16x80xi32, #tpu.memory_space<hbm>>) target(%arg7 : memref<16x80xi32, #tpu.memory_space<vmem>>) target_semaphore(%run_scoped3A_21 : memref<!tpu.dma_semaphore, #tpu.memory_space<semaphore_mem>>)
      %dma_wait3A = arith.constant 0 : i32
      %dma_wait3A_30 = arith.constant 0 : i32
      %dma_wait3A_31 = tpu.memref_slice %arg3[%add3A, %dma_wait3A, %dma_wait3A_30] : memref<32x16x80xi32, #tpu.memory_space<hbm>> -> memref<1x16x80xi32, #tpu.memory_space<hbm>>
      %dma_wait3A_32 = tpu.memref_squeeze %dma_wait3A_31 : memref<1x16x80xi32, #tpu.memory_space<hbm>> -> memref<16x80xi32, #tpu.memory_space<hbm>>
      %dma_wait3A_33 = arith.constant 0 : i32
      %dma_wait3A_34 = arith.constant 0 : i32
      %dma_wait3A_35 = tpu.memref_slice %arg3[%add3A, %dma_wait3A_33, %dma_wait3A_34] : memref<32x16x80xi32, #tpu.memory_space<hbm>> -> memref<1x16x80xi32, #tpu.memory_space<hbm>>
      %dma_wait3A_36 = tpu.memref_squeeze %dma_wait3A_35 : memref<1x16x80xi32, #tpu.memory_space<hbm>> -> memref<16x80xi32, #tpu.memory_space<hbm>>
      tpu.wait_dma2 semaphore(%run_scoped3A_21 : memref<!tpu.dma_semaphore, #tpu.memory_space<semaphore_mem>>) src(%dma_wait3A_36 : memref<16x80xi32, #tpu.memory_space<hbm>>) dst(%arg7 : memref<16x80xi32, #tpu.memory_space<vmem>>)
      tpu.yield
    }) : () -> ()
    "tpu.region"() ({
      %run_scoped3A_21 = tpu.sem_alloc : memref<!tpu.dma_semaphore, #tpu.memory_space<semaphore_mem>>
      %dma_start3A_22 = arith.constant 0 : i32
      %dma_start3A_23 = arith.constant 0 : i32
      %dma_start3A_24 = tpu.memref_slice %arg4[%add3A, %dma_start3A_22, %dma_start3A_23] : memref<32x16x80xi32, #tpu.memory_space<hbm>> -> memref<1x16x80xi32, #tpu.memory_space<hbm>>
      %dma_start3A_25 = tpu.memref_squeeze %dma_start3A_24 : memref<1x16x80xi32, #tpu.memory_space<hbm>> -> memref<16x80xi32, #tpu.memory_space<hbm>>
      %dma_start3A_26 = arith.constant 0 : i32
      %dma_start3A_27 = arith.constant 0 : i32
      %dma_start3A_28 = tpu.memref_slice %arg4[%add3A, %dma_start3A_26, %dma_start3A_27] : memref<32x16x80xi32, #tpu.memory_space<hbm>> -> memref<1x16x80xi32, #tpu.memory_space<hbm>>
      %dma_start3A_29 = tpu.memref_squeeze %dma_start3A_28 : memref<1x16x80xi32, #tpu.memory_space<hbm>> -> memref<16x80xi32, #tpu.memory_space<hbm>>
      tpu.enqueue_dma source(%dma_start3A_29 : memref<16x80xi32, #tpu.memory_space<hbm>>) target(%arg8 : memref<16x80xi32, #tpu.memory_space<vmem>>) target_semaphore(%run_scoped3A_21 : memref<!tpu.dma_semaphore, #tpu.memory_space<semaphore_mem>>)
      %dma_wait3A = arith.constant 0 : i32
      %dma_wait3A_30 = arith.constant 0 : i32
      %dma_wait3A_31 = tpu.memref_slice %arg4[%add3A, %dma_wait3A, %dma_wait3A_30] : memref<32x16x80xi32, #tpu.memory_space<hbm>> -> memref<1x16x80xi32, #tpu.memory_space<hbm>>
      %dma_wait3A_32 = tpu.memref_squeeze %dma_wait3A_31 : memref<1x16x80xi32, #tpu.memory_space<hbm>> -> memref<16x80xi32, #tpu.memory_space<hbm>>
      %dma_wait3A_33 = arith.constant 0 : i32
      %dma_wait3A_34 = arith.constant 0 : i32
      %dma_wait3A_35 = tpu.memref_slice %arg4[%add3A, %dma_wait3A_33, %dma_wait3A_34] : memref<32x16x80xi32, #tpu.memory_space<hbm>> -> memref<1x16x80xi32, #tpu.memory_space<hbm>>
      %dma_wait3A_36 = tpu.memref_squeeze %dma_wait3A_35 : memref<1x16x80xi32, #tpu.memory_space<hbm>> -> memref<16x80xi32, #tpu.memory_space<hbm>>
      tpu.wait_dma2 semaphore(%run_scoped3A_21 : memref<!tpu.dma_semaphore, #tpu.memory_space<semaphore_mem>>) src(%dma_wait3A_36 : memref<16x80xi32, #tpu.memory_space<hbm>>) dst(%arg8 : memref<16x80xi32, #tpu.memory_space<vmem>>)
      tpu.yield
    }) : () -> ()
    %barrier3A = arith.constant 0 : index
    tpu.barrier barrier_id(%barrier3A)
    %dma_start3A = arith.constant 0 : i32
    %dma_start3A_8 = arith.constant 0 : i32
    %dma_start3A_9 = tpu.memref_slice %arg7[%dma_start3A, %dma_start3A_8] : memref<16x80xi32, #tpu.memory_space<vmem>> -> memref<1x80xi32, #tpu.memory_space<vmem>>
    %dma_start3A_10 = tpu.memref_squeeze %dma_start3A_9 : memref<1x80xi32, #tpu.memory_space<vmem>> -> memref<80xi32, #tpu.memory_space<vmem>>
    %dma_start3A_11 = arith.constant 0 : i32
    %dma_start3A_12 = arith.constant 0 : i32
    %dma_start3A_13 = tpu.memref_slice %arg2[%dma_start3A_11, %dma_start3A_12] : memref<10000x128xf32, #tpu.memory_space<hbm>> -> memref<10000x128xf32, #tpu.memory_space<hbm>>
    tpu.enqueue_indirect_dma source(%dma_start3A_13 : memref<10000x128xf32, #tpu.memory_space<hbm>>) target(%arg9 : memref<80x128xf32, #tpu.memory_space<vmem>>) offsets(%dma_start3A_10 : memref<80xi32, #tpu.memory_space<vmem>>) semaphore(%arg13 : memref<!tpu.dma_semaphore, #tpu.memory_space<semaphore_mem>>)
    %scan3A_14 = arith.constant 0 : i32
    %scan3A_15 = arith.constant 0 : i32
    %scan3A_16 = arith.constant 16 : i32
    %scan3A_17 = arith.addi %scan3A_15, %scan3A_16 : i32
    %scan3A_18 = arith.constant 1 : i32
    scf.for %scan3A_21 = %scan3A_15 to %scan3A_17 step %scan3A_18  : i32 {
      %jit3A = arith.constant 2 : i32
      %eq3A = arith.constant 0 : i32
      %eq3A_22 = arith.cmpi eq, %jit3A, %eq3A : i32
      %jit3A_23 = arith.constant 1 : i32
      %select_n3A = arith.select %eq3A_22, %jit3A_23, %jit3A : i32
      %rem3A = arith.remsi %scan3A_21, %select_n3A : i32
      %ne3A = arith.constant 0 : i32
      %ne3A_24 = arith.cmpi ne, %rem3A, %ne3A : i32
      %lt3A = arith.constant 0 : i32
      %lt3A_25 = arith.cmpi slt, %rem3A, %lt3A : i32
      %lt3A_26 = arith.constant 0 : i32
      %lt3A_27 = arith.cmpi slt, %select_n3A, %lt3A_26 : i32
      %ne3A_28 = arith.xori %lt3A_25, %lt3A_27 : i1
      %and3A = arith.andi %ne3A_28, %ne3A_24 : i1
      %add3A_29 = arith.addi %rem3A, %select_n3A : i32
      %select_n3A_30 = arith.select %and3A, %add3A_29, %rem3A : i32
      %eq3A_31 = arith.constant 0 : i32
      %eq3A_32 = arith.cmpi eq, %select_n3A_30, %eq3A_31 : i32
      %convert_element_type3A = arith.extui %eq3A_32 : i1 to i32
      %cond3A = arith.constant 0 : i32
      %cond3A_33 = arith.cmpi ne, %convert_element_type3A, %cond3A : i32
      scf.if %cond3A_33 {
        %dma_wait3A = arith.constant 0 : i32
        %dma_wait3A_55 = arith.constant 0 : i32
        %dma_wait3A_56 = tpu.memref_slice %arg2[%dma_wait3A, %dma_wait3A_55] : memref<10000x128xf32, #tpu.memory_space<hbm>> -> memref<80x128xf32, #tpu.memory_space<hbm>>
        %dma_wait3A_57 = arith.constant 0 : i32
        %dma_wait3A_58 = arith.constant 0 : i32
        %dma_wait3A_59 = tpu.memref_slice %arg2[%dma_wait3A_57, %dma_wait3A_58] : memref<10000x128xf32, #tpu.memory_space<hbm>> -> memref<80x128xf32, #tpu.memory_space<hbm>>
        tpu.wait_dma2 semaphore(%arg13 : memref<!tpu.dma_semaphore, #tpu.memory_space<semaphore_mem>>) src(%dma_wait3A_59 : memref<80x128xf32, #tpu.memory_space<hbm>>) dst(%arg9 : memref<80x128xf32, #tpu.memory_space<vmem>>)
        %add3A_60 = arith.constant 1 : i32
        %add3A_61 = arith.addi %scan3A_21, %add3A_60 : i32
        %lt3A_62 = arith.constant 16 : i32
        %lt3A_63 = arith.cmpi slt, %add3A_61, %lt3A_62 : i32
        %convert_element_type3A_64 = arith.extui %lt3A_63 : i1 to i32
        %cond3A_65 = arith.constant 0 : i32
        %cond3A_66 = arith.cmpi ne, %convert_element_type3A_64, %cond3A_65 : i32
        scf.if %cond3A_66 {
          %add3A_67 = arith.constant 1 : i32
          %add3A_68 = arith.addi %scan3A_21, %add3A_67 : i32
          %dma_start3A_69 = arith.constant 0 : i32
          %dma_start3A_70 = tpu.memref_slice %arg7[%add3A_68, %dma_start3A_69] : memref<16x80xi32, #tpu.memory_space<vmem>> -> memref<1x80xi32, #tpu.memory_space<vmem>>
          %dma_start3A_71 = tpu.memref_squeeze %dma_start3A_70 : memref<1x80xi32, #tpu.memory_space<vmem>> -> memref<80xi32, #tpu.memory_space<vmem>>
          %dma_start3A_72 = arith.constant 0 : i32
          %dma_start3A_73 = arith.constant 0 : i32
          %dma_start3A_74 = tpu.memref_slice %arg2[%dma_start3A_72, %dma_start3A_73] : memref<10000x128xf32, #tpu.memory_space<hbm>> -> memref<10000x128xf32, #tpu.memory_space<hbm>>
          tpu.enqueue_indirect_dma source(%dma_start3A_74 : memref<10000x128xf32, #tpu.memory_space<hbm>>) target(%arg10 : memref<80x128xf32, #tpu.memory_space<vmem>>) offsets(%dma_start3A_71 : memref<80xi32, #tpu.memory_space<vmem>>) semaphore(%arg14 : memref<!tpu.dma_semaphore, #tpu.memory_space<semaphore_mem>>)
        } else {
        }
        "tpu.region"() ({
          %run_scoped3A_67 = tpu.sem_alloc : memref<!tpu.dma_semaphore, #tpu.memory_space<semaphore_mem>>
          %dma_start3A_68 = arith.constant 0 : i32
          %dma_start3A_69 = tpu.memref_slice %arg8[%scan3A_21, %dma_start3A_68] : memref<16x80xi32, #tpu.memory_space<vmem>> -> memref<1x80xi32, #tpu.memory_space<vmem>>
          %dma_start3A_70 = tpu.memref_squeeze %dma_start3A_69 : memref<1x80xi32, #tpu.memory_space<vmem>> -> memref<80xi32, #tpu.memory_space<vmem>>
          %dma_start3A_71 = arith.constant 0 : i32
          %dma_start3A_72 = arith.constant 0 : i32
          %dma_start3A_73 = tpu.memref_slice %arg11[%dma_start3A_71, %dma_start3A_72] : memref<10240x128xf32, #tpu.memory_space<vmem_shared>> -> memref<10240x128xf32, #tpu.memory_space<vmem_shared>>
          tpu.enqueue_indirect_dma source(%arg9 : memref<80x128xf32, #tpu.memory_space<vmem>>) target(%dma_start3A_73 : memref<10240x128xf32, #tpu.memory_space<vmem_shared>>) offsets(%dma_start3A_70 : memref<80xi32, #tpu.memory_space<vmem>>) semaphore(%run_scoped3A_67 : memref<!tpu.dma_semaphore, #tpu.memory_space<semaphore_mem>>) {add = true}
          %dma_wait3A_74 = arith.constant 0 : i32
          %dma_wait3A_75 = tpu.memref_slice %arg8[%scan3A_21, %dma_wait3A_74] : memref<16x80xi32, #tpu.memory_space<vmem>> -> memref<1x80xi32, #tpu.memory_space<vmem>>
          %dma_wait3A_76 = tpu.memref_squeeze %dma_wait3A_75 : memref<1x80xi32, #tpu.memory_space<vmem>> -> memref<80xi32, #tpu.memory_space<vmem>>
          %dma_wait3A_77 = arith.constant 0 : i32
          %dma_wait3A_78 = arith.constant 0 : i32
          %dma_wait3A_79 = tpu.memref_slice %arg11[%dma_wait3A_77, %dma_wait3A_78] : memref<10240x128xf32, #tpu.memory_space<vmem_shared>> -> memref<10240x128xf32, #tpu.memory_space<vmem_shared>>
          tpu.wait_indirect_dma semaphore(%run_scoped3A_67 : memref<!tpu.dma_semaphore, #tpu.memory_space<semaphore_mem>>) src(%arg9 : memref<80x128xf32, #tpu.memory_space<vmem>>) dst(%dma_wait3A_79 : memref<10240x128xf32, #tpu.memory_space<vmem_shared>>)
          tpu.yield
        }) : () -> ()
      } else {
      }
      %jit3A_34 = arith.constant 2 : i32
      %eq3A_35 = arith.constant 0 : i32
      %eq3A_36 = arith.cmpi eq, %jit3A_34, %eq3A_35 : i32
      %jit3A_37 = arith.constant 1 : i32
      %select_n3A_38 = arith.select %eq3A_36, %jit3A_37, %jit3A_34 : i32
      %rem3A_39 = arith.remsi %scan3A_21, %select_n3A_38 : i32
      %ne3A_40 = arith.constant 0 : i32
      %ne3A_41 = arith.cmpi ne, %rem3A_39, %ne3A_40 : i32
      %lt3A_42 = arith.constant 0 : i32
      %lt3A_43 = arith.cmpi slt, %rem3A_39, %lt3A_42 : i32
      %lt3A_44 = arith.constant 0 : i32
      %lt3A_45 = arith.cmpi slt, %select_n3A_38, %lt3A_44 : i32
      %ne3A_46 = arith.xori %lt3A_43, %lt3A_45 : i1
      %and3A_47 = arith.andi %ne3A_46, %ne3A_41 : i1
      %add3A_48 = arith.addi %rem3A_39, %select_n3A_38 : i32
      %select_n3A_49 = arith.select %and3A_47, %add3A_48, %rem3A_39 : i32
      %eq3A_50 = arith.constant 1 : i32
      %eq3A_51 = arith.cmpi eq, %select_n3A_49, %eq3A_50 : i32
      %convert_element_type3A_52 = arith.extui %eq3A_51 : i1 to i32
      %cond3A_53 = arith.constant 0 : i32
      %cond3A_54 = arith.cmpi ne, %convert_element_type3A_52, %cond3A_53 : i32
      scf.if %cond3A_54 {
        %dma_wait3A = arith.constant 0 : i32
        %dma_wait3A_55 = arith.constant 0 : i32
        %dma_wait3A_56 = tpu.memref_slice %arg2[%dma_wait3A, %dma_wait3A_55] : memref<10000x128xf32, #tpu.memory_space<hbm>> -> memref<80x128xf32, #tpu.memory_space<hbm>>
        %dma_wait3A_57 = arith.constant 0 : i32
        %dma_wait3A_58 = arith.constant 0 : i32
        %dma_wait3A_59 = tpu.memref_slice %arg2[%dma_wait3A_57, %dma_wait3A_58] : memref<10000x128xf32, #tpu.memory_space<hbm>> -> memref<80x128xf32, #tpu.memory_space<hbm>>
        tpu.wait_dma2 semaphore(%arg14 : memref<!tpu.dma_semaphore, #tpu.memory_space<semaphore_mem>>) src(%dma_wait3A_59 : memref<80x128xf32, #tpu.memory_space<hbm>>) dst(%arg10 : memref<80x128xf32, #tpu.memory_space<vmem>>)
        %add3A_60 = arith.constant 1 : i32
        %add3A_61 = arith.addi %scan3A_21, %add3A_60 : i32
        %lt3A_62 = arith.constant 16 : i32
        %lt3A_63 = arith.cmpi slt, %add3A_61, %lt3A_62 : i32
        %convert_element_type3A_64 = arith.extui %lt3A_63 : i1 to i32
        %cond3A_65 = arith.constant 0 : i32
        %cond3A_66 = arith.cmpi ne, %convert_element_type3A_64, %cond3A_65 : i32
        scf.if %cond3A_66 {
          %add3A_67 = arith.constant 1 : i32
          %add3A_68 = arith.addi %scan3A_21, %add3A_67 : i32
          %dma_start3A_69 = arith.constant 0 : i32
          %dma_start3A_70 = tpu.memref_slice %arg7[%add3A_68, %dma_start3A_69] : memref<16x80xi32, #tpu.memory_space<vmem>> -> memref<1x80xi32, #tpu.memory_space<vmem>>
          %dma_start3A_71 = tpu.memref_squeeze %dma_start3A_70 : memref<1x80xi32, #tpu.memory_space<vmem>> -> memref<80xi32, #tpu.memory_space<vmem>>
          %dma_start3A_72 = arith.constant 0 : i32
          %dma_start3A_73 = arith.constant 0 : i32
          %dma_start3A_74 = tpu.memref_slice %arg2[%dma_start3A_72, %dma_start3A_73] : memref<10000x128xf32, #tpu.memory_space<hbm>> -> memref<10000x128xf32, #tpu.memory_space<hbm>>
          tpu.enqueue_indirect_dma source(%dma_start3A_74 : memref<10000x128xf32, #tpu.memory_space<hbm>>) target(%arg9 : memref<80x128xf32, #tpu.memory_space<vmem>>) offsets(%dma_start3A_71 : memref<80xi32, #tpu.memory_space<vmem>>) semaphore(%arg13 : memref<!tpu.dma_semaphore, #tpu.memory_space<semaphore_mem>>)
        } else {
        }
        "tpu.region"() ({
          %run_scoped3A_67 = tpu.sem_alloc : memref<!tpu.dma_semaphore, #tpu.memory_space<semaphore_mem>>
          %dma_start3A_68 = arith.constant 0 : i32
          %dma_start3A_69 = tpu.memref_slice %arg8[%scan3A_21, %dma_start3A_68] : memref<16x80xi32, #tpu.memory_space<vmem>> -> memref<1x80xi32, #tpu.memory_space<vmem>>
          %dma_start3A_70 = tpu.memref_squeeze %dma_start3A_69 : memref<1x80xi32, #tpu.memory_space<vmem>> -> memref<80xi32, #tpu.memory_space<vmem>>
          %dma_start3A_71 = arith.constant 0 : i32
          %dma_start3A_72 = arith.constant 0 : i32
          %dma_start3A_73 = tpu.memref_slice %arg11[%dma_start3A_71, %dma_start3A_72] : memref<10240x128xf32, #tpu.memory_space<vmem_shared>> -> memref<10240x128xf32, #tpu.memory_space<vmem_shared>>
          tpu.enqueue_indirect_dma source(%arg10 : memref<80x128xf32, #tpu.memory_space<vmem>>) target(%dma_start3A_73 : memref<10240x128xf32, #tpu.memory_space<vmem_shared>>) offsets(%dma_start3A_70 : memref<80xi32, #tpu.memory_space<vmem>>) semaphore(%run_scoped3A_67 : memref<!tpu.dma_semaphore, #tpu.memory_space<semaphore_mem>>) {add = true}
          %dma_wait3A_74 = arith.constant 0 : i32
          %dma_wait3A_75 = tpu.memref_slice %arg8[%scan3A_21, %dma_wait3A_74] : memref<16x80xi32, #tpu.memory_space<vmem>> -> memref<1x80xi32, #tpu.memory_space<vmem>>
          %dma_wait3A_76 = tpu.memref_squeeze %dma_wait3A_75 : memref<1x80xi32, #tpu.memory_space<vmem>> -> memref<80xi32, #tpu.memory_space<vmem>>
          %dma_wait3A_77 = arith.constant 0 : i32
          %dma_wait3A_78 = arith.constant 0 : i32
          %dma_wait3A_79 = tpu.memref_slice %arg11[%dma_wait3A_77, %dma_wait3A_78] : memref<10240x128xf32, #tpu.memory_space<vmem_shared>> -> memref<10240x128xf32, #tpu.memory_space<vmem_shared>>
          tpu.wait_indirect_dma semaphore(%run_scoped3A_67 : memref<!tpu.dma_semaphore, #tpu.memory_space<semaphore_mem>>) src(%arg10 : memref<80x128xf32, #tpu.memory_space<vmem>>) dst(%dma_wait3A_79 : memref<10240x128xf32, #tpu.memory_space<vmem_shared>>)
          tpu.yield
        }) : () -> ()
      } else {
      }
    }
    %scan3A_19 = arith.constant 16 : i32
    %barrier3A_20 = arith.constant 0 : index
    tpu.barrier barrier_id(%barrier3A_20)
    "tpu.region"() ({
      %run_scoped3A_21 = tpu.sem_alloc : memref<!tpu.dma_semaphore, #tpu.memory_space<semaphore_mem>>
      %dma_start3A_22 = arith.constant 0 : i32
      %dma_start3A_23 = tpu.memref_slice %arg6[%arg0, %mul3A_2, %dma_start3A_22] : memref<2x10240x128xf32, #tpu.memory_space<hbm>> -> memref<1x640x128xf32, #tpu.memory_space<hbm>>
      %dma_start3A_24 = tpu.memref_squeeze %dma_start3A_23 : memref<1x640x128xf32, #tpu.memory_space<hbm>> -> memref<640x128xf32, #tpu.memory_space<hbm>>
      %dma_start3A_25 = arith.constant 0 : i32
      %dma_start3A_26 = tpu.memref_slice %arg11[%mul3A_2, %dma_start3A_25] : memref<10240x128xf32, #tpu.memory_space<vmem_shared>> -> memref<640x128xf32, #tpu.memory_space<vmem_shared>>
      tpu.enqueue_dma source(%dma_start3A_26 : memref<640x128xf32, #tpu.memory_space<vmem_shared>>) target(%dma_start3A_24 : memref<640x128xf32, #tpu.memory_space<hbm>>) target_semaphore(%run_scoped3A_21 : memref<!tpu.dma_semaphore, #tpu.memory_space<semaphore_mem>>)
      %dma_wait3A = arith.constant 0 : i32
      %dma_wait3A_27 = tpu.memref_slice %arg6[%arg0, %mul3A_2, %dma_wait3A] : memref<2x10240x128xf32, #tpu.memory_space<hbm>> -> memref<1x640x128xf32, #tpu.memory_space<hbm>>
      %dma_wait3A_28 = tpu.memref_squeeze %dma_wait3A_27 : memref<1x640x128xf32, #tpu.memory_space<hbm>> -> memref<640x128xf32, #tpu.memory_space<hbm>>
      %dma_wait3A_29 = arith.constant 0 : i32
      %dma_wait3A_30 = tpu.memref_slice %arg11[%mul3A_2, %dma_wait3A_29] : memref<10240x128xf32, #tpu.memory_space<vmem_shared>> -> memref<640x128xf32, #tpu.memory_space<vmem_shared>>
      tpu.wait_dma2 semaphore(%run_scoped3A_21 : memref<!tpu.dma_semaphore, #tpu.memory_space<semaphore_mem>>) src(%dma_wait3A_30 : memref<640x128xf32, #tpu.memory_space<vmem_shared>>) dst(%dma_wait3A_28 : memref<640x128xf32, #tpu.memory_space<hbm>>)
      tpu.yield
    }) : () -> ()
    return
  }
}

#map = affine_map<(d0, d1) -> (0, 0)>
#map1 = affine_map<(d0, d1) -> (0, 0, 0)>
module attributes {stable_mosaic.version = 14 : i64} {
  func.func @k(%arg0: i32, %arg1: i32, %arg2: memref<8x16xf32, #tpu.memory_space<hbm>>, %arg3: memref<32x125x80xi32, #tpu.memory_space<hbm>>, %arg4: memref<32x125x80xi32, #tpu.memory_space<hbm>>, %arg5: memref<2x80x16xf32, #tpu.memory_space<hbm>>, %arg6: memref<2x10240x16xf32, #tpu.memory_space<hbm>>, %arg7: memref<125x80xi32, #tpu.memory_space<vmem>>, %arg8: memref<125x80xi32, #tpu.memory_space<vmem>>, %arg9: memref<80x16xf32, #tpu.memory_space<vmem>>, %arg10: memref<80x16xf32, #tpu.memory_space<vmem>>, %arg11: memref<10240x16xf32, #tpu.memory_space<vmem_shared>>, %arg12: memref<8x16xf32, #tpu.memory_space<vmem_shared>>, %arg13: memref<!tpu.dma_semaphore, #tpu.memory_space<semaphore_mem>>, %arg14: memref<!tpu.dma_semaphore, #tpu.memory_space<semaphore_mem>>) attributes {dimension_semantics = [#tpu.dimension_semantics<core_parallel>, #tpu.dimension_semantics<subcore_parallel>], iteration_bounds = array<i64: 2, 16>, scalar_prefetch = 0 : i64, scratch_operands = 8 : i64, tpu.core_type = #tpu.core_type<sc_vector_subcore>, window_params = [{transform_indices = #map}, {transform_indices = #map1}, {transform_indices = #map1}, {transform_indices = #map1}, {transform_indices = #map1}]} {
    %mul3A = arith.constant 16 : i32
    %mul3A_0 = arith.muli %arg0, %mul3A : i32
    %add3A = arith.addi %mul3A_0, %arg1 : i32
    %mul3A_1 = arith.constant 640 : i32
    %mul3A_2 = arith.muli %arg1, %mul3A_1 : i32
    %run_scoped3A = arith.constant 0 : i32
    "tpu.region"() ({
      %run_scoped3A_16 = tpu.sem_alloc : memref<!tpu.dma_semaphore, #tpu.memory_space<semaphore_mem>>
      %dma_start3A = arith.constant 0 : i32
      %dma_start3A_17 = arith.constant 0 : i32
      %dma_start3A_18 = tpu.memref_slice %arg5[%run_scoped3A, %dma_start3A, %dma_start3A_17] : memref<2x80x16xf32, #tpu.memory_space<hbm>> -> memref<1x80x16xf32, #tpu.memory_space<hbm>>
      %dma_start3A_19 = tpu.memref_squeeze %dma_start3A_18 : memref<1x80x16xf32, #tpu.memory_space<hbm>> -> memref<80x16xf32, #tpu.memory_space<hbm>>
      %dma_start3A_20 = arith.constant 0 : i32
      %dma_start3A_21 = arith.constant 0 : i32
      %dma_start3A_22 = tpu.memref_slice %arg5[%run_scoped3A, %dma_start3A_20, %dma_start3A_21] : memref<2x80x16xf32, #tpu.memory_space<hbm>> -> memref<1x80x16xf32, #tpu.memory_space<hbm>>
      %dma_start3A_23 = tpu.memref_squeeze %dma_start3A_22 : memref<1x80x16xf32, #tpu.memory_space<hbm>> -> memref<80x16xf32, #tpu.memory_space<hbm>>
      tpu.enqueue_dma source(%dma_start3A_23 : memref<80x16xf32, #tpu.memory_space<hbm>>) target(%arg9 : memref<80x16xf32, #tpu.memory_space<vmem>>) target_semaphore(%run_scoped3A_16 : memref<!tpu.dma_semaphore, #tpu.memory_space<semaphore_mem>>)
      %dma_wait3A = arith.constant 0 : i32
      %dma_wait3A_24 = arith.constant 0 : i32
      %dma_wait3A_25 = tpu.memref_slice %arg5[%run_scoped3A, %dma_wait3A, %dma_wait3A_24] : memref<2x80x16xf32, #tpu.memory_space<hbm>> -> memref<1x80x16xf32, #tpu.memory_space<hbm>>
      %dma_wait3A_26 = tpu.memref_squeeze %dma_wait3A_25 : memref<1x80x16xf32, #tpu.memory_space<hbm>> -> memref<80x16xf32, #tpu.memory_space<hbm>>
      %dma_wait3A_27 = arith.constant 0 : i32
      %dma_wait3A_28 = arith.constant 0 : i32
      %dma_wait3A_29 = tpu.memref_slice %arg5[%run_scoped3A, %dma_wait3A_27, %dma_wait3A_28] : memref<2x80x16xf32, #tpu.memory_space<hbm>> -> memref<1x80x16xf32, #tpu.memory_space<hbm>>
      %dma_wait3A_30 = tpu.memref_squeeze %dma_wait3A_29 : memref<1x80x16xf32, #tpu.memory_space<hbm>> -> memref<80x16xf32, #tpu.memory_space<hbm>>
      tpu.wait_dma2 semaphore(%run_scoped3A_16 : memref<!tpu.dma_semaphore, #tpu.memory_space<semaphore_mem>>) src(%dma_wait3A_30 : memref<80x16xf32, #tpu.memory_space<hbm>>) dst(%arg9 : memref<80x16xf32, #tpu.memory_space<vmem>>)
      tpu.yield
    }) : () -> ()
    %scan3A = arith.constant 0 : i32
    %scan3A_3 = arith.constant 0 : i32
    %scan3A_4 = arith.constant 8 : i32
    %scan3A_5 = arith.addi %scan3A_3, %scan3A_4 : i32
    %scan3A_6 = arith.constant 1 : i32
    scf.for %scan3A_16 = %scan3A_3 to %scan3A_5 step %scan3A_6  : i32 {
      %mul3A_17 = arith.constant 80 : i32
      %mul3A_18 = arith.muli %scan3A_16, %mul3A_17 : i32
      %add3A_19 = arith.addi %mul3A_2, %mul3A_18 : i32
      "tpu.region"() ({
        %run_scoped3A_20 = tpu.sem_alloc : memref<!tpu.dma_semaphore, #tpu.memory_space<semaphore_mem>>
        %dma_start3A = arith.constant 0 : i32
        %dma_start3A_21 = tpu.memref_slice %arg11[%add3A_19, %dma_start3A] : memref<10240x16xf32, #tpu.memory_space<vmem_shared>> -> memref<80x16xf32, #tpu.memory_space<vmem_shared>>
        %dma_start3A_22 = arith.constant 0 : i32
        %dma_start3A_23 = tpu.memref_slice %arg11[%add3A_19, %dma_start3A_22] : memref<10240x16xf32, #tpu.memory_space<vmem_shared>> -> memref<80x16xf32, #tpu.memory_space<vmem_shared>>
        tpu.enqueue_dma source(%arg9 : memref<80x16xf32, #tpu.memory_space<vmem>>) target(%dma_start3A_23 : memref<80x16xf32, #tpu.memory_space<vmem_shared>>) target_semaphore(%run_scoped3A_20 : memref<!tpu.dma_semaphore, #tpu.memory_space<semaphore_mem>>)
        %dma_wait3A = arith.constant 0 : i32
        %dma_wait3A_24 = tpu.memref_slice %arg11[%add3A_19, %dma_wait3A] : memref<10240x16xf32, #tpu.memory_space<vmem_shared>> -> memref<80x16xf32, #tpu.memory_space<vmem_shared>>
        %dma_wait3A_25 = arith.constant 0 : i32
        %dma_wait3A_26 = tpu.memref_slice %arg11[%add3A_19, %dma_wait3A_25] : memref<10240x16xf32, #tpu.memory_space<vmem_shared>> -> memref<80x16xf32, #tpu.memory_space<vmem_shared>>
        tpu.wait_dma2 semaphore(%run_scoped3A_20 : memref<!tpu.dma_semaphore, #tpu.memory_space<semaphore_mem>>) src(%arg9 : memref<80x16xf32, #tpu.memory_space<vmem>>) dst(%dma_wait3A_26 : memref<80x16xf32, #tpu.memory_space<vmem_shared>>)
        tpu.yield
      }) : () -> ()
    }
    %scan3A_7 = arith.constant 8 : i32
    "tpu.region"() ({
      %run_scoped3A_16 = tpu.sem_alloc : memref<!tpu.dma_semaphore, #tpu.memory_space<semaphore_mem>>
      %dma_start3A = arith.constant 0 : i32
      %dma_start3A_17 = arith.constant 0 : i32
      %dma_start3A_18 = tpu.memref_slice %arg3[%add3A, %dma_start3A, %dma_start3A_17] : memref<32x125x80xi32, #tpu.memory_space<hbm>> -> memref<1x125x80xi32, #tpu.memory_space<hbm>>
      %dma_start3A_19 = tpu.memref_squeeze %dma_start3A_18 : memref<1x125x80xi32, #tpu.memory_space<hbm>> -> memref<125x80xi32, #tpu.memory_space<hbm>>
      %dma_start3A_20 = arith.constant 0 : i32
      %dma_start3A_21 = arith.constant 0 : i32
      %dma_start3A_22 = tpu.memref_slice %arg3[%add3A, %dma_start3A_20, %dma_start3A_21] : memref<32x125x80xi32, #tpu.memory_space<hbm>> -> memref<1x125x80xi32, #tpu.memory_space<hbm>>
      %dma_start3A_23 = tpu.memref_squeeze %dma_start3A_22 : memref<1x125x80xi32, #tpu.memory_space<hbm>> -> memref<125x80xi32, #tpu.memory_space<hbm>>
      tpu.enqueue_dma source(%dma_start3A_23 : memref<125x80xi32, #tpu.memory_space<hbm>>) target(%arg7 : memref<125x80xi32, #tpu.memory_space<vmem>>) target_semaphore(%run_scoped3A_16 : memref<!tpu.dma_semaphore, #tpu.memory_space<semaphore_mem>>)
      %dma_wait3A = arith.constant 0 : i32
      %dma_wait3A_24 = arith.constant 0 : i32
      %dma_wait3A_25 = tpu.memref_slice %arg3[%add3A, %dma_wait3A, %dma_wait3A_24] : memref<32x125x80xi32, #tpu.memory_space<hbm>> -> memref<1x125x80xi32, #tpu.memory_space<hbm>>
      %dma_wait3A_26 = tpu.memref_squeeze %dma_wait3A_25 : memref<1x125x80xi32, #tpu.memory_space<hbm>> -> memref<125x80xi32, #tpu.memory_space<hbm>>
      %dma_wait3A_27 = arith.constant 0 : i32
      %dma_wait3A_28 = arith.constant 0 : i32
      %dma_wait3A_29 = tpu.memref_slice %arg3[%add3A, %dma_wait3A_27, %dma_wait3A_28] : memref<32x125x80xi32, #tpu.memory_space<hbm>> -> memref<1x125x80xi32, #tpu.memory_space<hbm>>
      %dma_wait3A_30 = tpu.memref_squeeze %dma_wait3A_29 : memref<1x125x80xi32, #tpu.memory_space<hbm>> -> memref<125x80xi32, #tpu.memory_space<hbm>>
      tpu.wait_dma2 semaphore(%run_scoped3A_16 : memref<!tpu.dma_semaphore, #tpu.memory_space<semaphore_mem>>) src(%dma_wait3A_30 : memref<125x80xi32, #tpu.memory_space<hbm>>) dst(%arg7 : memref<125x80xi32, #tpu.memory_space<vmem>>)
      tpu.yield
    }) : () -> ()
    "tpu.region"() ({
      %run_scoped3A_16 = tpu.sem_alloc : memref<!tpu.dma_semaphore, #tpu.memory_space<semaphore_mem>>
      %dma_start3A = arith.constant 0 : i32
      %dma_start3A_17 = arith.constant 0 : i32
      %dma_start3A_18 = tpu.memref_slice %arg4[%add3A, %dma_start3A, %dma_start3A_17] : memref<32x125x80xi32, #tpu.memory_space<hbm>> -> memref<1x125x80xi32, #tpu.memory_space<hbm>>
      %dma_start3A_19 = tpu.memref_squeeze %dma_start3A_18 : memref<1x125x80xi32, #tpu.memory_space<hbm>> -> memref<125x80xi32, #tpu.memory_space<hbm>>
      %dma_start3A_20 = arith.constant 0 : i32
      %dma_start3A_21 = arith.constant 0 : i32
      %dma_start3A_22 = tpu.memref_slice %arg4[%add3A, %dma_start3A_20, %dma_start3A_21] : memref<32x125x80xi32, #tpu.memory_space<hbm>> -> memref<1x125x80xi32, #tpu.memory_space<hbm>>
      %dma_start3A_23 = tpu.memref_squeeze %dma_start3A_22 : memref<1x125x80xi32, #tpu.memory_space<hbm>> -> memref<125x80xi32, #tpu.memory_space<hbm>>
      tpu.enqueue_dma source(%dma_start3A_23 : memref<125x80xi32, #tpu.memory_space<hbm>>) target(%arg8 : memref<125x80xi32, #tpu.memory_space<vmem>>) target_semaphore(%run_scoped3A_16 : memref<!tpu.dma_semaphore, #tpu.memory_space<semaphore_mem>>)
      %dma_wait3A = arith.constant 0 : i32
      %dma_wait3A_24 = arith.constant 0 : i32
      %dma_wait3A_25 = tpu.memref_slice %arg4[%add3A, %dma_wait3A, %dma_wait3A_24] : memref<32x125x80xi32, #tpu.memory_space<hbm>> -> memref<1x125x80xi32, #tpu.memory_space<hbm>>
      %dma_wait3A_26 = tpu.memref_squeeze %dma_wait3A_25 : memref<1x125x80xi32, #tpu.memory_space<hbm>> -> memref<125x80xi32, #tpu.memory_space<hbm>>
      %dma_wait3A_27 = arith.constant 0 : i32
      %dma_wait3A_28 = arith.constant 0 : i32
      %dma_wait3A_29 = tpu.memref_slice %arg4[%add3A, %dma_wait3A_27, %dma_wait3A_28] : memref<32x125x80xi32, #tpu.memory_space<hbm>> -> memref<1x125x80xi32, #tpu.memory_space<hbm>>
      %dma_wait3A_30 = tpu.memref_squeeze %dma_wait3A_29 : memref<1x125x80xi32, #tpu.memory_space<hbm>> -> memref<125x80xi32, #tpu.memory_space<hbm>>
      tpu.wait_dma2 semaphore(%run_scoped3A_16 : memref<!tpu.dma_semaphore, #tpu.memory_space<semaphore_mem>>) src(%dma_wait3A_30 : memref<125x80xi32, #tpu.memory_space<hbm>>) dst(%arg8 : memref<125x80xi32, #tpu.memory_space<vmem>>)
      tpu.yield
    }) : () -> ()
    %barrier3A = arith.constant 0 : index
    tpu.barrier barrier_id(%barrier3A)
    %run_scoped3A_8 = arith.constant 1 : i32
    "tpu.region"() ({
      %run_scoped3A_16 = tpu.sem_alloc : memref<!tpu.dma_semaphore, #tpu.memory_space<semaphore_mem>>
      %dma_start3A = arith.constant 0 : i32
      %dma_start3A_17 = arith.constant 0 : i32
      %dma_start3A_18 = tpu.memref_slice %arg5[%run_scoped3A_8, %dma_start3A, %dma_start3A_17] : memref<2x80x16xf32, #tpu.memory_space<hbm>> -> memref<1x80x16xf32, #tpu.memory_space<hbm>>
      %dma_start3A_19 = tpu.memref_squeeze %dma_start3A_18 : memref<1x80x16xf32, #tpu.memory_space<hbm>> -> memref<80x16xf32, #tpu.memory_space<hbm>>
      %dma_start3A_20 = arith.constant 0 : i32
      %dma_start3A_21 = arith.constant 0 : i32
      %dma_start3A_22 = tpu.memref_slice %arg5[%run_scoped3A_8, %dma_start3A_20, %dma_start3A_21] : memref<2x80x16xf32, #tpu.memory_space<hbm>> -> memref<1x80x16xf32, #tpu.memory_space<hbm>>
      %dma_start3A_23 = tpu.memref_squeeze %dma_start3A_22 : memref<1x80x16xf32, #tpu.memory_space<hbm>> -> memref<80x16xf32, #tpu.memory_space<hbm>>
      tpu.enqueue_dma source(%dma_start3A_23 : memref<80x16xf32, #tpu.memory_space<hbm>>) target(%arg9 : memref<80x16xf32, #tpu.memory_space<vmem>>) target_semaphore(%run_scoped3A_16 : memref<!tpu.dma_semaphore, #tpu.memory_space<semaphore_mem>>)
      %dma_wait3A = arith.constant 0 : i32
      %dma_wait3A_24 = arith.constant 0 : i32
      %dma_wait3A_25 = tpu.memref_slice %arg5[%run_scoped3A_8, %dma_wait3A, %dma_wait3A_24] : memref<2x80x16xf32, #tpu.memory_space<hbm>> -> memref<1x80x16xf32, #tpu.memory_space<hbm>>
      %dma_wait3A_26 = tpu.memref_squeeze %dma_wait3A_25 : memref<1x80x16xf32, #tpu.memory_space<hbm>> -> memref<80x16xf32, #tpu.memory_space<hbm>>
      %dma_wait3A_27 = arith.constant 0 : i32
      %dma_wait3A_28 = arith.constant 0 : i32
      %dma_wait3A_29 = tpu.memref_slice %arg5[%run_scoped3A_8, %dma_wait3A_27, %dma_wait3A_28] : memref<2x80x16xf32, #tpu.memory_space<hbm>> -> memref<1x80x16xf32, #tpu.memory_space<hbm>>
      %dma_wait3A_30 = tpu.memref_squeeze %dma_wait3A_29 : memref<1x80x16xf32, #tpu.memory_space<hbm>> -> memref<80x16xf32, #tpu.memory_space<hbm>>
      tpu.wait_dma2 semaphore(%run_scoped3A_16 : memref<!tpu.dma_semaphore, #tpu.memory_space<semaphore_mem>>) src(%dma_wait3A_30 : memref<80x16xf32, #tpu.memory_space<hbm>>) dst(%arg9 : memref<80x16xf32, #tpu.memory_space<vmem>>)
      tpu.yield
    }) : () -> ()
    %scan3A_9 = arith.constant 0 : i32
    %scan3A_10 = arith.constant 0 : i32
    %scan3A_11 = arith.constant 125 : i32
    %scan3A_12 = arith.addi %scan3A_10, %scan3A_11 : i32
    %scan3A_13 = arith.constant 1 : i32
    scf.for %scan3A_16 = %scan3A_10 to %scan3A_12 step %scan3A_13  : i32 {
      "tpu.region"() ({
        %run_scoped3A_17 = tpu.sem_alloc : memref<!tpu.dma_semaphore, #tpu.memory_space<semaphore_mem>>
        %dma_start3A = arith.constant 0 : i32
        %dma_start3A_18 = tpu.memref_slice %arg8[%scan3A_16, %dma_start3A] : memref<125x80xi32, #tpu.memory_space<vmem>> -> memref<1x80xi32, #tpu.memory_space<vmem>>
        %dma_start3A_19 = tpu.memref_squeeze %dma_start3A_18 : memref<1x80xi32, #tpu.memory_space<vmem>> -> memref<80xi32, #tpu.memory_space<vmem>>
        %dma_start3A_20 = arith.constant 0 : i32
        %dma_start3A_21 = arith.constant 0 : i32
        %dma_start3A_22 = tpu.memref_slice %arg11[%dma_start3A_20, %dma_start3A_21] : memref<10240x16xf32, #tpu.memory_space<vmem_shared>> -> memref<10240x16xf32, #tpu.memory_space<vmem_shared>>
        tpu.enqueue_indirect_dma source(%arg9 : memref<80x16xf32, #tpu.memory_space<vmem>>) target(%dma_start3A_22 : memref<10240x16xf32, #tpu.memory_space<vmem_shared>>) offsets(%dma_start3A_19 : memref<80xi32, #tpu.memory_space<vmem>>) semaphore(%run_scoped3A_17 : memref<!tpu.dma_semaphore, #tpu.memory_space<semaphore_mem>>) {add = true}
        %dma_wait3A = arith.constant 0 : i32
        %dma_wait3A_23 = tpu.memref_slice %arg8[%scan3A_16, %dma_wait3A] : memref<125x80xi32, #tpu.memory_space<vmem>> -> memref<1x80xi32, #tpu.memory_space<vmem>>
        %dma_wait3A_24 = tpu.memref_squeeze %dma_wait3A_23 : memref<1x80xi32, #tpu.memory_space<vmem>> -> memref<80xi32, #tpu.memory_space<vmem>>
        %dma_wait3A_25 = arith.constant 0 : i32
        %dma_wait3A_26 = arith.constant 0 : i32
        %dma_wait3A_27 = tpu.memref_slice %arg11[%dma_wait3A_25, %dma_wait3A_26] : memref<10240x16xf32, #tpu.memory_space<vmem_shared>> -> memref<10240x16xf32, #tpu.memory_space<vmem_shared>>
        tpu.wait_indirect_dma semaphore(%run_scoped3A_17 : memref<!tpu.dma_semaphore, #tpu.memory_space<semaphore_mem>>) src(%arg9 : memref<80x16xf32, #tpu.memory_space<vmem>>) dst(%dma_wait3A_27 : memref<10240x16xf32, #tpu.memory_space<vmem_shared>>)
        tpu.yield
      }) : () -> ()
    }
    %scan3A_14 = arith.constant 125 : i32
    %barrier3A_15 = arith.constant 0 : index
    tpu.barrier barrier_id(%barrier3A_15)
    "tpu.region"() ({
      %run_scoped3A_16 = tpu.sem_alloc : memref<!tpu.dma_semaphore, #tpu.memory_space<semaphore_mem>>
      %dma_start3A = arith.constant 0 : i32
      %dma_start3A_17 = tpu.memref_slice %arg6[%arg0, %mul3A_2, %dma_start3A] : memref<2x10240x16xf32, #tpu.memory_space<hbm>> -> memref<1x640x16xf32, #tpu.memory_space<hbm>>
      %dma_start3A_18 = tpu.memref_squeeze %dma_start3A_17 : memref<1x640x16xf32, #tpu.memory_space<hbm>> -> memref<640x16xf32, #tpu.memory_space<hbm>>
      %dma_start3A_19 = arith.constant 0 : i32
      %dma_start3A_20 = tpu.memref_slice %arg11[%mul3A_2, %dma_start3A_19] : memref<10240x16xf32, #tpu.memory_space<vmem_shared>> -> memref<640x16xf32, #tpu.memory_space<vmem_shared>>
      tpu.enqueue_dma source(%dma_start3A_20 : memref<640x16xf32, #tpu.memory_space<vmem_shared>>) target(%dma_start3A_18 : memref<640x16xf32, #tpu.memory_space<hbm>>) target_semaphore(%run_scoped3A_16 : memref<!tpu.dma_semaphore, #tpu.memory_space<semaphore_mem>>)
      %dma_wait3A = arith.constant 0 : i32
      %dma_wait3A_21 = tpu.memref_slice %arg6[%arg0, %mul3A_2, %dma_wait3A] : memref<2x10240x16xf32, #tpu.memory_space<hbm>> -> memref<1x640x16xf32, #tpu.memory_space<hbm>>
      %dma_wait3A_22 = tpu.memref_squeeze %dma_wait3A_21 : memref<1x640x16xf32, #tpu.memory_space<hbm>> -> memref<640x16xf32, #tpu.memory_space<hbm>>
      %dma_wait3A_23 = arith.constant 0 : i32
      %dma_wait3A_24 = tpu.memref_slice %arg11[%mul3A_2, %dma_wait3A_23] : memref<10240x16xf32, #tpu.memory_space<vmem_shared>> -> memref<640x16xf32, #tpu.memory_space<vmem_shared>>
      tpu.wait_dma2 semaphore(%run_scoped3A_16 : memref<!tpu.dma_semaphore, #tpu.memory_space<semaphore_mem>>) src(%dma_wait3A_24 : memref<640x16xf32, #tpu.memory_space<vmem_shared>>) dst(%dma_wait3A_22 : memref<640x16xf32, #tpu.memory_space<hbm>>)
      tpu.yield
    }) : () -> ()
    return
  }
}

#map = affine_map<(d0, d1) -> (0, 0)>
#map1 = affine_map<(d0, d1) -> (0, 0, 0)>
module attributes {stable_mosaic.version = 14 : i64} {
  func.func @k(%arg0: i32, %arg1: i32, %arg2: memref<10000x16xf32, #tpu.memory_space<hbm>>, %arg3: memref<32x125x80xi32, #tpu.memory_space<hbm>>, %arg4: memref<32x125x80xi32, #tpu.memory_space<hbm>>, %arg5: memref<2x80x16xf32, #tpu.memory_space<hbm>>, %arg6: memref<2x10240x16xf32, #tpu.memory_space<hbm>>, %arg7: memref<125x80xi32, #tpu.memory_space<vmem>>, %arg8: memref<125x80xi32, #tpu.memory_space<vmem>>, %arg9: memref<80x16xf32, #tpu.memory_space<vmem>>, %arg10: memref<80x16xf32, #tpu.memory_space<vmem>>, %arg11: memref<10240x16xf32, #tpu.memory_space<vmem_shared>>, %arg12: memref<10000x16xf32, #tpu.memory_space<vmem_shared>>, %arg13: memref<!tpu.dma_semaphore, #tpu.memory_space<semaphore_mem>>, %arg14: memref<!tpu.dma_semaphore, #tpu.memory_space<semaphore_mem>>) attributes {dimension_semantics = [#tpu.dimension_semantics<core_parallel>, #tpu.dimension_semantics<subcore_parallel>], iteration_bounds = array<i64: 2, 16>, scalar_prefetch = 0 : i64, scratch_operands = 8 : i64, tpu.core_type = #tpu.core_type<sc_vector_subcore>, window_params = [{transform_indices = #map}, {transform_indices = #map1}, {transform_indices = #map1}, {transform_indices = #map1}, {transform_indices = #map1}]} {
    %mul3A = arith.constant 16 : i32
    %mul3A_0 = arith.muli %arg0, %mul3A : i32
    %add3A = arith.addi %mul3A_0, %arg1 : i32
    %mul3A_1 = arith.constant 640 : i32
    %mul3A_2 = arith.muli %arg1, %mul3A_1 : i32
    %run_scoped3A = arith.constant 0 : i32
    "tpu.region"() ({
      %run_scoped3A_25 = tpu.sem_alloc : memref<!tpu.dma_semaphore, #tpu.memory_space<semaphore_mem>>
      %dma_start3A_26 = arith.constant 0 : i32
      %dma_start3A_27 = arith.constant 0 : i32
      %dma_start3A_28 = tpu.memref_slice %arg5[%run_scoped3A, %dma_start3A_26, %dma_start3A_27] : memref<2x80x16xf32, #tpu.memory_space<hbm>> -> memref<1x80x16xf32, #tpu.memory_space<hbm>>
      %dma_start3A_29 = tpu.memref_squeeze %dma_start3A_28 : memref<1x80x16xf32, #tpu.memory_space<hbm>> -> memref<80x16xf32, #tpu.memory_space<hbm>>
      %dma_start3A_30 = arith.constant 0 : i32
      %dma_start3A_31 = arith.constant 0 : i32
      %dma_start3A_32 = tpu.memref_slice %arg5[%run_scoped3A, %dma_start3A_30, %dma_start3A_31] : memref<2x80x16xf32, #tpu.memory_space<hbm>> -> memref<1x80x16xf32, #tpu.memory_space<hbm>>
      %dma_start3A_33 = tpu.memref_squeeze %dma_start3A_32 : memref<1x80x16xf32, #tpu.memory_space<hbm>> -> memref<80x16xf32, #tpu.memory_space<hbm>>
      tpu.enqueue_dma source(%dma_start3A_33 : memref<80x16xf32, #tpu.memory_space<hbm>>) target(%arg9 : memref<80x16xf32, #tpu.memory_space<vmem>>) target_semaphore(%run_scoped3A_25 : memref<!tpu.dma_semaphore, #tpu.memory_space<semaphore_mem>>)
      %dma_wait3A = arith.constant 0 : i32
      %dma_wait3A_34 = arith.constant 0 : i32
      %dma_wait3A_35 = tpu.memref_slice %arg5[%run_scoped3A, %dma_wait3A, %dma_wait3A_34] : memref<2x80x16xf32, #tpu.memory_space<hbm>> -> memref<1x80x16xf32, #tpu.memory_space<hbm>>
      %dma_wait3A_36 = tpu.memref_squeeze %dma_wait3A_35 : memref<1x80x16xf32, #tpu.memory_space<hbm>> -> memref<80x16xf32, #tpu.memory_space<hbm>>
      %dma_wait3A_37 = arith.constant 0 : i32
      %dma_wait3A_38 = arith.constant 0 : i32
      %dma_wait3A_39 = tpu.memref_slice %arg5[%run_scoped3A, %dma_wait3A_37, %dma_wait3A_38] : memref<2x80x16xf32, #tpu.memory_space<hbm>> -> memref<1x80x16xf32, #tpu.memory_space<hbm>>
      %dma_wait3A_40 = tpu.memref_squeeze %dma_wait3A_39 : memref<1x80x16xf32, #tpu.memory_space<hbm>> -> memref<80x16xf32, #tpu.memory_space<hbm>>
      tpu.wait_dma2 semaphore(%run_scoped3A_25 : memref<!tpu.dma_semaphore, #tpu.memory_space<semaphore_mem>>) src(%dma_wait3A_40 : memref<80x16xf32, #tpu.memory_space<hbm>>) dst(%arg9 : memref<80x16xf32, #tpu.memory_space<vmem>>)
      tpu.yield
    }) : () -> ()
    %scan3A = arith.constant 0 : i32
    %scan3A_3 = arith.constant 0 : i32
    %scan3A_4 = arith.constant 8 : i32
    %scan3A_5 = arith.addi %scan3A_3, %scan3A_4 : i32
    %scan3A_6 = arith.constant 1 : i32
    scf.for %scan3A_25 = %scan3A_3 to %scan3A_5 step %scan3A_6  : i32 {
      %mul3A_26 = arith.constant 80 : i32
      %mul3A_27 = arith.muli %scan3A_25, %mul3A_26 : i32
      %add3A_28 = arith.addi %mul3A_2, %mul3A_27 : i32
      "tpu.region"() ({
        %run_scoped3A_29 = tpu.sem_alloc : memref<!tpu.dma_semaphore, #tpu.memory_space<semaphore_mem>>
        %dma_start3A_30 = arith.constant 0 : i32
        %dma_start3A_31 = tpu.memref_slice %arg11[%add3A_28, %dma_start3A_30] : memref<10240x16xf32, #tpu.memory_space<vmem_shared>> -> memref<80x16xf32, #tpu.memory_space<vmem_shared>>
        %dma_start3A_32 = arith.constant 0 : i32
        %dma_start3A_33 = tpu.memref_slice %arg11[%add3A_28, %dma_start3A_32] : memref<10240x16xf32, #tpu.memory_space<vmem_shared>> -> memref<80x16xf32, #tpu.memory_space<vmem_shared>>
        tpu.enqueue_dma source(%arg9 : memref<80x16xf32, #tpu.memory_space<vmem>>) target(%dma_start3A_33 : memref<80x16xf32, #tpu.memory_space<vmem_shared>>) target_semaphore(%run_scoped3A_29 : memref<!tpu.dma_semaphore, #tpu.memory_space<semaphore_mem>>)
        %dma_wait3A = arith.constant 0 : i32
        %dma_wait3A_34 = tpu.memref_slice %arg11[%add3A_28, %dma_wait3A] : memref<10240x16xf32, #tpu.memory_space<vmem_shared>> -> memref<80x16xf32, #tpu.memory_space<vmem_shared>>
        %dma_wait3A_35 = arith.constant 0 : i32
        %dma_wait3A_36 = tpu.memref_slice %arg11[%add3A_28, %dma_wait3A_35] : memref<10240x16xf32, #tpu.memory_space<vmem_shared>> -> memref<80x16xf32, #tpu.memory_space<vmem_shared>>
        tpu.wait_dma2 semaphore(%run_scoped3A_29 : memref<!tpu.dma_semaphore, #tpu.memory_space<semaphore_mem>>) src(%arg9 : memref<80x16xf32, #tpu.memory_space<vmem>>) dst(%dma_wait3A_36 : memref<80x16xf32, #tpu.memory_space<vmem_shared>>)
        tpu.yield
      }) : () -> ()
    }
    %scan3A_7 = arith.constant 8 : i32
    %mul3A_8 = arith.constant 625 : i32
    %mul3A_9 = arith.muli %arg1, %mul3A_8 : i32
    %mul3A_10 = arith.constant 625 : i32
    %mul3A_11 = arith.muli %arg1, %mul3A_10 : i32
    "tpu.region"() ({
      %run_scoped3A_25 = tpu.sem_alloc : memref<!tpu.dma_semaphore, #tpu.memory_space<semaphore_mem>>
      %dma_start3A_26 = arith.constant 0 : i32
      %dma_start3A_27 = tpu.memref_slice %arg12[%mul3A_11, %dma_start3A_26] : memref<10000x16xf32, #tpu.memory_space<vmem_shared>> -> memref<625x16xf32, #tpu.memory_space<vmem_shared>>
      %dma_start3A_28 = arith.constant 0 : i32
      %dma_start3A_29 = tpu.memref_slice %arg2[%mul3A_9, %dma_start3A_28] : memref<10000x16xf32, #tpu.memory_space<hbm>> -> memref<625x16xf32, #tpu.memory_space<hbm>>
      tpu.enqueue_dma source(%dma_start3A_29 : memref<625x16xf32, #tpu.memory_space<hbm>>) target(%dma_start3A_27 : memref<625x16xf32, #tpu.memory_space<vmem_shared>>) target_semaphore(%run_scoped3A_25 : memref<!tpu.dma_semaphore, #tpu.memory_space<semaphore_mem>>)
      %dma_wait3A = arith.constant 0 : i32
      %dma_wait3A_30 = tpu.memref_slice %arg12[%mul3A_11, %dma_wait3A] : memref<10000x16xf32, #tpu.memory_space<vmem_shared>> -> memref<625x16xf32, #tpu.memory_space<vmem_shared>>
      %dma_wait3A_31 = arith.constant 0 : i32
      %dma_wait3A_32 = tpu.memref_slice %arg2[%mul3A_9, %dma_wait3A_31] : memref<10000x16xf32, #tpu.memory_space<hbm>> -> memref<625x16xf32, #tpu.memory_space<hbm>>
      tpu.wait_dma2 semaphore(%run_scoped3A_25 : memref<!tpu.dma_semaphore, #tpu.memory_space<semaphore_mem>>) src(%dma_wait3A_32 : memref<625x16xf32, #tpu.memory_space<hbm>>) dst(%dma_wait3A_30 : memref<625x16xf32, #tpu.memory_space<vmem_shared>>)
      tpu.yield
    }) : () -> ()
    "tpu.region"() ({
      %run_scoped3A_25 = tpu.sem_alloc : memref<!tpu.dma_semaphore, #tpu.memory_space<semaphore_mem>>
      %dma_start3A_26 = arith.constant 0 : i32
      %dma_start3A_27 = arith.constant 0 : i32
      %dma_start3A_28 = tpu.memref_slice %arg3[%add3A, %dma_start3A_26, %dma_start3A_27] : memref<32x125x80xi32, #tpu.memory_space<hbm>> -> memref<1x125x80xi32, #tpu.memory_space<hbm>>
      %dma_start3A_29 = tpu.memref_squeeze %dma_start3A_28 : memref<1x125x80xi32, #tpu.memory_space<hbm>> -> memref<125x80xi32, #tpu.memory_space<hbm>>
      %dma_start3A_30 = arith.constant 0 : i32
      %dma_start3A_31 = arith.constant 0 : i32
      %dma_start3A_32 = tpu.memref_slice %arg3[%add3A, %dma_start3A_30, %dma_start3A_31] : memref<32x125x80xi32, #tpu.memory_space<hbm>> -> memref<1x125x80xi32, #tpu.memory_space<hbm>>
      %dma_start3A_33 = tpu.memref_squeeze %dma_start3A_32 : memref<1x125x80xi32, #tpu.memory_space<hbm>> -> memref<125x80xi32, #tpu.memory_space<hbm>>
      tpu.enqueue_dma source(%dma_start3A_33 : memref<125x80xi32, #tpu.memory_space<hbm>>) target(%arg7 : memref<125x80xi32, #tpu.memory_space<vmem>>) target_semaphore(%run_scoped3A_25 : memref<!tpu.dma_semaphore, #tpu.memory_space<semaphore_mem>>)
      %dma_wait3A = arith.constant 0 : i32
      %dma_wait3A_34 = arith.constant 0 : i32
      %dma_wait3A_35 = tpu.memref_slice %arg3[%add3A, %dma_wait3A, %dma_wait3A_34] : memref<32x125x80xi32, #tpu.memory_space<hbm>> -> memref<1x125x80xi32, #tpu.memory_space<hbm>>
      %dma_wait3A_36 = tpu.memref_squeeze %dma_wait3A_35 : memref<1x125x80xi32, #tpu.memory_space<hbm>> -> memref<125x80xi32, #tpu.memory_space<hbm>>
      %dma_wait3A_37 = arith.constant 0 : i32
      %dma_wait3A_38 = arith.constant 0 : i32
      %dma_wait3A_39 = tpu.memref_slice %arg3[%add3A, %dma_wait3A_37, %dma_wait3A_38] : memref<32x125x80xi32, #tpu.memory_space<hbm>> -> memref<1x125x80xi32, #tpu.memory_space<hbm>>
      %dma_wait3A_40 = tpu.memref_squeeze %dma_wait3A_39 : memref<1x125x80xi32, #tpu.memory_space<hbm>> -> memref<125x80xi32, #tpu.memory_space<hbm>>
      tpu.wait_dma2 semaphore(%run_scoped3A_25 : memref<!tpu.dma_semaphore, #tpu.memory_space<semaphore_mem>>) src(%dma_wait3A_40 : memref<125x80xi32, #tpu.memory_space<hbm>>) dst(%arg7 : memref<125x80xi32, #tpu.memory_space<vmem>>)
      tpu.yield
    }) : () -> ()
    "tpu.region"() ({
      %run_scoped3A_25 = tpu.sem_alloc : memref<!tpu.dma_semaphore, #tpu.memory_space<semaphore_mem>>
      %dma_start3A_26 = arith.constant 0 : i32
      %dma_start3A_27 = arith.constant 0 : i32
      %dma_start3A_28 = tpu.memref_slice %arg4[%add3A, %dma_start3A_26, %dma_start3A_27] : memref<32x125x80xi32, #tpu.memory_space<hbm>> -> memref<1x125x80xi32, #tpu.memory_space<hbm>>
      %dma_start3A_29 = tpu.memref_squeeze %dma_start3A_28 : memref<1x125x80xi32, #tpu.memory_space<hbm>> -> memref<125x80xi32, #tpu.memory_space<hbm>>
      %dma_start3A_30 = arith.constant 0 : i32
      %dma_start3A_31 = arith.constant 0 : i32
      %dma_start3A_32 = tpu.memref_slice %arg4[%add3A, %dma_start3A_30, %dma_start3A_31] : memref<32x125x80xi32, #tpu.memory_space<hbm>> -> memref<1x125x80xi32, #tpu.memory_space<hbm>>
      %dma_start3A_33 = tpu.memref_squeeze %dma_start3A_32 : memref<1x125x80xi32, #tpu.memory_space<hbm>> -> memref<125x80xi32, #tpu.memory_space<hbm>>
      tpu.enqueue_dma source(%dma_start3A_33 : memref<125x80xi32, #tpu.memory_space<hbm>>) target(%arg8 : memref<125x80xi32, #tpu.memory_space<vmem>>) target_semaphore(%run_scoped3A_25 : memref<!tpu.dma_semaphore, #tpu.memory_space<semaphore_mem>>)
      %dma_wait3A = arith.constant 0 : i32
      %dma_wait3A_34 = arith.constant 0 : i32
      %dma_wait3A_35 = tpu.memref_slice %arg4[%add3A, %dma_wait3A, %dma_wait3A_34] : memref<32x125x80xi32, #tpu.memory_space<hbm>> -> memref<1x125x80xi32, #tpu.memory_space<hbm>>
      %dma_wait3A_36 = tpu.memref_squeeze %dma_wait3A_35 : memref<1x125x80xi32, #tpu.memory_space<hbm>> -> memref<125x80xi32, #tpu.memory_space<hbm>>
      %dma_wait3A_37 = arith.constant 0 : i32
      %dma_wait3A_38 = arith.constant 0 : i32
      %dma_wait3A_39 = tpu.memref_slice %arg4[%add3A, %dma_wait3A_37, %dma_wait3A_38] : memref<32x125x80xi32, #tpu.memory_space<hbm>> -> memref<1x125x80xi32, #tpu.memory_space<hbm>>
      %dma_wait3A_40 = tpu.memref_squeeze %dma_wait3A_39 : memref<1x125x80xi32, #tpu.memory_space<hbm>> -> memref<125x80xi32, #tpu.memory_space<hbm>>
      tpu.wait_dma2 semaphore(%run_scoped3A_25 : memref<!tpu.dma_semaphore, #tpu.memory_space<semaphore_mem>>) src(%dma_wait3A_40 : memref<125x80xi32, #tpu.memory_space<hbm>>) dst(%arg8 : memref<125x80xi32, #tpu.memory_space<vmem>>)
      tpu.yield
    }) : () -> ()
    %barrier3A = arith.constant 0 : index
    tpu.barrier barrier_id(%barrier3A)
    %dma_start3A = arith.constant 0 : i32
    %dma_start3A_12 = arith.constant 0 : i32
    %dma_start3A_13 = tpu.memref_slice %arg7[%dma_start3A, %dma_start3A_12] : memref<125x80xi32, #tpu.memory_space<vmem>> -> memref<1x80xi32, #tpu.memory_space<vmem>>
    %dma_start3A_14 = tpu.memref_squeeze %dma_start3A_13 : memref<1x80xi32, #tpu.memory_space<vmem>> -> memref<80xi32, #tpu.memory_space<vmem>>
    %dma_start3A_15 = arith.constant 0 : i32
    %dma_start3A_16 = arith.constant 0 : i32
    %dma_start3A_17 = tpu.memref_slice %arg12[%dma_start3A_15, %dma_start3A_16] : memref<10000x16xf32, #tpu.memory_space<vmem_shared>> -> memref<10000x16xf32, #tpu.memory_space<vmem_shared>>
    tpu.enqueue_indirect_dma source(%dma_start3A_17 : memref<10000x16xf32, #tpu.memory_space<vmem_shared>>) target(%arg9 : memref<80x16xf32, #tpu.memory_space<vmem>>) offsets(%dma_start3A_14 : memref<80xi32, #tpu.memory_space<vmem>>) semaphore(%arg13 : memref<!tpu.dma_semaphore, #tpu.memory_space<semaphore_mem>>)
    %scan3A_18 = arith.constant 0 : i32
    %scan3A_19 = arith.constant 0 : i32
    %scan3A_20 = arith.constant 125 : i32
    %scan3A_21 = arith.addi %scan3A_19, %scan3A_20 : i32
    %scan3A_22 = arith.constant 1 : i32
    scf.for %scan3A_25 = %scan3A_19 to %scan3A_21 step %scan3A_22  : i32 {
      %jit3A = arith.constant 2 : i32
      %eq3A = arith.constant 0 : i32
      %eq3A_26 = arith.cmpi eq, %jit3A, %eq3A : i32
      %jit3A_27 = arith.constant 1 : i32
      %select_n3A = arith.select %eq3A_26, %jit3A_27, %jit3A : i32
      %rem3A = arith.remsi %scan3A_25, %select_n3A : i32
      %ne3A = arith.constant 0 : i32
      %ne3A_28 = arith.cmpi ne, %rem3A, %ne3A : i32
      %lt3A = arith.constant 0 : i32
      %lt3A_29 = arith.cmpi slt, %rem3A, %lt3A : i32
      %lt3A_30 = arith.constant 0 : i32
      %lt3A_31 = arith.cmpi slt, %select_n3A, %lt3A_30 : i32
      %ne3A_32 = arith.xori %lt3A_29, %lt3A_31 : i1
      %and3A = arith.andi %ne3A_32, %ne3A_28 : i1
      %add3A_33 = arith.addi %rem3A, %select_n3A : i32
      %select_n3A_34 = arith.select %and3A, %add3A_33, %rem3A : i32
      %eq3A_35 = arith.constant 0 : i32
      %eq3A_36 = arith.cmpi eq, %select_n3A_34, %eq3A_35 : i32
      %convert_element_type3A = arith.extui %eq3A_36 : i1 to i32
      %cond3A = arith.constant 0 : i32
      %cond3A_37 = arith.cmpi ne, %convert_element_type3A, %cond3A : i32
      scf.if %cond3A_37 {
        %dma_wait3A = arith.constant 0 : i32
        %dma_wait3A_59 = arith.constant 0 : i32
        %dma_wait3A_60 = tpu.memref_slice %arg2[%dma_wait3A, %dma_wait3A_59] : memref<10000x16xf32, #tpu.memory_space<hbm>> -> memref<80x16xf32, #tpu.memory_space<hbm>>
        %dma_wait3A_61 = arith.constant 0 : i32
        %dma_wait3A_62 = arith.constant 0 : i32
        %dma_wait3A_63 = tpu.memref_slice %arg2[%dma_wait3A_61, %dma_wait3A_62] : memref<10000x16xf32, #tpu.memory_space<hbm>> -> memref<80x16xf32, #tpu.memory_space<hbm>>
        tpu.wait_dma2 semaphore(%arg13 : memref<!tpu.dma_semaphore, #tpu.memory_space<semaphore_mem>>) src(%dma_wait3A_63 : memref<80x16xf32, #tpu.memory_space<hbm>>) dst(%arg9 : memref<80x16xf32, #tpu.memory_space<vmem>>)
        %add3A_64 = arith.constant 1 : i32
        %add3A_65 = arith.addi %scan3A_25, %add3A_64 : i32
        %lt3A_66 = arith.constant 125 : i32
        %lt3A_67 = arith.cmpi slt, %add3A_65, %lt3A_66 : i32
        %convert_element_type3A_68 = arith.extui %lt3A_67 : i1 to i32
        %cond3A_69 = arith.constant 0 : i32
        %cond3A_70 = arith.cmpi ne, %convert_element_type3A_68, %cond3A_69 : i32
        scf.if %cond3A_70 {
          %add3A_71 = arith.constant 1 : i32
          %add3A_72 = arith.addi %scan3A_25, %add3A_71 : i32
          %dma_start3A_73 = arith.constant 0 : i32
          %dma_start3A_74 = tpu.memref_slice %arg7[%add3A_72, %dma_start3A_73] : memref<125x80xi32, #tpu.memory_space<vmem>> -> memref<1x80xi32, #tpu.memory_space<vmem>>
          %dma_start3A_75 = tpu.memref_squeeze %dma_start3A_74 : memref<1x80xi32, #tpu.memory_space<vmem>> -> memref<80xi32, #tpu.memory_space<vmem>>
          %dma_start3A_76 = arith.constant 0 : i32
          %dma_start3A_77 = arith.constant 0 : i32
          %dma_start3A_78 = tpu.memref_slice %arg12[%dma_start3A_76, %dma_start3A_77] : memref<10000x16xf32, #tpu.memory_space<vmem_shared>> -> memref<10000x16xf32, #tpu.memory_space<vmem_shared>>
          tpu.enqueue_indirect_dma source(%dma_start3A_78 : memref<10000x16xf32, #tpu.memory_space<vmem_shared>>) target(%arg10 : memref<80x16xf32, #tpu.memory_space<vmem>>) offsets(%dma_start3A_75 : memref<80xi32, #tpu.memory_space<vmem>>) semaphore(%arg14 : memref<!tpu.dma_semaphore, #tpu.memory_space<semaphore_mem>>)
        } else {
        }
        "tpu.region"() ({
          %run_scoped3A_71 = tpu.sem_alloc : memref<!tpu.dma_semaphore, #tpu.memory_space<semaphore_mem>>
          %dma_start3A_72 = arith.constant 0 : i32
          %dma_start3A_73 = tpu.memref_slice %arg8[%scan3A_25, %dma_start3A_72] : memref<125x80xi32, #tpu.memory_space<vmem>> -> memref<1x80xi32, #tpu.memory_space<vmem>>
          %dma_start3A_74 = tpu.memref_squeeze %dma_start3A_73 : memref<1x80xi32, #tpu.memory_space<vmem>> -> memref<80xi32, #tpu.memory_space<vmem>>
          %dma_start3A_75 = arith.constant 0 : i32
          %dma_start3A_76 = arith.constant 0 : i32
          %dma_start3A_77 = tpu.memref_slice %arg11[%dma_start3A_75, %dma_start3A_76] : memref<10240x16xf32, #tpu.memory_space<vmem_shared>> -> memref<10240x16xf32, #tpu.memory_space<vmem_shared>>
          tpu.enqueue_indirect_dma source(%arg9 : memref<80x16xf32, #tpu.memory_space<vmem>>) target(%dma_start3A_77 : memref<10240x16xf32, #tpu.memory_space<vmem_shared>>) offsets(%dma_start3A_74 : memref<80xi32, #tpu.memory_space<vmem>>) semaphore(%run_scoped3A_71 : memref<!tpu.dma_semaphore, #tpu.memory_space<semaphore_mem>>) {add = true}
          %dma_wait3A_78 = arith.constant 0 : i32
          %dma_wait3A_79 = tpu.memref_slice %arg8[%scan3A_25, %dma_wait3A_78] : memref<125x80xi32, #tpu.memory_space<vmem>> -> memref<1x80xi32, #tpu.memory_space<vmem>>
          %dma_wait3A_80 = tpu.memref_squeeze %dma_wait3A_79 : memref<1x80xi32, #tpu.memory_space<vmem>> -> memref<80xi32, #tpu.memory_space<vmem>>
          %dma_wait3A_81 = arith.constant 0 : i32
          %dma_wait3A_82 = arith.constant 0 : i32
          %dma_wait3A_83 = tpu.memref_slice %arg11[%dma_wait3A_81, %dma_wait3A_82] : memref<10240x16xf32, #tpu.memory_space<vmem_shared>> -> memref<10240x16xf32, #tpu.memory_space<vmem_shared>>
          tpu.wait_indirect_dma semaphore(%run_scoped3A_71 : memref<!tpu.dma_semaphore, #tpu.memory_space<semaphore_mem>>) src(%arg9 : memref<80x16xf32, #tpu.memory_space<vmem>>) dst(%dma_wait3A_83 : memref<10240x16xf32, #tpu.memory_space<vmem_shared>>)
          tpu.yield
        }) : () -> ()
      } else {
      }
      %jit3A_38 = arith.constant 2 : i32
      %eq3A_39 = arith.constant 0 : i32
      %eq3A_40 = arith.cmpi eq, %jit3A_38, %eq3A_39 : i32
      %jit3A_41 = arith.constant 1 : i32
      %select_n3A_42 = arith.select %eq3A_40, %jit3A_41, %jit3A_38 : i32
      %rem3A_43 = arith.remsi %scan3A_25, %select_n3A_42 : i32
      %ne3A_44 = arith.constant 0 : i32
      %ne3A_45 = arith.cmpi ne, %rem3A_43, %ne3A_44 : i32
      %lt3A_46 = arith.constant 0 : i32
      %lt3A_47 = arith.cmpi slt, %rem3A_43, %lt3A_46 : i32
      %lt3A_48 = arith.constant 0 : i32
      %lt3A_49 = arith.cmpi slt, %select_n3A_42, %lt3A_48 : i32
      %ne3A_50 = arith.xori %lt3A_47, %lt3A_49 : i1
      %and3A_51 = arith.andi %ne3A_50, %ne3A_45 : i1
      %add3A_52 = arith.addi %rem3A_43, %select_n3A_42 : i32
      %select_n3A_53 = arith.select %and3A_51, %add3A_52, %rem3A_43 : i32
      %eq3A_54 = arith.constant 1 : i32
      %eq3A_55 = arith.cmpi eq, %select_n3A_53, %eq3A_54 : i32
      %convert_element_type3A_56 = arith.extui %eq3A_55 : i1 to i32
      %cond3A_57 = arith.constant 0 : i32
      %cond3A_58 = arith.cmpi ne, %convert_element_type3A_56, %cond3A_57 : i32
      scf.if %cond3A_58 {
        %dma_wait3A = arith.constant 0 : i32
        %dma_wait3A_59 = arith.constant 0 : i32
        %dma_wait3A_60 = tpu.memref_slice %arg2[%dma_wait3A, %dma_wait3A_59] : memref<10000x16xf32, #tpu.memory_space<hbm>> -> memref<80x16xf32, #tpu.memory_space<hbm>>
        %dma_wait3A_61 = arith.constant 0 : i32
        %dma_wait3A_62 = arith.constant 0 : i32
        %dma_wait3A_63 = tpu.memref_slice %arg2[%dma_wait3A_61, %dma_wait3A_62] : memref<10000x16xf32, #tpu.memory_space<hbm>> -> memref<80x16xf32, #tpu.memory_space<hbm>>
        tpu.wait_dma2 semaphore(%arg14 : memref<!tpu.dma_semaphore, #tpu.memory_space<semaphore_mem>>) src(%dma_wait3A_63 : memref<80x16xf32, #tpu.memory_space<hbm>>) dst(%arg10 : memref<80x16xf32, #tpu.memory_space<vmem>>)
        %add3A_64 = arith.constant 1 : i32
        %add3A_65 = arith.addi %scan3A_25, %add3A_64 : i32
        %lt3A_66 = arith.constant 125 : i32
        %lt3A_67 = arith.cmpi slt, %add3A_65, %lt3A_66 : i32
        %convert_element_type3A_68 = arith.extui %lt3A_67 : i1 to i32
        %cond3A_69 = arith.constant 0 : i32
        %cond3A_70 = arith.cmpi ne, %convert_element_type3A_68, %cond3A_69 : i32
        scf.if %cond3A_70 {
          %add3A_71 = arith.constant 1 : i32
          %add3A_72 = arith.addi %scan3A_25, %add3A_71 : i32
          %dma_start3A_73 = arith.constant 0 : i32
          %dma_start3A_74 = tpu.memref_slice %arg7[%add3A_72, %dma_start3A_73] : memref<125x80xi32, #tpu.memory_space<vmem>> -> memref<1x80xi32, #tpu.memory_space<vmem>>
          %dma_start3A_75 = tpu.memref_squeeze %dma_start3A_74 : memref<1x80xi32, #tpu.memory_space<vmem>> -> memref<80xi32, #tpu.memory_space<vmem>>
          %dma_start3A_76 = arith.constant 0 : i32
          %dma_start3A_77 = arith.constant 0 : i32
          %dma_start3A_78 = tpu.memref_slice %arg12[%dma_start3A_76, %dma_start3A_77] : memref<10000x16xf32, #tpu.memory_space<vmem_shared>> -> memref<10000x16xf32, #tpu.memory_space<vmem_shared>>
          tpu.enqueue_indirect_dma source(%dma_start3A_78 : memref<10000x16xf32, #tpu.memory_space<vmem_shared>>) target(%arg9 : memref<80x16xf32, #tpu.memory_space<vmem>>) offsets(%dma_start3A_75 : memref<80xi32, #tpu.memory_space<vmem>>) semaphore(%arg13 : memref<!tpu.dma_semaphore, #tpu.memory_space<semaphore_mem>>)
        } else {
        }
        "tpu.region"() ({
          %run_scoped3A_71 = tpu.sem_alloc : memref<!tpu.dma_semaphore, #tpu.memory_space<semaphore_mem>>
          %dma_start3A_72 = arith.constant 0 : i32
          %dma_start3A_73 = tpu.memref_slice %arg8[%scan3A_25, %dma_start3A_72] : memref<125x80xi32, #tpu.memory_space<vmem>> -> memref<1x80xi32, #tpu.memory_space<vmem>>
          %dma_start3A_74 = tpu.memref_squeeze %dma_start3A_73 : memref<1x80xi32, #tpu.memory_space<vmem>> -> memref<80xi32, #tpu.memory_space<vmem>>
          %dma_start3A_75 = arith.constant 0 : i32
          %dma_start3A_76 = arith.constant 0 : i32
          %dma_start3A_77 = tpu.memref_slice %arg11[%dma_start3A_75, %dma_start3A_76] : memref<10240x16xf32, #tpu.memory_space<vmem_shared>> -> memref<10240x16xf32, #tpu.memory_space<vmem_shared>>
          tpu.enqueue_indirect_dma source(%arg10 : memref<80x16xf32, #tpu.memory_space<vmem>>) target(%dma_start3A_77 : memref<10240x16xf32, #tpu.memory_space<vmem_shared>>) offsets(%dma_start3A_74 : memref<80xi32, #tpu.memory_space<vmem>>) semaphore(%run_scoped3A_71 : memref<!tpu.dma_semaphore, #tpu.memory_space<semaphore_mem>>) {add = true}
          %dma_wait3A_78 = arith.constant 0 : i32
          %dma_wait3A_79 = tpu.memref_slice %arg8[%scan3A_25, %dma_wait3A_78] : memref<125x80xi32, #tpu.memory_space<vmem>> -> memref<1x80xi32, #tpu.memory_space<vmem>>
          %dma_wait3A_80 = tpu.memref_squeeze %dma_wait3A_79 : memref<1x80xi32, #tpu.memory_space<vmem>> -> memref<80xi32, #tpu.memory_space<vmem>>
          %dma_wait3A_81 = arith.constant 0 : i32
          %dma_wait3A_82 = arith.constant 0 : i32
          %dma_wait3A_83 = tpu.memref_slice %arg11[%dma_wait3A_81, %dma_wait3A_82] : memref<10240x16xf32, #tpu.memory_space<vmem_shared>> -> memref<10240x16xf32, #tpu.memory_space<vmem_shared>>
          tpu.wait_indirect_dma semaphore(%run_scoped3A_71 : memref<!tpu.dma_semaphore, #tpu.memory_space<semaphore_mem>>) src(%arg10 : memref<80x16xf32, #tpu.memory_space<vmem>>) dst(%dma_wait3A_83 : memref<10240x16xf32, #tpu.memory_space<vmem_shared>>)
          tpu.yield
        }) : () -> ()
      } else {
      }
    }
    %scan3A_23 = arith.constant 125 : i32
    %barrier3A_24 = arith.constant 0 : index
    tpu.barrier barrier_id(%barrier3A_24)
    "tpu.region"() ({
      %run_scoped3A_25 = tpu.sem_alloc : memref<!tpu.dma_semaphore, #tpu.memory_space<semaphore_mem>>
      %dma_start3A_26 = arith.constant 0 : i32
      %dma_start3A_27 = tpu.memref_slice %arg6[%arg0, %mul3A_2, %dma_start3A_26] : memref<2x10240x16xf32, #tpu.memory_space<hbm>> -> memref<1x640x16xf32, #tpu.memory_space<hbm>>
      %dma_start3A_28 = tpu.memref_squeeze %dma_start3A_27 : memref<1x640x16xf32, #tpu.memory_space<hbm>> -> memref<640x16xf32, #tpu.memory_space<hbm>>
      %dma_start3A_29 = arith.constant 0 : i32
      %dma_start3A_30 = tpu.memref_slice %arg11[%mul3A_2, %dma_start3A_29] : memref<10240x16xf32, #tpu.memory_space<vmem_shared>> -> memref<640x16xf32, #tpu.memory_space<vmem_shared>>
      tpu.enqueue_dma source(%dma_start3A_30 : memref<640x16xf32, #tpu.memory_space<vmem_shared>>) target(%dma_start3A_28 : memref<640x16xf32, #tpu.memory_space<hbm>>) target_semaphore(%run_scoped3A_25 : memref<!tpu.dma_semaphore, #tpu.memory_space<semaphore_mem>>)
      %dma_wait3A = arith.constant 0 : i32
      %dma_wait3A_31 = tpu.memref_slice %arg6[%arg0, %mul3A_2, %dma_wait3A] : memref<2x10240x16xf32, #tpu.memory_space<hbm>> -> memref<1x640x16xf32, #tpu.memory_space<hbm>>
      %dma_wait3A_32 = tpu.memref_squeeze %dma_wait3A_31 : memref<1x640x16xf32, #tpu.memory_space<hbm>> -> memref<640x16xf32, #tpu.memory_space<hbm>>
      %dma_wait3A_33 = arith.constant 0 : i32
      %dma_wait3A_34 = tpu.memref_slice %arg11[%mul3A_2, %dma_wait3A_33] : memref<10240x16xf32, #tpu.memory_space<vmem_shared>> -> memref<640x16xf32, #tpu.memory_space<vmem_shared>>
      tpu.wait_dma2 semaphore(%run_scoped3A_25 : memref<!tpu.dma_semaphore, #tpu.memory_space<semaphore_mem>>) src(%dma_wait3A_34 : memref<640x16xf32, #tpu.memory_space<vmem_shared>>) dst(%dma_wait3A_32 : memref<640x16xf32, #tpu.memory_space<hbm>>)
      tpu.yield
    }) : () -> ()
    return
  }
}

module attributes {stable_mosaic.version = 14 : i64} {
  func.func @_mms_body(%arg0: i32, %arg1: memref<1000x128xf32, #tpu.memory_space<vmem>>, %arg2: memref<128x128xf32, #tpu.memory_space<vmem>>, %arg3: memref<2x1000x16xf32, #tpu.memory_space<vmem>>, %arg4: memref<1000x128xf32, #tpu.memory_space<vmem>>) attributes {dimension_semantics = [#tpu.dimension_semantics<arbitrary>], iteration_bounds = array<i64: 10>, scalar_prefetch = 0 : i64, scratch_operands = 0 : i64, tpu.core_type = #tpu.core_type<tc>, window_params = [{transform_indices = @transform_0, window_bounds = array<i64: 1000, 128>}, {pipeline_mode = #tpu.pipeline_mode<synchronous>, transform_indices = @transform_1, window_bounds = array<i64: 128, 128>}, {transform_indices = @transform_2, window_bounds = array<i64: 2, 1000, 16>}, {transform_indices = @transform_3, window_bounds = array<i64: 1000, 128>}]} {
    %get3A = arith.constant 0 : index
    %get3A_0 = arith.constant 0 : index
    %get3A_1 = arith.constant 0 : index
    %get3A_2 = vector.load %arg3[%get3A, %get3A_0, %get3A_1] : memref<2x1000x16xf32, #tpu.memory_space<vmem>>, vector<1x1000x1xf32>
    %get3A_3 = vector.shape_cast %get3A_2 : vector<1x1000x1xf32> to vector<1000x1xf32>
    %get3A_4 = arith.constant 1 : index
    %get3A_5 = arith.constant 0 : index
    %get3A_6 = arith.constant 0 : index
    %get3A_7 = vector.load %arg3[%get3A_4, %get3A_5, %get3A_6] : memref<2x1000x16xf32, #tpu.memory_space<vmem>>, vector<1x1000x1xf32>
    %get3A_8 = vector.shape_cast %get3A_7 : vector<1x1000x1xf32> to vector<1000x1xf32>
    %add3A = arith.addf %get3A_3, %get3A_8 : vector<1000x1xf32>
    %add3A_9 = arith.constant 1.000000e+00 : f32
    %add3A_10 = vector.broadcast %add3A_9 : f32 to vector<1000x1xf32>
    %add3A_11 = arith.addf %add3A, %add3A_10 : vector<1000x1xf32>
    %rsqrt3A = math.rsqrt %add3A_11 : vector<1000x1xf32>
    %get3A_12 = arith.constant 0 : index
    %get3A_13 = arith.constant 0 : index
    %get3A_14 = vector.load %arg1[%get3A_12, %get3A_13] : memref<1000x128xf32, #tpu.memory_space<vmem>>, vector<1000x128xf32>
    %get3A_15 = arith.constant 0 : index
    %get3A_16 = arith.constant 0 : index
    %get3A_17 = vector.load %arg2[%get3A_15, %get3A_16] : memref<128x128xf32, #tpu.memory_space<vmem>>, vector<128x128xf32>
    %convert_element_type3A = arith.truncf %get3A_14 : vector<1000x128xf32> to vector<1000x128xbf16>
    %convert_element_type3A_18 = arith.truncf %get3A_17 : vector<128x128xf32> to vector<128x128xbf16>
    %dot_general3A = arith.constant dense<0.000000e+00> : vector<1000x128xf32>
    %dot_general3A_19 = tpu.matmul %convert_element_type3A, %convert_element_type3A_18, %dot_general3A {dimension_numbers = #tpu.dot_dimension_numbers<[1], [0], [0], [1], [0, 0, 1, 1], [], []>, transpose_lhs_hint = false} : vector<1000x128xbf16>, vector<128x128xbf16>, vector<1000x128xf32> -> vector<1000x128xf32>
    %mul3A = vector.broadcast %rsqrt3A : vector<1000x1xf32> to vector<1000x128xf32>
    %mul3A_20 = arith.mulf %dot_general3A_19, %mul3A : vector<1000x128xf32>
    %swap3A = arith.constant 0 : index
    %swap3A_21 = arith.constant 0 : index
    %swap3A_22 = vector.load %arg4[%swap3A, %swap3A_21] : memref<1000x128xf32, #tpu.memory_space<vmem>>, vector<1000x128xf32>
    tpu.vector_store %arg4[%swap3A, %swap3A_21], %mul3A_20 {strides = array<i32>} : memref<1000x128xf32, #tpu.memory_space<vmem>>, vector<1000x128xf32>,
    return
  }
  func.func @transform_0(%arg0: i32) -> (i32, i32) {
    %c0_i32 = arith.constant 0 : i32
    %c0_i32_0 = arith.constant 0 : i32
    return %arg0, %c0_i32 : i32, i32
  }
  func.func @transform_1(%arg0: i32) -> (i32, i32) {
    %c0_i32 = arith.constant 0 : i32
    %c0_i32_0 = arith.constant 0 : i32
    %c0_i32_1 = arith.constant 0 : i32
    return %c0_i32, %c0_i32_0 : i32, i32
  }
  func.func @transform_2(%arg0: i32) -> (i32, i32, i32) {
    %c0_i32 = arith.constant 0 : i32
    %c0_i32_0 = arith.constant 0 : i32
    %c0_i32_1 = arith.constant 0 : i32
    return %c0_i32, %arg0, %c0_i32_0 : i32, i32, i32
  }
  func.func @transform_3(%arg0: i32) -> (i32, i32) {
    %c0_i32 = arith.constant 0 : i32
    %c0_i32_0 = arith.constant 0 : i32
    return %arg0, %c0_i32 : i32, i32
  }
}

module attributes {stable_mosaic.version = 14 : i64} {
  func.func @_conv1_body(%arg0: i32, %arg1: memref<1000x128xf32, #tpu.memory_space<vmem>>, %arg2: memref<2x1000x128xf32, #tpu.memory_space<vmem>>, %arg3: memref<2x1000x16xf32, #tpu.memory_space<vmem>>, %arg4: memref<1x128xf32, #tpu.memory_space<vmem>>, %arg5: memref<128x128xf32, #tpu.memory_space<vmem>>, %arg6: memref<1000x128xf32, #tpu.memory_space<vmem>>, %arg7: memref<1000x128xf32, #tpu.memory_space<vmem>>) attributes {dimension_semantics = [#tpu.dimension_semantics<arbitrary>], iteration_bounds = array<i64: 10>, scalar_prefetch = 0 : i64, scratch_operands = 0 : i64, tpu.core_type = #tpu.core_type<tc>, window_params = [{transform_indices = @transform_0, window_bounds = array<i64: 1000, 128>}, {transform_indices = @transform_1, window_bounds = array<i64: 2, 1000, 128>}, {transform_indices = @transform_2, window_bounds = array<i64: 2, 1000, 16>}, {pipeline_mode = #tpu.pipeline_mode<synchronous>, transform_indices = @transform_3, window_bounds = array<i64: 1, 128>}, {pipeline_mode = #tpu.pipeline_mode<synchronous>, transform_indices = @transform_4, window_bounds = array<i64: 128, 128>}, {transform_indices = @transform_5, window_bounds = array<i64: 1000, 128>}, {transform_indices = @transform_6, window_bounds = array<i64: 1000, 128>}]} {
    %get3A = arith.constant 0 : index
    %get3A_0 = arith.constant 0 : index
    %get3A_1 = arith.constant 0 : index
    %get3A_2 = vector.load %arg3[%get3A, %get3A_0, %get3A_1] : memref<2x1000x16xf32, #tpu.memory_space<vmem>>, vector<1x1000x1xf32>
    %get3A_3 = vector.shape_cast %get3A_2 : vector<1x1000x1xf32> to vector<1000x1xf32>
    %get3A_4 = arith.constant 1 : index
    %get3A_5 = arith.constant 0 : index
    %get3A_6 = arith.constant 0 : index
    %get3A_7 = vector.load %arg3[%get3A_4, %get3A_5, %get3A_6] : memref<2x1000x16xf32, #tpu.memory_space<vmem>>, vector<1x1000x1xf32>
    %get3A_8 = vector.shape_cast %get3A_7 : vector<1x1000x1xf32> to vector<1000x1xf32>
    %add3A = arith.addf %get3A_3, %get3A_8 : vector<1000x1xf32>
    %add3A_9 = arith.constant 1.000000e+00 : f32
    %add3A_10 = vector.broadcast %add3A_9 : f32 to vector<1000x1xf32>
    %add3A_11 = arith.addf %add3A, %add3A_10 : vector<1000x1xf32>
    %rsqrt3A = math.rsqrt %add3A_11 : vector<1000x1xf32>
    %get3A_12 = arith.constant 0 : index
    %get3A_13 = arith.constant 0 : index
    %get3A_14 = arith.constant 0 : index
    %get3A_15 = vector.load %arg2[%get3A_12, %get3A_13, %get3A_14] : memref<2x1000x128xf32, #tpu.memory_space<vmem>>, vector<1x1000x128xf32>
    %get3A_16 = vector.shape_cast %get3A_15 : vector<1x1000x128xf32> to vector<1000x128xf32>
    %get3A_17 = arith.constant 1 : index
    %get3A_18 = arith.constant 0 : index
    %get3A_19 = arith.constant 0 : index
    %get3A_20 = vector.load %arg2[%get3A_17, %get3A_18, %get3A_19] : memref<2x1000x128xf32, #tpu.memory_space<vmem>>, vector<1x1000x128xf32>
    %get3A_21 = vector.shape_cast %get3A_20 : vector<1x1000x128xf32> to vector<1000x128xf32>
    %add3A_22 = arith.addf %get3A_16, %get3A_21 : vector<1000x128xf32>
    %get3A_23 = arith.constant 0 : index
    %get3A_24 = arith.constant 0 : index
    %get3A_25 = vector.load %arg1[%get3A_23, %get3A_24] : memref<1000x128xf32, #tpu.memory_space<vmem>>, vector<1000x128xf32>
    %add3A_26 = arith.addf %add3A_22, %get3A_25 : vector<1000x128xf32>
    %mul3A = vector.broadcast %rsqrt3A : vector<1000x1xf32> to vector<1000x128xf32>
    %mul3A_27 = arith.mulf %mul3A, %add3A_26 : vector<1000x128xf32>
    %get3A_28 = arith.constant 0 : index
    %get3A_29 = arith.constant 0 : index
    %get3A_30 = vector.load %arg4[%get3A_28, %get3A_29] : memref<1x128xf32, #tpu.memory_space<vmem>>, vector<1x128xf32>
    %add3A_31 = vector.broadcast %get3A_30 : vector<1x128xf32> to vector<1000x128xf32>
    %add3A_32 = arith.addf %mul3A_27, %add3A_31 : vector<1000x128xf32>
    %max3A = arith.constant 0.000000e+00 : f32
    %max3A_33 = vector.broadcast %max3A : f32 to vector<1000x128xf32>
    %max3A_34 = arith.maximumf %add3A_32, %max3A_33 : vector<1000x128xf32>
    %swap3A = arith.constant 0 : index
    %swap3A_35 = arith.constant 0 : index
    %swap3A_36 = vector.load %arg6[%swap3A, %swap3A_35] : memref<1000x128xf32, #tpu.memory_space<vmem>>, vector<1000x128xf32>
    tpu.vector_store %arg6[%swap3A, %swap3A_35], %max3A_34 {strides = array<i32>} : memref<1000x128xf32, #tpu.memory_space<vmem>>, vector<1000x128xf32>,
    %get3A_37 = arith.constant 0 : index
    %get3A_38 = arith.constant 0 : index
    %get3A_39 = vector.load %arg5[%get3A_37, %get3A_38] : memref<128x128xf32, #tpu.memory_space<vmem>>, vector<128x128xf32>
    %convert_element_type3A = arith.truncf %max3A_34 : vector<1000x128xf32> to vector<1000x128xbf16>
    %convert_element_type3A_40 = arith.truncf %get3A_39 : vector<128x128xf32> to vector<128x128xbf16>
    %dot_general3A = arith.constant dense<0.000000e+00> : vector<1000x128xf32>
    %dot_general3A_41 = tpu.matmul %convert_element_type3A, %convert_element_type3A_40, %dot_general3A {dimension_numbers = #tpu.dot_dimension_numbers<[1], [0], [0], [1], [0, 0, 1, 1], [], []>, transpose_lhs_hint = false} : vector<1000x128xbf16>, vector<128x128xbf16>, vector<1000x128xf32> -> vector<1000x128xf32>
    %swap3A_42 = arith.constant 0 : index
    %swap3A_43 = arith.constant 0 : index
    %swap3A_44 = vector.load %arg7[%swap3A_42, %swap3A_43] : memref<1000x128xf32, #tpu.memory_space<vmem>>, vector<1000x128xf32>
    tpu.vector_store %arg7[%swap3A_42, %swap3A_43], %dot_general3A_41 {strides = array<i32>} : memref<1000x128xf32, #tpu.memory_space<vmem>>, vector<1000x128xf32>,
    return
  }
  func.func @transform_0(%arg0: i32) -> (i32, i32) {
    %c0_i32 = arith.constant 0 : i32
    %c0_i32_0 = arith.constant 0 : i32
    return %arg0, %c0_i32 : i32, i32
  }
  func.func @transform_1(%arg0: i32) -> (i32, i32, i32) {
    %c0_i32 = arith.constant 0 : i32
    %c0_i32_0 = arith.constant 0 : i32
    %c0_i32_1 = arith.constant 0 : i32
    return %c0_i32, %arg0, %c0_i32_0 : i32, i32, i32
  }
  func.func @transform_2(%arg0: i32) -> (i32, i32, i32) {
    %c0_i32 = arith.constant 0 : i32
    %c0_i32_0 = arith.constant 0 : i32
    %c0_i32_1 = arith.constant 0 : i32
    return %c0_i32, %arg0, %c0_i32_0 : i32, i32, i32
  }
  func.func @transform_3(%arg0: i32) -> (i32, i32) {
    %c0_i32 = arith.constant 0 : i32
    %c0_i32_0 = arith.constant 0 : i32
    %c0_i32_1 = arith.constant 0 : i32
    return %c0_i32, %c0_i32_0 : i32, i32
  }
  func.func @transform_4(%arg0: i32) -> (i32, i32) {
    %c0_i32 = arith.constant 0 : i32
    %c0_i32_0 = arith.constant 0 : i32
    %c0_i32_1 = arith.constant 0 : i32
    return %c0_i32, %c0_i32_0 : i32, i32
  }
  func.func @transform_5(%arg0: i32) -> (i32, i32) {
    %c0_i32 = arith.constant 0 : i32
    %c0_i32_0 = arith.constant 0 : i32
    return %arg0, %c0_i32 : i32, i32
  }
  func.func @transform_6(%arg0: i32) -> (i32, i32) {
    %c0_i32 = arith.constant 0 : i32
    %c0_i32_0 = arith.constant 0 : i32
    return %arg0, %c0_i32 : i32, i32
  }
}

module attributes {stable_mosaic.version = 14 : i64} {
  func.func @_sqrow_body(%arg0: i32, %arg1: memref<1x1250x128xf32, #tpu.memory_space<vmem>>, %arg2: memref<1x1x1250xf32, #tpu.memory_space<vmem>>) attributes {dimension_semantics = [#tpu.dimension_semantics<arbitrary>], iteration_bounds = array<i64: 8>, scalar_prefetch = 0 : i64, scratch_operands = 0 : i64, tpu.core_type = #tpu.core_type<tc>, window_params = [{transform_indices = @transform_0, window_bounds = array<i64: 1, 1250, 128>}, {transform_indices = @transform_1, window_bounds = array<i64: 1, 1, 1250>}]} {
    %get3A = arith.constant 0 : index
    %get3A_0 = arith.constant 0 : index
    %get3A_1 = arith.constant 0 : index
    %get3A_2 = vector.load %arg1[%get3A, %get3A_0, %get3A_1] : memref<1x1250x128xf32, #tpu.memory_space<vmem>>, vector<1x1250x128xf32>
    %get3A_3 = vector.shape_cast %get3A_2 : vector<1x1250x128xf32> to vector<1250x128xf32>
    %iota3A = tpu.iota {dimensions = array<i32: 1>} : vector<1250x128xi32>
    %lt3A = arith.constant 3 : i32
    %lt3A_4 = vector.broadcast %lt3A : i32 to vector<1250x128xi32>
    %lt3A_5 = arith.cmpi slt, %iota3A, %lt3A_4 : vector<1250x128xi32>
    %jit3A = arith.constant 0.000000e+00 : f32
    %broadcast_in_dim3A = vector.broadcast %jit3A : f32 to vector<1250x128xf32>
    %select_n3A = arith.select %lt3A_5, %get3A_3, %broadcast_in_dim3A : vector<1250x128xi1>, vector<1250x128xf32>
    %mul3A = arith.mulf %select_n3A, %select_n3A : vector<1250x128xf32>
    %reduce_sum3A = arith.constant dense<0.000000e+00> : vector<1250xf32>
    %reduce_sum3A_6 = vector.multi_reduction <add>, %mul3A, %reduce_sum3A [1] : vector<1250x128xf32> to vector<1250xf32>
    %broadcast_in_dim3A_7 = vector.shape_cast %reduce_sum3A_6 : vector<1250xf32> to vector<1250x1xf32>
    %iota3A_8 = tpu.iota {dimensions = array<i32: 0>} : vector<1250x1250xi32>
    %iota3A_9 = tpu.iota {dimensions = array<i32: 1>} : vector<1250x1250xi32>
    %eq3A = arith.cmpi eq, %iota3A_8, %iota3A_9 : vector<1250x1250xi32>
    %jit3A_10 = arith.constant 1.000000e+00 : f32
    %jit3A_11 = arith.constant 0.000000e+00 : f32
    %broadcast_in_dim3A_12 = vector.broadcast %jit3A_10 : f32 to vector<1250x1250xf32>
    %broadcast_in_dim3A_13 = vector.broadcast %jit3A_11 : f32 to vector<1250x1250xf32>
    %select_n3A_14 = arith.select %eq3A, %broadcast_in_dim3A_12, %broadcast_in_dim3A_13 : vector<1250x1250xi1>, vector<1250x1250xf32>
    %dot_general3A = arith.constant dense<0.000000e+00> : vector<1x1250xf32>
    %dot_general3A_15 = tpu.matmul %broadcast_in_dim3A_7, %select_n3A_14, %dot_general3A {dimension_numbers = #tpu.dot_dimension_numbers<[0], [0], [1], [1], [0, 1, 1, 1], [], []>, precision = #tpu.contract_precision<fp32>, transpose_lhs_hint = false} : vector<1250x1xf32>, vector<1250x1250xf32>, vector<1x1250xf32> -> vector<1x1250xf32>
    %swap3A = arith.constant 0 : index
    %swap3A_16 = arith.constant 0 : index
    %swap3A_17 = arith.constant 0 : index
    %swap3A_18 = vector.load %arg2[%swap3A, %swap3A_16, %swap3A_17] : memref<1x1x1250xf32, #tpu.memory_space<vmem>>, vector<1x1x1250xf32>
    %swap3A_19 = vector.shape_cast %swap3A_18 : vector<1x1x1250xf32> to vector<1x1250xf32>
    %swap3A_20 = vector.shape_cast %dot_general3A_15 : vector<1x1250xf32> to vector<1x1x1250xf32>
    tpu.vector_store %arg2[%swap3A, %swap3A_16, %swap3A_17], %swap3A_20 {strides = array<i32>} : memref<1x1x1250xf32, #tpu.memory_space<vmem>>, vector<1x1x1250xf32>,
    return
  }
  func.func @transform_0(%arg0: i32) -> (i32, i32, i32) {
    %c0_i32 = arith.constant 0 : i32
    %c0_i32_0 = arith.constant 0 : i32
    %c0_i32_1 = arith.constant 0 : i32
    return %arg0, %c0_i32, %c0_i32_0 : i32, i32, i32
  }
  func.func @transform_1(%arg0: i32) -> (i32, i32, i32) {
    %c0_i32 = arith.constant 0 : i32
    %c0_i32_0 = arith.constant 0 : i32
    %c0_i32_1 = arith.constant 0 : i32
    return %arg0, %c0_i32, %c0_i32_0 : i32, i32, i32
  }
}

module attributes {stable_mosaic.version = 14 : i64} {
  func.func @_knn_body(%arg0: i32, %arg1: memref<1x1250x128xf32, #tpu.memory_space<vmem>>, %arg2: memref<1x1x1250xf32, #tpu.memory_space<vmem>>, %arg3: memref<1x1250x8xi32, #tpu.memory_space<vmem>>) attributes {dimension_semantics = [#tpu.dimension_semantics<arbitrary>], iteration_bounds = array<i64: 8>, scalar_prefetch = 0 : i64, scratch_operands = 0 : i64, tpu.core_type = #tpu.core_type<tc>, window_params = [{transform_indices = @transform_0, window_bounds = array<i64: 1, 1250, 128>}, {transform_indices = @transform_1, window_bounds = array<i64: 1, 1, 1250>}, {transform_indices = @transform_2, window_bounds = array<i64: 1, 1250, 8>}]} {
    %get3A = arith.constant 0 : index
    %get3A_0 = arith.constant 0 : index
    %get3A_1 = arith.constant 0 : index
    %get3A_2 = vector.load %arg1[%get3A, %get3A_0, %get3A_1] : memref<1x1250x128xf32, #tpu.memory_space<vmem>>, vector<1x1250x128xf32>
    %get3A_3 = vector.shape_cast %get3A_2 : vector<1x1250x128xf32> to vector<1250x128xf32>
    %iota3A = tpu.iota {dimensions = array<i32: 1>} : vector<1250x128xi32>
    %lt3A = arith.constant 3 : i32
    %lt3A_4 = vector.broadcast %lt3A : i32 to vector<1250x128xi32>
    %lt3A_5 = arith.cmpi slt, %iota3A, %lt3A_4 : vector<1250x128xi32>
    %jit3A = arith.constant 0.000000e+00 : f32
    %broadcast_in_dim3A = vector.broadcast %jit3A : f32 to vector<1250x128xf32>
    %select_n3A = arith.select %lt3A_5, %get3A_3, %broadcast_in_dim3A : vector<1250x128xi1>, vector<1250x128xf32>
    %convert_element_type3A = arith.truncf %select_n3A : vector<1250x128xf32> to vector<1250x128xbf16>
    %convert_element_type3A_6 = arith.truncf %get3A_3 : vector<1250x128xf32> to vector<1250x128xbf16>
    %dot_general3A = arith.constant dense<0.000000e+00> : vector<1250x1250xf32>
    %dot_general3A_7 = tpu.matmul %convert_element_type3A, %convert_element_type3A_6, %dot_general3A {dimension_numbers = #tpu.dot_dimension_numbers<[1], [1], [0], [0], [0, 0, 1, 0], [], []>, transpose_lhs_hint = false} : vector<1250x128xbf16>, vector<1250x128xbf16>, vector<1250x1250xf32> -> vector<1250x1250xf32>
    %mul3A = arith.mulf %select_n3A, %select_n3A : vector<1250x128xf32>
    %reduce_sum3A = arith.constant dense<0.000000e+00> : vector<1250xf32>
    %reduce_sum3A_8 = vector.multi_reduction <add>, %mul3A, %reduce_sum3A [1] : vector<1250x128xf32> to vector<1250xf32>
    %broadcast_in_dim3A_9 = vector.shape_cast %reduce_sum3A_8 : vector<1250xf32> to vector<1250x1xf32>
    %get3A_10 = arith.constant 0 : index
    %get3A_11 = arith.constant 0 : index
    %get3A_12 = arith.constant 0 : index
    %get3A_13 = vector.load %arg2[%get3A_10, %get3A_11, %get3A_12] : memref<1x1x1250xf32, #tpu.memory_space<vmem>>, vector<1x1x1250xf32>
    %get3A_14 = vector.shape_cast %get3A_13 : vector<1x1x1250xf32> to vector<1x1250xf32>
    %add3A = vector.broadcast %broadcast_in_dim3A_9 : vector<1250x1xf32> to vector<1250x1250xf32>
    %add3A_15 = vector.broadcast %get3A_14 : vector<1x1250xf32> to vector<1250x1250xf32>
    %add3A_16 = arith.addf %add3A, %add3A_15 : vector<1250x1250xf32>
    %mul3A_17 = arith.constant 2.000000e+00 : f32
    %mul3A_18 = vector.broadcast %mul3A_17 : f32 to vector<1250x1250xf32>
    %mul3A_19 = arith.mulf %mul3A_18, %dot_general3A_7 : vector<1250x1250xf32>
    %sub3A = arith.subf %add3A_16, %mul3A_19 : vector<1250x1250xf32>
    %iota3A_20 = tpu.iota {dimensions = array<i32: 0>} : vector<1250x1250xi32>
    %iota3A_21 = tpu.iota {dimensions = array<i32: 1>} : vector<1250x1250xi32>
    %eq3A = arith.cmpi eq, %iota3A_21, %iota3A_20 : vector<1250x1250xi32>
    %jit3A_22 = arith.constant 0x7F800000 : f32
    %broadcast_in_dim3A_23 = vector.broadcast %jit3A_22 : f32 to vector<1250x1250xf32>
    %select_n3A_24 = arith.select %eq3A, %broadcast_in_dim3A_23, %sub3A : vector<1250x1250xi1>, vector<1250x1250xf32>
    %reduce_min3A = arith.constant dense<0x7F800000> : vector<1250xf32>
    %reduce_min3A_25 = vector.multi_reduction <minimumf>, %select_n3A_24, %reduce_min3A [1] : vector<1250x1250xf32> to vector<1250xf32>
    %broadcast_in_dim3A_26 = vector.shape_cast %reduce_min3A_25 : vector<1250xf32> to vector<1250x1xf32>
    %eq3A_27 = vector.broadcast %broadcast_in_dim3A_26 : vector<1250x1xf32> to vector<1250x1250xf32>
    %eq3A_28 = arith.cmpf oeq, %select_n3A_24, %eq3A_27 : vector<1250x1250xf32>
    %jit3A_29 = arith.constant 1073741824 : i32
    %broadcast_in_dim3A_30 = vector.broadcast %jit3A_29 : i32 to vector<1250x1250xi32>
    %select_n3A_31 = arith.select %eq3A_28, %iota3A_21, %broadcast_in_dim3A_30 : vector<1250x1250xi1>, vector<1250x1250xi32>
    %reduce_min3A_32 = arith.constant dense<2147483647> : vector<1250xi32>
    %reduce_min3A_33 = vector.multi_reduction <minsi>, %select_n3A_31, %reduce_min3A_32 [1] : vector<1250x1250xi32> to vector<1250xi32>
    %broadcast_in_dim3A_34 = vector.shape_cast %reduce_min3A_33 : vector<1250xi32> to vector<1250x1xi32>
    %eq3A_35 = vector.broadcast %broadcast_in_dim3A_34 : vector<1250x1xi32> to vector<1250x1250xi32>
    %eq3A_36 = arith.cmpi eq, %iota3A_21, %eq3A_35 : vector<1250x1250xi32>
    %jit3A_37 = arith.constant 0x7F800000 : f32
    %broadcast_in_dim3A_38 = vector.broadcast %jit3A_37 : f32 to vector<1250x1250xf32>
    %select_n3A_39 = arith.select %eq3A_36, %broadcast_in_dim3A_38, %select_n3A_24 : vector<1250x1250xi1>, vector<1250x1250xf32>
    %reduce_min3A_40 = arith.constant dense<0x7F800000> : vector<1250xf32>
    %reduce_min3A_41 = vector.multi_reduction <minimumf>, %select_n3A_39, %reduce_min3A_40 [1] : vector<1250x1250xf32> to vector<1250xf32>
    %broadcast_in_dim3A_42 = vector.shape_cast %reduce_min3A_41 : vector<1250xf32> to vector<1250x1xf32>
    %eq3A_43 = vector.broadcast %broadcast_in_dim3A_42 : vector<1250x1xf32> to vector<1250x1250xf32>
    %eq3A_44 = arith.cmpf oeq, %select_n3A_39, %eq3A_43 : vector<1250x1250xf32>
    %jit3A_45 = arith.constant 1073741824 : i32
    %broadcast_in_dim3A_46 = vector.broadcast %jit3A_45 : i32 to vector<1250x1250xi32>
    %select_n3A_47 = arith.select %eq3A_44, %iota3A_21, %broadcast_in_dim3A_46 : vector<1250x1250xi1>, vector<1250x1250xi32>
    %reduce_min3A_48 = arith.constant dense<2147483647> : vector<1250xi32>
    %reduce_min3A_49 = vector.multi_reduction <minsi>, %select_n3A_47, %reduce_min3A_48 [1] : vector<1250x1250xi32> to vector<1250xi32>
    %broadcast_in_dim3A_50 = vector.shape_cast %reduce_min3A_49 : vector<1250xi32> to vector<1250x1xi32>
    %eq3A_51 = vector.broadcast %broadcast_in_dim3A_50 : vector<1250x1xi32> to vector<1250x1250xi32>
    %eq3A_52 = arith.cmpi eq, %iota3A_21, %eq3A_51 : vector<1250x1250xi32>
    %jit3A_53 = arith.constant 0x7F800000 : f32
    %broadcast_in_dim3A_54 = vector.broadcast %jit3A_53 : f32 to vector<1250x1250xf32>
    %select_n3A_55 = arith.select %eq3A_52, %broadcast_in_dim3A_54, %select_n3A_39 : vector<1250x1250xi1>, vector<1250x1250xf32>
    %reduce_min3A_56 = arith.constant dense<0x7F800000> : vector<1250xf32>
    %reduce_min3A_57 = vector.multi_reduction <minimumf>, %select_n3A_55, %reduce_min3A_56 [1] : vector<1250x1250xf32> to vector<1250xf32>
    %broadcast_in_dim3A_58 = vector.shape_cast %reduce_min3A_57 : vector<1250xf32> to vector<1250x1xf32>
    %eq3A_59 = vector.broadcast %broadcast_in_dim3A_58 : vector<1250x1xf32> to vector<1250x1250xf32>
    %eq3A_60 = arith.cmpf oeq, %select_n3A_55, %eq3A_59 : vector<1250x1250xf32>
    %jit3A_61 = arith.constant 1073741824 : i32
    %broadcast_in_dim3A_62 = vector.broadcast %jit3A_61 : i32 to vector<1250x1250xi32>
    %select_n3A_63 = arith.select %eq3A_60, %iota3A_21, %broadcast_in_dim3A_62 : vector<1250x1250xi1>, vector<1250x1250xi32>
    %reduce_min3A_64 = arith.constant dense<2147483647> : vector<1250xi32>
    %reduce_min3A_65 = vector.multi_reduction <minsi>, %select_n3A_63, %reduce_min3A_64 [1] : vector<1250x1250xi32> to vector<1250xi32>
    %broadcast_in_dim3A_66 = vector.shape_cast %reduce_min3A_65 : vector<1250xi32> to vector<1250x1xi32>
    %eq3A_67 = vector.broadcast %broadcast_in_dim3A_66 : vector<1250x1xi32> to vector<1250x1250xi32>
    %eq3A_68 = arith.cmpi eq, %iota3A_21, %eq3A_67 : vector<1250x1250xi32>
    %jit3A_69 = arith.constant 0x7F800000 : f32
    %broadcast_in_dim3A_70 = vector.broadcast %jit3A_69 : f32 to vector<1250x1250xf32>
    %select_n3A_71 = arith.select %eq3A_68, %broadcast_in_dim3A_70, %select_n3A_55 : vector<1250x1250xi1>, vector<1250x1250xf32>
    %reduce_min3A_72 = arith.constant dense<0x7F800000> : vector<1250xf32>
    %reduce_min3A_73 = vector.multi_reduction <minimumf>, %select_n3A_71, %reduce_min3A_72 [1] : vector<1250x1250xf32> to vector<1250xf32>
    %broadcast_in_dim3A_74 = vector.shape_cast %reduce_min3A_73 : vector<1250xf32> to vector<1250x1xf32>
    %eq3A_75 = vector.broadcast %broadcast_in_dim3A_74 : vector<1250x1xf32> to vector<1250x1250xf32>
    %eq3A_76 = arith.cmpf oeq, %select_n3A_71, %eq3A_75 : vector<1250x1250xf32>
    %jit3A_77 = arith.constant 1073741824 : i32
    %broadcast_in_dim3A_78 = vector.broadcast %jit3A_77 : i32 to vector<1250x1250xi32>
    %select_n3A_79 = arith.select %eq3A_76, %iota3A_21, %broadcast_in_dim3A_78 : vector<1250x1250xi1>, vector<1250x1250xi32>
    %reduce_min3A_80 = arith.constant dense<2147483647> : vector<1250xi32>
    %reduce_min3A_81 = vector.multi_reduction <minsi>, %select_n3A_79, %reduce_min3A_80 [1] : vector<1250x1250xi32> to vector<1250xi32>
    %broadcast_in_dim3A_82 = vector.shape_cast %reduce_min3A_81 : vector<1250xi32> to vector<1250x1xi32>
    %concatenate3A = tpu.concatenate %broadcast_in_dim3A_34, %broadcast_in_dim3A_50, %broadcast_in_dim3A_66, %broadcast_in_dim3A_82, %broadcast_in_dim3A_34, %broadcast_in_dim3A_50, %broadcast_in_dim3A_66, %broadcast_in_dim3A_82 in 1 : vector<1250x1xi32>, vector<1250x1xi32>, vector<1250x1xi32>, vector<1250x1xi32>, vector<1250x1xi32>, vector<1250x1xi32>, vector<1250x1xi32>, vector<1250x1xi32> -> vector<1250x8xi32>
    %mul3A_83 = arith.constant 1250 : i32
    %mul3A_84 = arith.muli %arg0, %mul3A_83 : i32
    %add3A_85 = vector.broadcast %mul3A_84 : i32 to vector<1250x8xi32>
    %add3A_86 = arith.addi %concatenate3A, %add3A_85 : vector<1250x8xi32>
    %swap3A = arith.constant 0 : index
    %swap3A_87 = arith.constant 0 : index
    %swap3A_88 = arith.constant 0 : index
    %swap3A_89 = vector.load %arg3[%swap3A, %swap3A_87, %swap3A_88] : memref<1x1250x8xi32, #tpu.memory_space<vmem>>, vector<1x1250x8xi32>
    %swap3A_90 = vector.shape_cast %swap3A_89 : vector<1x1250x8xi32> to vector<1250x8xi32>
    %swap3A_91 = vector.shape_cast %add3A_86 : vector<1250x8xi32> to vector<1x1250x8xi32>
    tpu.vector_store %arg3[%swap3A, %swap3A_87, %swap3A_88], %swap3A_91 {strides = array<i32>} : memref<1x1250x8xi32, #tpu.memory_space<vmem>>, vector<1x1250x8xi32>,
    return
  }
  func.func @transform_0(%arg0: i32) -> (i32, i32, i32) {
    %c0_i32 = arith.constant 0 : i32
    %c0_i32_0 = arith.constant 0 : i32
    %c0_i32_1 = arith.constant 0 : i32
    return %arg0, %c0_i32, %c0_i32_0 : i32, i32, i32
  }
  func.func @transform_1(%arg0: i32) -> (i32, i32, i32) {
    %c0_i32 = arith.constant 0 : i32
    %c0_i32_0 = arith.constant 0 : i32
    %c0_i32_1 = arith.constant 0 : i32
    return %arg0, %c0_i32, %c0_i32_0 : i32, i32, i32
  }
  func.func @transform_2(%arg0: i32) -> (i32, i32, i32) {
    %c0_i32 = arith.constant 0 : i32
    %c0_i32_0 = arith.constant 0 : i32
    %c0_i32_1 = arith.constant 0 : i32
    return %arg0, %c0_i32, %c0_i32_0 : i32, i32, i32
  }
}

module attributes {stable_mosaic.version = 14 : i64} {
  func.func @_conv2_body(%arg0: i32, %arg1: memref<1000x128xf32, #tpu.memory_space<vmem>>, %arg2: memref<2x1000x128xf32, #tpu.memory_space<vmem>>, %arg3: memref<1x128xf32, #tpu.memory_space<vmem>>, %arg4: memref<128x16xf32, #tpu.memory_space<vmem>>, %arg5: memref<1x16xf32, #tpu.memory_space<vmem>>, %arg6: memref<1000x128xf32, #tpu.memory_space<vmem>>, %arg7: memref<1000x16xf32, #tpu.memory_space<vmem>>) attributes {dimension_semantics = [#tpu.dimension_semantics<arbitrary>], iteration_bounds = array<i64: 10>, scalar_prefetch = 0 : i64, scratch_operands = 0 : i64, tpu.core_type = #tpu.core_type<tc>, window_params = [{transform_indices = @transform_0, window_bounds = array<i64: 1000, 128>}, {transform_indices = @transform_1, window_bounds = array<i64: 2, 1000, 128>}, {pipeline_mode = #tpu.pipeline_mode<synchronous>, transform_indices = @transform_2, window_bounds = array<i64: 1, 128>}, {pipeline_mode = #tpu.pipeline_mode<synchronous>, transform_indices = @transform_3, window_bounds = array<i64: 128, 16>}, {pipeline_mode = #tpu.pipeline_mode<synchronous>, transform_indices = @transform_4, window_bounds = array<i64: 1, 16>}, {transform_indices = @transform_5, window_bounds = array<i64: 1000, 128>}, {transform_indices = @transform_6, window_bounds = array<i64: 1000, 16>}]} {
    %get3A = arith.constant 0 : index
    %get3A_0 = arith.constant 0 : index
    %get3A_1 = vector.load %arg1[%get3A, %get3A_0] : memref<1000x128xf32, #tpu.memory_space<vmem>>, vector<1000x128xf32>
    %get3A_2 = arith.constant 0 : index
    %get3A_3 = arith.constant 0 : index
    %get3A_4 = arith.constant 0 : index
    %get3A_5 = vector.load %arg2[%get3A_2, %get3A_3, %get3A_4] : memref<2x1000x128xf32, #tpu.memory_space<vmem>>, vector<1x1000x128xf32>
    %get3A_6 = vector.shape_cast %get3A_5 : vector<1x1000x128xf32> to vector<1000x128xf32>
    %add3A = arith.addf %get3A_1, %get3A_6 : vector<1000x128xf32>
    %get3A_7 = arith.constant 1 : index
    %get3A_8 = arith.constant 0 : index
    %get3A_9 = arith.constant 0 : index
    %get3A_10 = vector.load %arg2[%get3A_7, %get3A_8, %get3A_9] : memref<2x1000x128xf32, #tpu.memory_space<vmem>>, vector<1x1000x128xf32>
    %get3A_11 = vector.shape_cast %get3A_10 : vector<1x1000x128xf32> to vector<1000x128xf32>
    %add3A_12 = arith.addf %add3A, %get3A_11 : vector<1000x128xf32>
    %mul3A = arith.constant 2.000000e-01 : f32
    %mul3A_13 = vector.broadcast %mul3A : f32 to vector<1000x128xf32>
    %mul3A_14 = arith.mulf %add3A_12, %mul3A_13 : vector<1000x128xf32>
    %get3A_15 = arith.constant 0 : index
    %get3A_16 = arith.constant 0 : index
    %get3A_17 = vector.load %arg3[%get3A_15, %get3A_16] : memref<1x128xf32, #tpu.memory_space<vmem>>, vector<1x128xf32>
    %add3A_18 = vector.broadcast %get3A_17 : vector<1x128xf32> to vector<1000x128xf32>
    %add3A_19 = arith.addf %mul3A_14, %add3A_18 : vector<1000x128xf32>
    %max3A = arith.constant 0.000000e+00 : f32
    %max3A_20 = vector.broadcast %max3A : f32 to vector<1000x128xf32>
    %max3A_21 = arith.maximumf %add3A_19, %max3A_20 : vector<1000x128xf32>
    %swap3A = arith.constant 0 : index
    %swap3A_22 = arith.constant 0 : index
    %swap3A_23 = vector.load %arg6[%swap3A, %swap3A_22] : memref<1000x128xf32, #tpu.memory_space<vmem>>, vector<1000x128xf32>
    tpu.vector_store %arg6[%swap3A, %swap3A_22], %max3A_21 {strides = array<i32>} : memref<1000x128xf32, #tpu.memory_space<vmem>>, vector<1000x128xf32>,
    %get3A_24 = arith.constant 0 : index
    %get3A_25 = arith.constant 0 : index
    %get3A_26 = vector.load %arg4[%get3A_24, %get3A_25] : memref<128x16xf32, #tpu.memory_space<vmem>>, vector<128x16xf32>
    %convert_element_type3A = arith.truncf %max3A_21 : vector<1000x128xf32> to vector<1000x128xbf16>
    %convert_element_type3A_27 = arith.truncf %get3A_26 : vector<128x16xf32> to vector<128x16xbf16>
    %dot_general3A = arith.constant dense<0.000000e+00> : vector<1000x16xf32>
    %dot_general3A_28 = tpu.matmul %convert_element_type3A, %convert_element_type3A_27, %dot_general3A {dimension_numbers = #tpu.dot_dimension_numbers<[1], [0], [0], [1], [0, 0, 1, 1], [], []>, transpose_lhs_hint = false} : vector<1000x128xbf16>, vector<128x16xbf16>, vector<1000x16xf32> -> vector<1000x16xf32>
    %get3A_29 = arith.constant 0 : index
    %get3A_30 = arith.constant 0 : index
    %get3A_31 = vector.load %arg5[%get3A_29, %get3A_30] : memref<1x16xf32, #tpu.memory_space<vmem>>, vector<1x16xf32>
    %add3A_32 = vector.broadcast %get3A_31 : vector<1x16xf32> to vector<1000x16xf32>
    %add3A_33 = arith.addf %dot_general3A_28, %add3A_32 : vector<1000x16xf32>
    %reduce_max3A = arith.constant dense<0xFF800000> : vector<1000xf32>
    %reduce_max3A_34 = vector.multi_reduction <maximumf>, %add3A_33, %reduce_max3A [1] : vector<1000x16xf32> to vector<1000xf32>
    %broadcast_in_dim3A = vector.shape_cast %reduce_max3A_34 : vector<1000xf32> to vector<1000x1xf32>
    %sub3A = vector.broadcast %broadcast_in_dim3A : vector<1000x1xf32> to vector<1000x16xf32>
    %sub3A_35 = arith.subf %add3A_33, %sub3A : vector<1000x16xf32>
    %exp3A = math.exp %sub3A_35 : vector<1000x16xf32>
    %reduce_sum3A = arith.constant dense<0.000000e+00> : vector<1000xf32>
    %reduce_sum3A_36 = vector.multi_reduction <add>, %exp3A, %reduce_sum3A [1] : vector<1000x16xf32> to vector<1000xf32>
    %broadcast_in_dim3A_37 = vector.shape_cast %reduce_sum3A_36 : vector<1000xf32> to vector<1000x1xf32>
    %div3A = vector.broadcast %broadcast_in_dim3A_37 : vector<1000x1xf32> to vector<1000x16xf32>
    %div3A_38 = arith.divf %exp3A, %div3A : vector<1000x16xf32>
    %swap3A_39 = arith.constant 0 : index
    %swap3A_40 = arith.constant 0 : index
    %swap3A_41 = vector.load %arg7[%swap3A_39, %swap3A_40] : memref<1000x16xf32, #tpu.memory_space<vmem>>, vector<1000x16xf32>
    tpu.vector_store %arg7[%swap3A_39, %swap3A_40], %div3A_38 {strides = array<i32>} : memref<1000x16xf32, #tpu.memory_space<vmem>>, vector<1000x16xf32>,
    return
  }
  func.func @transform_0(%arg0: i32) -> (i32, i32) {
    %c0_i32 = arith.constant 0 : i32
    %c0_i32_0 = arith.constant 0 : i32
    return %arg0, %c0_i32 : i32, i32
  }
  func.func @transform_1(%arg0: i32) -> (i32, i32, i32) {
    %c0_i32 = arith.constant 0 : i32
    %c0_i32_0 = arith.constant 0 : i32
    %c0_i32_1 = arith.constant 0 : i32
    return %c0_i32, %arg0, %c0_i32_0 : i32, i32, i32
  }
  func.func @transform_2(%arg0: i32) -> (i32, i32) {
    %c0_i32 = arith.constant 0 : i32
    %c0_i32_0 = arith.constant 0 : i32
    %c0_i32_1 = arith.constant 0 : i32
    return %c0_i32, %c0_i32_0 : i32, i32
  }
  func.func @transform_3(%arg0: i32) -> (i32, i32) {
    %c0_i32 = arith.constant 0 : i32
    %c0_i32_0 = arith.constant 0 : i32
    %c0_i32_1 = arith.constant 0 : i32
    return %c0_i32, %c0_i32_0 : i32, i32
  }
  func.func @transform_4(%arg0: i32) -> (i32, i32) {
    %c0_i32 = arith.constant 0 : i32
    %c0_i32_0 = arith.constant 0 : i32
    %c0_i32_1 = arith.constant 0 : i32
    return %c0_i32, %c0_i32_0 : i32, i32
  }
  func.func @transform_5(%arg0: i32) -> (i32, i32) {
    %c0_i32 = arith.constant 0 : i32
    %c0_i32_0 = arith.constant 0 : i32
    return %arg0, %c0_i32 : i32, i32
  }
  func.func @transform_6(%arg0: i32) -> (i32, i32) {
    %c0_i32 = arith.constant 0 : i32
    %c0_i32_0 = arith.constant 0 : i32
    return %arg0, %c0_i32 : i32, i32
  }
}

module attributes {stable_mosaic.version = 14 : i64} {
  func.func @_pool_body(%arg0: i32, %arg1: memref<1x1250x16xf32, #tpu.memory_space<vmem>>, %arg2: memref<1x1250x128xf32, #tpu.memory_space<vmem>>, %arg3: memref<2x1x1250x16xf32, #tpu.memory_space<vmem>>, %arg4: memref<2x1x1250x16xf32, #tpu.memory_space<vmem>>, %arg5: memref<1x16x128xf32, #tpu.memory_space<vmem>>, %arg6: memref<1x1x128xf32, #tpu.memory_space<vmem>>) attributes {dimension_semantics = [#tpu.dimension_semantics<arbitrary>], iteration_bounds = array<i64: 8>, scalar_prefetch = 0 : i64, scratch_operands = 0 : i64, tpu.core_type = #tpu.core_type<tc>, window_params = [{transform_indices = @transform_0, window_bounds = array<i64: 1, 1250, 16>}, {transform_indices = @transform_1, window_bounds = array<i64: 1, 1250, 128>}, {transform_indices = @transform_2, window_bounds = array<i64: 2, 1, 1250, 16>}, {transform_indices = @transform_3, window_bounds = array<i64: 2, 1, 1250, 16>}, {transform_indices = @transform_4, window_bounds = array<i64: 1, 16, 128>}, {transform_indices = @transform_5, window_bounds = array<i64: 1, 1, 128>}]} {
    %get3A = arith.constant 0 : index
    %get3A_0 = arith.constant 0 : index
    %get3A_1 = arith.constant 0 : index
    %get3A_2 = vector.load %arg1[%get3A, %get3A_0, %get3A_1] : memref<1x1250x16xf32, #tpu.memory_space<vmem>>, vector<1x1250x16xf32>
    %get3A_3 = vector.shape_cast %get3A_2 : vector<1x1250x16xf32> to vector<1250x16xf32>
    %get3A_4 = arith.constant 0 : index
    %get3A_5 = arith.constant 0 : index
    %get3A_6 = arith.constant 0 : index
    %get3A_7 = vector.load %arg2[%get3A_4, %get3A_5, %get3A_6] : memref<1x1250x128xf32, #tpu.memory_space<vmem>>, vector<1x1250x128xf32>
    %get3A_8 = vector.shape_cast %get3A_7 : vector<1x1250x128xf32> to vector<1250x128xf32>
    %get3A_9 = arith.constant 0 : index
    %get3A_10 = arith.constant 0 : index
    %get3A_11 = arith.constant 0 : index
    %get3A_12 = arith.constant 0 : index
    %get3A_13 = vector.load %arg3[%get3A_9, %get3A_10, %get3A_11, %get3A_12] : memref<2x1x1250x16xf32, #tpu.memory_space<vmem>>, vector<1x1x1250x16xf32>
    %get3A_14 = vector.shape_cast %get3A_13 : vector<1x1x1250x16xf32> to vector<1250x16xf32>
    %get3A_15 = arith.constant 1 : index
    %get3A_16 = arith.constant 0 : index
    %get3A_17 = arith.constant 0 : index
    %get3A_18 = arith.constant 0 : index
    %get3A_19 = vector.load %arg3[%get3A_15, %get3A_16, %get3A_17, %get3A_18] : memref<2x1x1250x16xf32, #tpu.memory_space<vmem>>, vector<1x1x1250x16xf32>
    %get3A_20 = vector.shape_cast %get3A_19 : vector<1x1x1250x16xf32> to vector<1250x16xf32>
    %add3A = arith.addf %get3A_14, %get3A_20 : vector<1250x16xf32>
    %get3A_21 = arith.constant 0 : index
    %get3A_22 = arith.constant 0 : index
    %get3A_23 = arith.constant 0 : index
    %get3A_24 = arith.constant 0 : index
    %get3A_25 = vector.load %arg4[%get3A_21, %get3A_22, %get3A_23, %get3A_24] : memref<2x1x1250x16xf32, #tpu.memory_space<vmem>>, vector<1x1x1250x1xf32>
    %get3A_26 = vector.shape_cast %get3A_25 : vector<1x1x1250x1xf32> to vector<1250x1xf32>
    %get3A_27 = arith.constant 1 : index
    %get3A_28 = arith.constant 0 : index
    %get3A_29 = arith.constant 0 : index
    %get3A_30 = arith.constant 0 : index
    %get3A_31 = vector.load %arg4[%get3A_27, %get3A_28, %get3A_29, %get3A_30] : memref<2x1x1250x16xf32, #tpu.memory_space<vmem>>, vector<1x1x1250x1xf32>
    %get3A_32 = vector.shape_cast %get3A_31 : vector<1x1x1250x1xf32> to vector<1250x1xf32>
    %add3A_33 = arith.addf %get3A_26, %get3A_32 : vector<1250x1xf32>
    %convert_element_type3A = arith.truncf %get3A_3 : vector<1250x16xf32> to vector<1250x16xbf16>
    %convert_element_type3A_34 = arith.truncf %get3A_8 : vector<1250x128xf32> to vector<1250x128xbf16>
    %dot_general3A = arith.constant dense<0.000000e+00> : vector<16x128xf32>
    %dot_general3A_35 = tpu.matmul %convert_element_type3A, %convert_element_type3A_34, %dot_general3A {dimension_numbers = #tpu.dot_dimension_numbers<[0], [0], [1], [1], [0, 1, 1, 1], [], []>, transpose_lhs_hint = false} : vector<1250x16xbf16>, vector<1250x128xbf16>, vector<16x128xf32> -> vector<16x128xf32>
    %dot_general3A_36 = arith.constant dense<0.000000e+00> : vector<16x16xf32>
    %dot_general3A_37 = tpu.matmul %add3A, %get3A_3, %dot_general3A_36 {dimension_numbers = #tpu.dot_dimension_numbers<[0], [0], [1], [1], [0, 1, 1, 1], [], []>, transpose_lhs_hint = false} : vector<1250x16xf32>, vector<1250x16xf32>, vector<16x16xf32> -> vector<16x16xf32>
    %reduce_sum3A = vector.shape_cast %add3A_33 : vector<1250x1xf32> to vector<1x1250x1xf32>
    %reduce_sum3A_38 = arith.constant dense<0.000000e+00> : vector<1xf32>
    %reduce_sum3A_39 = vector.multi_reduction <add>, %reduce_sum3A, %reduce_sum3A_38 [1, 2] : vector<1x1250x1xf32> to vector<1xf32>
    %reduce_sum3A_40 = vector.shape_cast %reduce_sum3A_39 : vector<1xf32> to vector<1x1x1xf32>
    %reduce_sum3A_41 = vector.extract %reduce_sum3A_40[0, 0, 0] : f32 from vector<1x1x1xf32>
    %mul3A = arith.constant 5.000000e-01 : f32
    %mul3A_42 = arith.mulf %reduce_sum3A_41, %mul3A : f32
    %dot_general3A_43 = arith.constant dense<0.000000e+00> : vector<16x1xf32>
    %dot_general3A_44 = tpu.matmul %get3A_3, %add3A_33, %dot_general3A_43 {dimension_numbers = #tpu.dot_dimension_numbers<[0], [0], [1], [1], [0, 1, 1, 1], [], []>, transpose_lhs_hint = false} : vector<1250x16xf32>, vector<1250x1xf32>, vector<16x1xf32> -> vector<16x1xf32>
    %dot_general3A_45 = arith.constant dense<0.000000e+00> : vector<16x16xf32>
    %dot_general3A_46 = tpu.matmul %dot_general3A_44, %dot_general3A_44, %dot_general3A_45 {dimension_numbers = #tpu.dot_dimension_numbers<[1], [1], [0], [0], [0, 0, 1, 0], [], []>, transpose_lhs_hint = false} : vector<16x1xf32>, vector<16x1xf32>, vector<16x16xf32> -> vector<16x16xf32>
    %mul3A_47 = arith.constant 2.000000e+00 : f32
    %mul3A_48 = arith.mulf %mul3A_47, %mul3A_42 : f32
    %div3A = vector.broadcast %mul3A_48 : f32 to vector<16x16xf32>
    %div3A_49 = arith.divf %dot_general3A_46, %div3A : vector<16x16xf32>
    %sub3A = arith.subf %dot_general3A_37, %div3A_49 : vector<16x16xf32>
    %iota3A = tpu.iota {dimensions = array<i32: 0>} : vector<16x16xi32>
    %iota3A_50 = tpu.iota {dimensions = array<i32: 1>} : vector<16x16xi32>
    %eq3A = arith.cmpi eq, %iota3A, %iota3A_50 : vector<16x16xi32>
    %jit3A = arith.constant 0.000000e+00 : f32
    %broadcast_in_dim3A = vector.broadcast %jit3A : f32 to vector<16x16xf32>
    %select_n3A = arith.select %eq3A, %sub3A, %broadcast_in_dim3A : vector<16x16xi1>, vector<16x16xf32>
    %reduce_sum3A_51 = vector.shape_cast %select_n3A : vector<16x16xf32> to vector<1x16x16xf32>
    %reduce_sum3A_52 = arith.constant dense<0.000000e+00> : vector<1xf32>
    %reduce_sum3A_53 = vector.multi_reduction <add>, %reduce_sum3A_51, %reduce_sum3A_52 [1, 2] : vector<1x16x16xf32> to vector<1xf32>
    %reduce_sum3A_54 = vector.shape_cast %reduce_sum3A_53 : vector<1xf32> to vector<1x1x1xf32>
    %reduce_sum3A_55 = vector.extract %reduce_sum3A_54[0, 0, 0] : f32 from vector<1x1x1xf32>
    %neg3A = arith.constant 0.000000e+00 : f32
    %neg3A_56 = arith.subf %neg3A, %reduce_sum3A_55 : f32
    %mul3A_57 = arith.constant 2.000000e+00 : f32
    %mul3A_58 = arith.mulf %mul3A_57, %mul3A_42 : f32
    %div3A_59 = arith.divf %neg3A_56, %mul3A_58 : f32
    %dot_general3A_60 = arith.constant dense<0.000000e+00> : vector<16x16xf32>
    %dot_general3A_61 = tpu.matmul %get3A_3, %get3A_3, %dot_general3A_60 {dimension_numbers = #tpu.dot_dimension_numbers<[0], [0], [1], [1], [0, 1, 1, 1], [], []>, transpose_lhs_hint = false} : vector<1250x16xf32>, vector<1250x16xf32>, vector<16x16xf32> -> vector<16x16xf32>
    %mul3A_62 = arith.mulf %dot_general3A_61, %dot_general3A_61 : vector<16x16xf32>
    %reduce_sum3A_63 = vector.shape_cast %mul3A_62 : vector<16x16xf32> to vector<1x16x16xf32>
    %reduce_sum3A_64 = arith.constant dense<0.000000e+00> : vector<1xf32>
    %reduce_sum3A_65 = vector.multi_reduction <add>, %reduce_sum3A_63, %reduce_sum3A_64 [1, 2] : vector<1x16x16xf32> to vector<1xf32>
    %reduce_sum3A_66 = vector.shape_cast %reduce_sum3A_65 : vector<1xf32> to vector<1x1x1xf32>
    %reduce_sum3A_67 = vector.extract %reduce_sum3A_66[0, 0, 0] : f32 from vector<1x1x1xf32>
    %sqrt3A = math.sqrt %reduce_sum3A_67 : f32
    %div3A_68 = vector.broadcast %sqrt3A : f32 to vector<16x16xf32>
    %div3A_69 = arith.divf %dot_general3A_61, %div3A_68 : vector<16x16xf32>
    %jit3A_70 = arith.constant 2.500000e-01 : f32
    %jit3A_71 = arith.constant 0.000000e+00 : f32
    %broadcast_in_dim3A_72 = vector.broadcast %jit3A_70 : f32 to vector<16x16xf32>
    %broadcast_in_dim3A_73 = vector.broadcast %jit3A_71 : f32 to vector<16x16xf32>
    %select_n3A_74 = arith.select %eq3A, %broadcast_in_dim3A_72, %broadcast_in_dim3A_73 : vector<16x16xi1>, vector<16x16xf32>
    %sub3A_75 = arith.subf %div3A_69, %select_n3A_74 : vector<16x16xf32>
    %mul3A_76 = arith.mulf %sub3A_75, %sub3A_75 : vector<16x16xf32>
    %reduce_sum3A_77 = vector.shape_cast %mul3A_76 : vector<16x16xf32> to vector<1x16x16xf32>
    %reduce_sum3A_78 = arith.constant dense<0.000000e+00> : vector<1xf32>
    %reduce_sum3A_79 = vector.multi_reduction <add>, %reduce_sum3A_77, %reduce_sum3A_78 [1, 2] : vector<1x16x16xf32> to vector<1xf32>
    %reduce_sum3A_80 = vector.shape_cast %reduce_sum3A_79 : vector<1xf32> to vector<1x1x1xf32>
    %reduce_sum3A_81 = vector.extract %reduce_sum3A_80[0, 0, 0] : f32 from vector<1x1x1xf32>
    %sqrt3A_82 = math.sqrt %reduce_sum3A_81 : f32
    %reduce_sum3A_83 = arith.constant dense<0.000000e+00> : vector<16xf32>
    %reduce_sum3A_84 = vector.multi_reduction <add>, %get3A_3, %reduce_sum3A_83 [0] : vector<1250x16xf32> to vector<16xf32>
    %broadcast_in_dim3A_85 = vector.shape_cast %reduce_sum3A_84 : vector<16xf32> to vector<1x16xf32>
    %mul3A_86 = arith.mulf %broadcast_in_dim3A_85, %broadcast_in_dim3A_85 : vector<1x16xf32>
    %reduce_sum3A_87 = vector.shape_cast %mul3A_86 : vector<1x16xf32> to vector<1x1x16xf32>
    %reduce_sum3A_88 = arith.constant dense<0.000000e+00> : vector<1xf32>
    %reduce_sum3A_89 = vector.multi_reduction <add>, %reduce_sum3A_87, %reduce_sum3A_88 [1, 2] : vector<1x1x16xf32> to vector<1xf32>
    %reduce_sum3A_90 = vector.shape_cast %reduce_sum3A_89 : vector<1xf32> to vector<1x1x1xf32>
    %reduce_sum3A_91 = vector.extract %reduce_sum3A_90[0, 0, 0] : f32 from vector<1x1x1xf32>
    %sqrt3A_92 = math.sqrt %reduce_sum3A_91 : f32
    %div3A_93 = arith.constant 1.250000e+03 : f32
    %div3A_94 = arith.divf %sqrt3A_92, %div3A_93 : f32
    %mul3A_95 = arith.constant 4.000000e+00 : f32
    %mul3A_96 = arith.mulf %div3A_94, %mul3A_95 : f32
    %sub3A_97 = arith.constant 1.000000e+00 : f32
    %sub3A_98 = arith.subf %mul3A_96, %sub3A_97 : f32
    %gt3A = arith.constant 0.000000e+00 : f32
    %gt3A_99 = vector.broadcast %gt3A : f32 to vector<16x128xf32>
    %gt3A_100 = arith.cmpf ogt, %dot_general3A_35, %gt3A_99 : vector<16x128xf32>
    %exp3A = math.exp %dot_general3A_35 : vector<16x128xf32>
    %sub3A_101 = arith.constant 1.000000e+00 : f32
    %sub3A_102 = vector.broadcast %sub3A_101 : f32 to vector<16x128xf32>
    %sub3A_103 = arith.subf %exp3A, %sub3A_102 : vector<16x128xf32>
    %mul3A_104 = arith.constant 1.67326319 : f32
    %mul3A_105 = vector.broadcast %mul3A_104 : f32 to vector<16x128xf32>
    %mul3A_106 = arith.mulf %mul3A_105, %sub3A_103 : vector<16x128xf32>
    %select_n3A_107 = arith.select %gt3A_100, %dot_general3A_35, %mul3A_106 : vector<16x128xi1>, vector<16x128xf32>
    %mul3A_108 = arith.constant 1.05070102 : f32
    %mul3A_109 = vector.broadcast %mul3A_108 : f32 to vector<16x128xf32>
    %mul3A_110 = arith.mulf %mul3A_109, %select_n3A_107 : vector<16x128xf32>
    %reduce_max3A = arith.constant dense<0xFF800000> : vector<16xf32>
    %reduce_max3A_111 = vector.multi_reduction <maximumf>, %mul3A_110, %reduce_max3A [1] : vector<16x128xf32> to vector<16xf32>
    %broadcast_in_dim3A_112 = vector.shape_cast %reduce_max3A_111 : vector<16xf32> to vector<16x1xf32>
    %sub3A_113 = vector.broadcast %broadcast_in_dim3A_112 : vector<16x1xf32> to vector<16x128xf32>
    %sub3A_114 = arith.subf %mul3A_110, %sub3A_113 : vector<16x128xf32>
    %exp3A_115 = math.exp %sub3A_114 : vector<16x128xf32>
    %reduce_sum3A_116 = arith.constant dense<0.000000e+00> : vector<16xf32>
    %reduce_sum3A_117 = vector.multi_reduction <add>, %exp3A_115, %reduce_sum3A_116 [1] : vector<16x128xf32> to vector<16xf32>
    %broadcast_in_dim3A_118 = vector.shape_cast %reduce_sum3A_117 : vector<16xf32> to vector<16x1xf32>
    %log3A = math.log %broadcast_in_dim3A_118 : vector<16x1xf32>
    %sub3A_119 = vector.broadcast %log3A : vector<16x1xf32> to vector<16x128xf32>
    %sub3A_120 = arith.subf %sub3A_114, %sub3A_119 : vector<16x128xf32>
    %swap3A = arith.constant 0 : index
    %swap3A_121 = arith.constant 0 : index
    %swap3A_122 = arith.constant 0 : index
    %swap3A_123 = vector.load %arg5[%swap3A, %swap3A_121, %swap3A_122] : memref<1x16x128xf32, #tpu.memory_space<vmem>>, vector<1x16x128xf32>
    %swap3A_124 = vector.shape_cast %swap3A_123 : vector<1x16x128xf32> to vector<16x128xf32>
    %swap3A_125 = vector.shape_cast %sub3A_120 : vector<16x128xf32> to vector<1x16x128xf32>
    tpu.vector_store %arg5[%swap3A, %swap3A_121, %swap3A_122], %swap3A_125 {strides = array<i32>} : memref<1x16x128xf32, #tpu.memory_space<vmem>>, vector<1x16x128xf32>,
    %iota3A_126 = tpu.iota {dimensions = array<i32: 2>} : vector<1x1x128xi32>
    %eq3A_127 = arith.constant 0 : i32
    %eq3A_128 = vector.broadcast %eq3A_127 : i32 to vector<1x1x128xi32>
    %eq3A_129 = arith.cmpi eq, %iota3A_126, %eq3A_128 : vector<1x1x128xi32>
    %eq3A_130 = arith.constant 1 : i32
    %eq3A_131 = vector.broadcast %eq3A_130 : i32 to vector<1x1x128xi32>
    %eq3A_132 = arith.cmpi eq, %iota3A_126, %eq3A_131 : vector<1x1x128xi32>
    %eq3A_133 = arith.constant 2 : i32
    %eq3A_134 = vector.broadcast %eq3A_133 : i32 to vector<1x1x128xi32>
    %eq3A_135 = arith.cmpi eq, %iota3A_126, %eq3A_134 : vector<1x1x128xi32>
    %jit3A_136 = arith.constant 0.000000e+00 : f32
    %broadcast_in_dim3A_137 = vector.broadcast %sub3A_98 : f32 to vector<1x1x128xf32>
    %broadcast_in_dim3A_138 = vector.broadcast %jit3A_136 : f32 to vector<1x1x128xf32>
    %select_n3A_139 = arith.select %eq3A_135, %broadcast_in_dim3A_137, %broadcast_in_dim3A_138 : vector<1x1x128xi1>, vector<1x1x128xf32>
    %broadcast_in_dim3A_140 = vector.broadcast %sqrt3A_82 : f32 to vector<1x1x128xf32>
    %select_n3A_141 = arith.select %eq3A_132, %broadcast_in_dim3A_140, %select_n3A_139 : vector<1x1x128xi1>, vector<1x1x128xf32>
    %broadcast_in_dim3A_142 = vector.broadcast %div3A_59 : f32 to vector<1x1x128xf32>
    %select_n3A_143 = arith.select %eq3A_129, %broadcast_in_dim3A_142, %select_n3A_141 : vector<1x1x128xi1>, vector<1x1x128xf32>
    %swap3A_144 = arith.constant 0 : index
    %swap3A_145 = arith.constant 0 : index
    %swap3A_146 = arith.constant 0 : index
    %swap3A_147 = vector.load %arg6[%swap3A_144, %swap3A_145, %swap3A_146] : memref<1x1x128xf32, #tpu.memory_space<vmem>>, vector<1x1x128xf32>
    tpu.vector_store %arg6[%swap3A_144, %swap3A_145, %swap3A_146], %select_n3A_143 {strides = array<i32>} : memref<1x1x128xf32, #tpu.memory_space<vmem>>, vector<1x1x128xf32>,
    return
  }
  func.func @transform_0(%arg0: i32) -> (i32, i32, i32) {
    %c0_i32 = arith.constant 0 : i32
    %c0_i32_0 = arith.constant 0 : i32
    %c0_i32_1 = arith.constant 0 : i32
    return %arg0, %c0_i32, %c0_i32_0 : i32, i32, i32
  }
  func.func @transform_1(%arg0: i32) -> (i32, i32, i32) {
    %c0_i32 = arith.constant 0 : i32
    %c0_i32_0 = arith.constant 0 : i32
    %c0_i32_1 = arith.constant 0 : i32
    return %arg0, %c0_i32, %c0_i32_0 : i32, i32, i32
  }
  func.func @transform_2(%arg0: i32) -> (i32, i32, i32, i32) {
    %c0_i32 = arith.constant 0 : i32
    %c0_i32_0 = arith.constant 0 : i32
    %c0_i32_1 = arith.constant 0 : i32
    %c0_i32_2 = arith.constant 0 : i32
    return %c0_i32, %arg0, %c0_i32_0, %c0_i32_1 : i32, i32, i32, i32
  }
  func.func @transform_3(%arg0: i32) -> (i32, i32, i32, i32) {
    %c0_i32 = arith.constant 0 : i32
    %c0_i32_0 = arith.constant 0 : i32
    %c0_i32_1 = arith.constant 0 : i32
    %c0_i32_2 = arith.constant 0 : i32
    return %c0_i32, %arg0, %c0_i32_0, %c0_i32_1 : i32, i32, i32, i32
  }
  func.func @transform_4(%arg0: i32) -> (i32, i32, i32) {
    %c0_i32 = arith.constant 0 : i32
    %c0_i32_0 = arith.constant 0 : i32
    %c0_i32_1 = arith.constant 0 : i32
    return %arg0, %c0_i32, %c0_i32_0 : i32, i32, i32
  }
  func.func @transform_5(%arg0: i32) -> (i32, i32, i32) {
    %c0_i32 = arith.constant 0 : i32
    %c0_i32_0 = arith.constant 0 : i32
    %c0_i32_1 = arith.constant 0 : i32
    return %arg0, %c0_i32, %c0_i32_0 : i32, i32, i32
  }
}

</mosaic_0001>

<sc_bundles>
// kernel: kernel.12.cloned.1.call-start
scs
__scs_entry_jumppad:
0x0: {  	(pc) =	sbr.rel $0x88, $3  }
0x1: {  	(tag) =	ssettag $0x0;
	lr =	simm.s32 $0x1  }
0x2: {  	[smem:$0x3F99] =	sst lr;
	_ =	strace $0xD0000000  }
0x3: {  	_ = 	snop  }
0x4: {  	_ = 	snop  }
0x5: {  	_ = 	snop  }
0x6: {  	_ = 	snop  }
0x7: {  	_ = 	snop  }
__scs_overlays_trampoline_lowered:
0x8: {  	[smem:$0x3FA8] =	sst s0  }
0x9: {  	[smem:$0x3FA9] =	sst s1  }
0xa: {  	[smem:$0x3FAA] =	sst s2  }
0xb: {  	[smem:$0x3FAB] =	sst s3  }
0xc: {  	[smem:$0x3FAC] =	sst s4  }
0xd: {  	[smem:$0x3FAD] =	sst s5  }
0xe: {  	[smem:$0x3FAE] =	sst s6  }
0xf: {  	[smem:$0x3FAF] =	sst s7  }
0x10: {  	[smem:$0x3FB0] =	sst s8  }
0x11: {  	[smem:$0x3FB1] =	sst s9;
	s0 =	simm.s32 @!p0 $0x0  }
0x12: {  	s1 =	sld [smem:$0x3F97];
	s0 =	simm.s32 @p0 $0x1  }
0x13: {  	[smem:$0x3FB2] =	sst s0;
	s0 =	simm.s32 @!p1 $0x0  }
0x14: {  	s2 =	sld [smem:$0x3F96];
	s0 =	simm.s32 @p1 $0x1  }
0x15: {  	[smem:$0x3FB3] =	sst s0;
	s0 =	simm.s32 @!p2 $0x0  }
0x16: {  	s3 =	sld [smem:$0x3FDB];
	s0 =	simm.s32 @p2 $0x1  }
0x17: {  	s4 =	simm.s32 $0x1BF5;
	[smem:$0x3FB5] =	sst s0  }
0x18: {  	s0 =	sld [smem:$0x3F98];
	_ =	swait.ge [sflag:s4], $0x0  }
0x19: {  	s7 =	sld [smem:$0x3F99]  }
0x1a: {  	s8 =	sadd.s32 $0xFFFFE003, lr  }
0x1b: {  	s9 =	sadd.s32 $0xFFFFFEF7, lr;
	s5 =	simm.s32 $0xFFFFFFFF;
	p2 =	slt.u32 s8, $0xFFFFF086  }
0x1c: {  	p1 =	slt.u32 s9, $0xF7A;
	s5 =	simm.s32 @!p2 $0x0  }
0x1d: {  	s5 =	simm.s32 @p1 $0x1;
	p0 =	seq.s32 s7, s2  }
0x1e: {  	s7 =	smul.u32 @!p0 $0xF7A, s2;
	p2 =	seq.s32 @!p0 s5, $0x0  }
0x1f: {  	s9 =	smul.u32 $0xF7A, s1;
	s8 =	simm.s32 @!p0 $0x1BF5;
	p2 =	por !p2, p0  }
0x20: {  	[sflag:s8] =	ssyncset.s32 @!p0 $0xFFFFF086;
	s6 =	sadd.s32 @!p0 s3, s7;
	s7 =	simm.s32 @!p0 $0x108  }
0x21: {  	s3 =	sadd.s32 s3, s9;
	s6 =	sadd.s32 @!p0 $0x88, s6;
	s7 =	simm.s32 @p2 $0x1082  }
0x22: {  	[simem:s7], [sflag:s8] =	dma.local @!p0 [hbm:s6], $0xF7A  }
0x23: {  	s9 =	sor.u32 $0xD0000000, s2;
	s6 =	simm.s32 $0x108;
	_ =	swait.ge @!p0 [sflag:s8], $0x0  }
0x24: {  	s3 =	sadd.s32 $0x88, s3;
	s6 =	simm.s32 @!p1 $0x1082;
	[sflag:s4] =	ssyncset.s32 $0xFFFFF086  }
0x25: {  	[simem:s6], [sflag:s4] =	dma.local [hbm:s3], $0xF7A  }
0x26: {  	[smem:$0x3F99] =	sst s1;
	(tag) =	ssettag s2;
	_ =	strace s9  }
0x27: {  	s1 =	sld [smem:$0x3FA9]  }
0x28: {  	s2 =	sld [smem:$0x3FAA]  }
0x29: {  	s4 =	sld [smem:$0x3FAC]  }
0x2a: {  	p0 =	seq.s32 s5, $0x0;
	s5 =	sld [smem:$0x3FAD]  }
0x2b: {  	s6 =	sld [smem:$0x3FAE]  }
0x2c: {  	s7 =	sld [smem:$0x3FAF]  }
0x2d: {  	s3 =	simm.s32 $0x108;
	s8 =	sld [smem:$0x3FB0]  }
0x2e: {  	s3 =	simm.s32 @!p0 $0x1082;
	s9 =	sld [smem:$0x3FB1]  }
0x2f: {  	lr =	sadd.s32 s0, s3;
	s0 =	sld [smem:$0x3FA8]  }
0x30: {  	s3 =	sld [smem:$0x3FAB]  }
0x31: {  	[smem:$0x3FB4] =	sst s10  }
0x32: {  	s10 =	sld [smem:$0x3FB2];
	_ =	sdelay $0x3  }
0x33: {  	p0 =	seq.s32 s10, $0x1;
	s10 =	sld [smem:$0x3FB4];
	_ =	sdelay $0x3  }
0x34: {  	[smem:$0x3FB4] =	sst s10  }
0x35: {  	s10 =	sld [smem:$0x3FB3];
	_ =	sdelay $0x3  }
0x36: {  	p1 =	seq.s32 s10, $0x1;
	s10 =	sld [smem:$0x3FB4];
	_ =	sdelay $0x3  }
0x37: {  	[smem:$0x3FB4] =	sst s10  }
0x38: {  	s10 =	sld [smem:$0x3FB5]  }
0x39: {  	_ = 	snop;
	(pc) =	sbr.ind lr, $3  }
0x3a: {  	_ = 	snop  }
0x3b: {  	_ = 	snop  }
0x3c: {  	p2 =	seq.s32 s10, $0x1;
	s10 =	sld [smem:$0x3FB4]  }
0x3d: {  	_ =	shalt  }
0x3e: {  	_ =	shalt  }
0x3f: {  	_ =	shalt  }
0x40: {  	_ =	shalt  }
0x41: {  	_ =	shalt  }
0x42: {  	_ =	shalt  }
0x43: {  	_ =	shalt  }
0x44: {  	_ =	shalt  }
0x45: {  	_ =	shalt  }
0x46: {  	_ =	shalt  }
0x47: {  	_ =	shalt  }
0x48: {  	_ =	shalt  }
0x49: {  	_ =	shalt  }
0x4a: {  	_ =	shalt  }
0x4b: {  	_ =	shalt  }
0x4c: {  	_ =	shalt  }
0x4d: {  	_ =	shalt  }
0x4e: {  	_ =	shalt  }
0x4f: {  	_ =	shalt  }
0x50: {  	_ =	shalt  }
0x51: {  	_ =	shalt  }
0x52: {  	_ =	shalt  }
0x53: {  	_ =	shalt  }
0x54: {  	_ =	shalt  }
0x55: {  	_ =	shalt  }
0x56: {  	_ =	shalt  }
0x57: {  	_ =	shalt  }
0x58: {  	_ =	shalt  }
0x59: {  	_ =	shalt  }
0x5a: {  	_ =	shalt  }
0x5b: {  	_ =	shalt  }
0x5c: {  	_ =	shalt  }
0x5d: {  	_ =	shalt  }
0x5e: {  	_ =	shalt  }
0x5f: {  	_ =	shalt  }
0x60: {  	_ =	shalt  }
0x61: {  	_ =	shalt  }
0x62: {  	_ =	shalt  }
0x63: {  	_ =	shalt  }
0x64: {  	_ =	shalt  }
0x65: {  	_ =	shalt  }
0x66: {  	_ =	shalt  }
0x67: {  	_ =	shalt  }
0x68: {  	_ =	shalt  }
0x69: {  	_ =	shalt  }
0x6a: {  	_ =	shalt  }
0x6b: {  	_ =	shalt  }
0x6c: {  	_ =	shalt  }
0x6d: {  	_ =	shalt  }
0x6e: {  	_ =	shalt  }
0x6f: {  	_ =	shalt  }
0x70: {  	_ =	shalt  }
0x71: {  	_ =	shalt  }
0x72: {  	_ =	shalt  }
0x73: {  	_ =	shalt  }
0x74: {  	_ =	shalt  }
0x75: {  	_ =	shalt  }
0x76: {  	_ =	shalt  }
0x77: {  	_ =	shalt  }
0x78: {  	_ =	shalt  }
0x79: {  	_ =	shalt  }
0x7a: {  	_ =	shalt  }
0x7b: {  	_ =	shalt  }
0x7c: {  	_ =	shalt  }
0x7d: {  	_ =	shalt  }
0x7e: {  	_ =	shalt  }
0x7f: {  	_ =	shalt  }
0x80: {  	_ =	shalt  }
0x81: {  	_ =	shalt  }
0x82: {  	_ =	shalt  }
0x83: {  	_ =	shalt  }
0x84: {  	_ =	shalt  }
0x85: {  	_ =	shalt  }
0x86: {  	_ =	shalt  }
0x87: {  	_ =	shalt  }
.Lfunc_end0:
.L_simem_size_0:
called_computation_lowered:
.L_overlay_start_0:
0x88: {  	s2 =	sld [smem:$0x3FD9]  }
0x89: {  	s3 =	sld [smem:$0x3FFE];
	_ =	sdelay $0x1  }
0x8a: {  	s1 =	srdreg.scid  }
0x8b: {  	s0 =	sand.u32 $0x1, s1  }
0x8c: {  	s14 =	sshll.u32 s0, $0xA;
	s2 =	sadd.s32 s3, s2  }
0x8d: {  	s2 =	sadd.s32 s2, s14  }
0x8e: {  	[smem:$0x3FC0] =	sst s2  }
0x8f: {  	_ = 	snop  }
0x90: {  	s2 =	sld [smem:$0x3FD0];
	_ =	sdelay $0x2  }
0x91: {  	s15 =	simm.s32 $0xA;
	s4 =	simm.s32 $0x10  }
0x92: {  	[smem:s4], [sflag:s15] =	dma.local [hbm:s2], $0x1  }
0x93: {  	_ =	swait.eq [sflag:s15], $0x1  }
0x94: {  	[sflag:s15] =	ssyncset.done $0x0  }
0x95: {  	[sflag:s15] =	ssyncadd.s32 $0xFFFFFFFF  }
0x96: {  	s16 =	sld [smem:$0x10];
	(tm) =	ssettm $0x1  }
0x97: {  	s17 =	sld [smem:$0x3FFB];
	_ =	sdelay $0x3  }
0x98: {  	_ =	strace s17  }
0x99: {  	s3 =	sld [smem:$0x3FFC];
	_ =	sdelay $0x3  }
0x9a: {  	_ =	strace s3  }
0x9b: {  	s3 =	sld [smem:$0x3FFD];
	_ =	sdelay $0x3  }
0x9c: {  	_ =	strace s3  }
0x9d: {  	_ =	strace $0x8FFFFFFF  }
0x9e: {  	s18 =	sld [smem:$0x3FDB];
	_ =	sdelay $0x1  }
0x9f: {  	s19 =	simm.s32 $_scs_section_size  }
0xa0: {  	s5 =	simm.s32 $_size__tile_overlayer_lowered;
	s6 =	simm.s32 $_tile_overlayer_lowered  }
0xa1: {  	s22 =	simm.s32 $0x1BFF;
	s21 =	sshll.u32 s6, $0x1;
	s3 =	sadd.s32 s19, s18  }
0xa2: {  	s7 =	simm.s32 $0x0;
	s20 =	sshll.u32 s5, $0x1;
	s5 =	sadd.s32 s21, s3  }
0xa3: {  	[timem:s7], [sflag:s22] =	dma.local [hbm:s5], s20  }
0xa4: {  	_ =	swait.ge [sflag:s22], s20  }
0xa5: {  	s4 =	ssub.s32 $0x0, s20;
	[sflag:s22] =	ssyncset.done $0x0  }
0xa6: {  	[sflag:s22] =	ssyncadd.s32 s4;
	_ =	sdelay $0x1  }
0xa7: {  	s23 =	simm.s32 $0x1B8B  }
0xa8: {  	_ =	swait.ge [sflag:s23], $0x1  }
0xa9: {  	[sflag:s23] =	ssyncset.done $0x0  }
0xaa: {  	s25 =	simm.s32 $0x1B8E;
	s24 =	sld [smem:$0x3FFE];
	[sflag:s23] =	ssyncadd.s32 $0xFFFFFFFF  }
0xab: {  	s26 =	simm.s32 $execute0_lowered;
	[smem:$0x3FD2] =	sst s25  }
0xac: {  	s5 =	sshll.u32 s26, $0x1;
	_ =	strace $0x80000046;
	[dreg:$0x1] =	wrdreg $0xFFFFFFFF  }
0xad: {  	s28 =	simm.s32 $_size_execute0_lowered;
	s3 =	sadd.s32 s3, s5;
	[dreg:$0x0] =	wrdreg $0x0  }
0xae: {  	s5 =	sshll.u32 s28, $0x1;
	[dreg:$0x2] =	wrdreg s3  }
0xaf: {  	[dreg:$0x3] =	wrdreg s5  }
0xb0: {  	[dreg:$0x4] =	wrdreg $0xC0  }
0xb1: {  	_ =	task [dreg:s7], $0x5FFFF  }
0xb2: {  	[dreg:$0x1] =	wrdreg $0xFFFFFFFF  }
0xb3: {  	[dreg:$0x0] =	wrdreg $0x60  }
0xb4: {  	[dreg:$0x2] =	wrdreg s24  }
0xb5: {  	[dreg:$0x3] =	wrdreg s16  }
0xb6: {  	[dreg:$0x4] =	wrdreg $0x53200  }
0xb7: {  	[dreg:$0x5] =	wrdreg $0x9  }
0xb8: {  	_ =	task.clear_ibuf [dreg:s7], $0x6FFFF;
	_ =	strace $0x90000046  }
0xb9: {  	s29 =	simm.s32 $0x9;
	_ =	strace $0x80000048  }
0xba: {  	_ =	swait.ge [sflag:s29], $0x1  }
0xbb: {  	[sflag:s29] =	ssyncadd.s32 $0xFFFFFFFF  }
0xbc: {  	_ =	strace $0x90000048  }
0xbd: {  	_ =	sfence  }
0xbe: {  	s30 =	sld [smem:$0x0];
	_ =	sdelay $0x2  }
0xbf: {  	s31 =	sshll.u32 s1, $0xD;
	s1 =	sshrl.u32 s1, $0x2  }
0xc0: {  	s3 =	sand.u32 $0x4000, s31;
	s1 =	sadd.s32 s1, s30  }
0xc1: {  	s0 =	sor.u32 s3, s0;
	s1 =	sshll.u32 s1, $0x11  }
0xc2: {  	s0 =	sor.u32 s1, s0  }
0xc3: {  	s0 =	sadd.s32 $0x8F2B, s0  }
0xc4: {  	[sflag:s0] =	ssyncadd.remote.s32 $0x1  }
0xc5: {  	_ =	sfence.sel $0xFFFF  }
0xc6: {  	[dreg:$0x0] =	wrdreg $0xFFFFFFFF;
	(pc) =	sbr.abs _section_cstart, $3  }
0xc7: {  	[dreg:$0x1] =	wrdreg $0xFFFFFFFF  }
0xc8: {  	_ =	task.clear_ibuf [dreg:s7], $0x2FFFF;
	_ =	strace $0x9FFFFFFF  }
0xc9: {  	(tm) =	ssettm $0x7FFFFFFF  }
tec
execute0_lowered:
.L_overlay_start_1:
0x0: {  	(tag) =	ssettag $0x1  }
0x1: {  	s5 =	rddreg [dreg:$0x0]  }
0x2: {  	s1 =	rddreg [dreg:$0x1]  }
0x3: {  	s3 =	rddreg [dreg:$0x2];
	s2 =	srdreg.scid  }
0x4: {  	s0 =	rddreg [dreg:$0x3];
	s4 =	simm.s32 $0x0;
	s18 =	simm.s32 $0x4E20  }
0x5: {  	s19 =	simm.s32 $0x1;
	s20 =	simm.s32 $0x2710;
	s21 =	simm.s32 $0x50  }
0x6: {  	s24 =	simm.s32 $0x0;
	s6 =	sand.u32 $0x1, s2;
	s2 =	stileid.u32  }
0x7: {  	[smem:$0x7FF] =	sst s4;
	s7 =	sshll.u32 s6, $0x4;
	s8 =	smul.u32 $0x28000, s6  }
0x8: {  	s9 =	smul.u32 $0x2800, s2;
	_ =	strace $0x80000047;
	s6 =	ssub.s32 $0x2, s6  }
0x9: {  	s10 =	smul.u32 $0xA000, s2;
	s22 =	sshll.u32 s2, $0x6;
	s7 =	sor.u32 s2, s7  }
0xa: {  	s31 =	sshrl.u32 s6, $0x1;
	s22 =	sor.u32 $0x1C01, s22;
	s7 =	smul.u32 $0x4E2, s7  }
0xb: {  	s8 =	sadd.s32 s9, s8;
	s11 =	ssub.s32 s6, s31;
	s10 =	sshrl.u32 s10, $0x2  }
0xc: {  	s23 =	sadd.s32 s9, s3;
	s8 =	sshrl.u32 s8, $0x3;
	s9 =	smax.u32 s11, $0x1  }
0xd: {  	s10 =	sadd.s32 s10, s3;
	s23 =	sshrl.u32 s23, $0x3;
	s7 =	sadd.s32 s7, s5  }
0xe: {  	s8 =	sadd.s32 s8, s5;
	s11 =	sadd.s32 $0x500, s10;
	s12 =	sadd.s32 $0xA00, s10  }
0xf: {  	s13 =	sadd.s32 $0xF00, s10;
	s14 =	sadd.s32 $0x1400, s10;
	s15 =	sadd.s32 $0x1900, s10  }
0x10: {  	s16 =	sadd.s32 $0x1E00, s10;
	s17 =	sadd.s32 $0x2300, s10;
	s5 =	sadd.s32 $0x16600, s7  }
0x11: {  	s6 =	sadd.s32 $0xC800, s7;
	s7 =	sadd.s32 $0xA0, s1;
	s8 =	sadd.s32 $0x20400, s8  }
.LBB2_1:
0x12: {  	[tilespmem:s18], [sflag:$0x1] =	stream.linear.gather [hbm4b:s1+s4], $0x500, $0x38;
	[tilespmem:$0x7B20] =	vst v63  }
0x13: {  	_ =	swait.ge [sflag:s19], $0x500  }
0x14: {  	[sflag:s19] =	ssyncset.done $0x0  }
0x15: {  	[sflag:s19] =	ssyncadd.s32 $0xFFFFFB00  }
0x16: {  	[spmem:s10] =	stream.linear.scatter [tilespmem:s18], [sflag:$0x1], $0x500, $0x38;
	[tilespmem:$0x7B20] =	vst v63  }
0x17: {  	_ =	swait.ge [sflag:s19], $0x500  }
0x18: {  	[sflag:s19] =	ssyncset.done $0x0  }
0x19: {  	[sflag:s19] =	ssyncadd.s32 $0xFFFFFB00  }
0x1a: {  	[spmem:s11] =	stream.linear.scatter [tilespmem:s18], [sflag:$0x1], $0x500, $0x38;
	[tilespmem:$0x7B20] =	vst v63  }
0x1b: {  	_ =	swait.ge [sflag:s19], $0x500  }
0x1c: {  	[sflag:s19] =	ssyncset.done $0x0  }
0x1d: {  	[sflag:s19] =	ssyncadd.s32 $0xFFFFFB00  }
0x1e: {  	[spmem:s12] =	stream.linear.scatter [tilespmem:s18], [sflag:$0x1], $0x500, $0x38;
	[tilespmem:$0x7B20] =	vst v63  }
0x1f: {  	_ =	swait.ge [sflag:s19], $0x500  }
0x20: {  	[sflag:s19] =	ssyncset.done $0x0  }
0x21: {  	[sflag:s19] =	ssyncadd.s32 $0xFFFFFB00  }
0x22: {  	[spmem:s13] =	stream.linear.scatter [tilespmem:s18], [sflag:$0x1], $0x500, $0x38;
	[tilespmem:$0x7B20] =	vst v63  }
0x23: {  	_ =	swait.ge [sflag:s19], $0x500  }
0x24: {  	[sflag:s19] =	ssyncset.done $0x0  }
0x25: {  	[sflag:s19] =	ssyncadd.s32 $0xFFFFFB00  }
0x26: {  	[spmem:s14] =	stream.linear.scatter [tilespmem:s18], [sflag:$0x1], $0x500, $0x38;
	[tilespmem:$0x7B20] =	vst v63  }
0x27: {  	_ =	swait.ge [sflag:s19], $0x500  }
0x28: {  	[sflag:s19] =	ssyncset.done $0x0  }
0x29: {  	[sflag:s19] =	ssyncadd.s32 $0xFFFFFB00  }
0x2a: {  	[spmem:s15] =	stream.linear.scatter [tilespmem:s18], [sflag:$0x1], $0x500, $0x38;
	[tilespmem:$0x7B20] =	vst v63  }
0x2b: {  	_ =	swait.ge [sflag:s19], $0x500  }
0x2c: {  	[sflag:s19] =	ssyncset.done $0x0  }
0x2d: {  	[sflag:s19] =	ssyncadd.s32 $0xFFFFFB00  }
0x2e: {  	[spmem:s16] =	stream.linear.scatter [tilespmem:s18], [sflag:$0x1], $0x500, $0x38;
	[tilespmem:$0x7B20] =	vst v63  }
0x2f: {  	_ =	swait.ge [sflag:s19], $0x500  }
0x30: {  	[sflag:s19] =	ssyncset.done $0x0  }
0x31: {  	[sflag:s19] =	ssyncadd.s32 $0xFFFFFB00  }
0x32: {  	[spmem:s17] =	stream.linear.scatter [tilespmem:s18], [sflag:$0x1], $0x500, $0x38;
	[tilespmem:$0x7B20] =	vst v63  }
0x33: {  	_ =	swait.ge [sflag:s19], $0x500  }
0x34: {  	[sflag:s19] =	ssyncset.done $0x0  }
0x35: {  	[sflag:s19] =	ssyncadd.s32 $0xFFFFFB00  }
0x36: {  	[tilespmem:s4], [sflag:$0x1] =	stream.linear.gather [hbm4b:s5+s4], $0x2710, $0x38;
	[tilespmem:$0x7B20] =	vst v63  }
0x37: {  	_ =	swait.ge [sflag:s19], $0x2710  }
0x38: {  	[sflag:s19] =	ssyncset.done $0x0  }
0x39: {  	[sflag:s19] =	ssyncadd.s32 $0xFFFFD8F0  }
0x3a: {  	[tilespmem:s20], [sflag:$0x1] =	stream.linear.gather [hbm4b:s6+s4], $0x2710, $0x38;
	[tilespmem:$0x7B20] =	vst v63  }
0x3b: {  	_ =	swait.ge [sflag:s19], $0x2710  }
0x3c: {  	[sflag:s19] =	ssyncset.done $0x0  }
0x3d: {  	[sflag:s19] =	ssyncadd.s32 $0xFFFFD8F0  }
0x3e: {  	[bflag:$0x0] =	sbarrier.arrive $0xFFFF  }
0x3f: {  	[tilespmem:s18], [sflag:$0x1] =	stream.linear.gather [hbm4b:s7+s4], $0x500, $0x38;
	[tilespmem:$0x7B20] =	vst v63  }
0x40: {  	_ =	swait.ge [sflag:s19], $0x500  }
0x41: {  	[sflag:s19] =	ssyncset.done $0x0  }
0x42: {  	s25 =	simm.s32 $0x2710;
	[sflag:s19] =	ssyncadd.s32 $0xFFFFFB00  }
0x43: {  	[spmem:s3] =	stream.indirect.scatter.add.f32 [tilespmem:s18], [sflag:$0x1], $0x10, s25, s21, $0xb8;
	[tilespmem:$0x7B20] =	vst v63  }
0x44: {  	s25 =	simm.s32 $0x140;
	_ =	swait.ge [sflag:s19], $0x500  }
.LBB2_2:
0x45: {  	s26 =	sshra.s32 s25, $0x2;
	[sflag:s19] =	ssyncset.done $0x0;
	p0 =	sne.s32 s25, $0x9B00  }
.Ltmp0:
0x46: {  	s26 =	sadd.s32 $0x2710, s26;
	[sflag:s19] =	ssyncadd.s32 $0xFFFFFB00;
	(pc) =	sbr.rel @p0 .LBB2_2-.Ltmp0, $3  }
0x47: {  	[spmem:s3] =	stream.indirect.scatter.add.f32 [tilespmem:s18], [sflag:$0x1], $0x10, s26, s21, $0xb8;
	[tilespmem:$0x7B20] =	vst v63  }
0x48: {  	s25 =	sadd.s32 $0x140, s25;
	_ =	sdelay $0x1  }
0x49: {  	_ =	swait.ge [sflag:s19], $0x500  }
0x4a: {  	[sflag:s19] =	ssyncset.done $0x0;
	s24 =	sadd.s32 $0x1, s24  }
0x4b: {  	[sflag:s19] =	ssyncadd.s32 $0xFFFFFB00;
	p0 =	sne.s32 s24, s9  }
.Ltmp1:
0x4c: {  	[bflag:$0x0] =	sbarrier.arrive $0xFFFF;
	(pc) =	sbr.rel @p0 .LBB2_1-.Ltmp1, $4  }
0x4d: {  	[hbm:s8], [sflag:s22] =	dma.local [spmem:s23], $0x500  }
0x4e: {  	_ =	swait.ge [sflag:s19], $0x500  }
0x4f: {  	[sflag:s19] =	ssyncset.done $0x0  }
0x50: {  	[sflag:s19] =	ssyncadd.s32 $0xFFFFFB00  }
0x51: {  	_ =	sfence.sel $0x180000  }
0x52: {  	[bflag:$0x0] =	sbarrier.arrive $0xFFFF  }
0x53: {  	p0 =	sne.s32 s2, $0x0;
	_ =	strace $0x90000047  }
0x54: {  	s0 =	sadd.s32 @!p0 $0x100000, s0;
	[bflag:$0x2] =	sbarrier.arrive $0xFFFF  }
0x55: {  	[sflag:s0] =	ssyncadd.tile.s32 @!p0 $0x1;
	_ =	shalt  }
.Lfunc_end2:
_tile_overlayer_lowered:
.L_overlay_start_2:
0x56: {  	(tag) =	ssettag $0x2  }
0x57: {  	s0 =	rddreg [dreg:$0x0];
	s2 =	stileid.u32  }
0x58: {  	s1 =	rddreg [dreg:$0x1];
	p0 =	sne.s32 s2, $0x0  }
0x59: {  	s3 =	rddreg [dreg:$0x2];
	[bflag:$0x3] =	sbarrier.arrive $0xFFFF;
	s2 =	simm.s32 @!p0 $0x1C01  }
0x5a: {  	[timem:s3], [sflag:s2] =	dma.local @!p0 [hbm:s0], s1  }
0x5b: {  	s0 =	simm.s32 @!p0 $0x1  }
0x5c: {  	_ =	swait.ge @!p0 [sflag:s0], s1  }
0x5d: {  	s1 =	ssub.s32 @!p0 $0x0, s1;
	[sflag:s0] =	ssyncset.done @!p0 $0x0  }
0x5e: {  	[sflag:s0] =	ssyncadd.s32 @!p0 s1  }
0x5f: {  	[bflag:$0x3] =	sbarrier.arrive $0xFFFF  }
0x60: {  	_ =	shalt  }

// kernel: kernel.15.cloned.1.call-start
scs
__scs_entry_jumppad:
0x0: {  	(pc) =	sbr.rel $0x88, $3  }
0x1: {  	(tag) =	ssettag $0x0;
	lr =	simm.s32 $0x1  }
0x2: {  	[smem:$0x3F99] =	sst lr;
	_ =	strace $0xD0000000  }
0x3: {  	_ = 	snop  }
0x4: {  	_ = 	snop  }
0x5: {  	_ = 	snop  }
0x6: {  	_ = 	snop  }
0x7: {  	_ = 	snop  }
__scs_overlays_trampoline_lowered:
0x8: {  	[smem:$0x3FA8] =	sst s0  }
0x9: {  	[smem:$0x3FA9] =	sst s1  }
0xa: {  	[smem:$0x3FAA] =	sst s2  }
0xb: {  	[smem:$0x3FAB] =	sst s3  }
0xc: {  	[smem:$0x3FAC] =	sst s4  }
0xd: {  	[smem:$0x3FAD] =	sst s5  }
0xe: {  	[smem:$0x3FAE] =	sst s6  }
0xf: {  	[smem:$0x3FAF] =	sst s7  }
0x10: {  	[smem:$0x3FB0] =	sst s8  }
0x11: {  	[smem:$0x3FB1] =	sst s9;
	s0 =	simm.s32 @!p0 $0x0  }
0x12: {  	s1 =	sld [smem:$0x3F97];
	s0 =	simm.s32 @p0 $0x1  }
0x13: {  	[smem:$0x3FB2] =	sst s0;
	s0 =	simm.s32 @!p1 $0x0  }
0x14: {  	s2 =	sld [smem:$0x3F96];
	s0 =	simm.s32 @p1 $0x1  }
0x15: {  	[smem:$0x3FB3] =	sst s0;
	s0 =	simm.s32 @!p2 $0x0  }
0x16: {  	s3 =	sld [smem:$0x3FDB];
	s0 =	simm.s32 @p2 $0x1  }
0x17: {  	s4 =	simm.s32 $0x1BF5;
	[smem:$0x3FB5] =	sst s0  }
0x18: {  	s0 =	sld [smem:$0x3F98];
	_ =	swait.ge [sflag:s4], $0x0  }
0x19: {  	s7 =	sld [smem:$0x3F99]  }
0x1a: {  	s8 =	sadd.s32 $0xFFFFE003, lr  }
0x1b: {  	s9 =	sadd.s32 $0xFFFFFEF7, lr;
	s5 =	simm.s32 $0xFFFFFFFF;
	p2 =	slt.u32 s8, $0xFFFFF086  }
0x1c: {  	p1 =	slt.u32 s9, $0xF7A;
	s5 =	simm.s32 @!p2 $0x0  }
0x1d: {  	s5 =	simm.s32 @p1 $0x1;
	p0 =	seq.s32 s7, s2  }
0x1e: {  	s7 =	smul.u32 @!p0 $0xF7A, s2;
	p2 =	seq.s32 @!p0 s5, $0x0  }
0x1f: {  	s9 =	smul.u32 $0xF7A, s1;
	s8 =	simm.s32 @!p0 $0x1BF5;
	p2 =	por !p2, p0  }
0x20: {  	[sflag:s8] =	ssyncset.s32 @!p0 $0xFFFFF086;
	s6 =	sadd.s32 @!p0 s3, s7;
	s7 =	simm.s32 @!p0 $0x108  }
0x21: {  	s3 =	sadd.s32 s3, s9;
	s6 =	sadd.s32 @!p0 $0x88, s6;
	s7 =	simm.s32 @p2 $0x1082  }
0x22: {  	[simem:s7], [sflag:s8] =	dma.local @!p0 [hbm:s6], $0xF7A  }
0x23: {  	s9 =	sor.u32 $0xD0000000, s2;
	s6 =	simm.s32 $0x108;
	_ =	swait.ge @!p0 [sflag:s8], $0x0  }
0x24: {  	s3 =	sadd.s32 $0x88, s3;
	s6 =	simm.s32 @!p1 $0x1082;
	[sflag:s4] =	ssyncset.s32 $0xFFFFF086  }
0x25: {  	[simem:s6], [sflag:s4] =	dma.local [hbm:s3], $0xF7A  }
0x26: {  	[smem:$0x3F99] =	sst s1;
	(tag) =	ssettag s2;
	_ =	strace s9  }
0x27: {  	s1 =	sld [smem:$0x3FA9]  }
0x28: {  	s2 =	sld [smem:$0x3FAA]  }
0x29: {  	s4 =	sld [smem:$0x3FAC]  }
0x2a: {  	p0 =	seq.s32 s5, $0x0;
	s5 =	sld [smem:$0x3FAD]  }
0x2b: {  	s6 =	sld [smem:$0x3FAE]  }
0x2c: {  	s7 =	sld [smem:$0x3FAF]  }
0x2d: {  	s3 =	simm.s32 $0x108;
	s8 =	sld [smem:$0x3FB0]  }
0x2e: {  	s3 =	simm.s32 @!p0 $0x1082;
	s9 =	sld [smem:$0x3FB1]  }
0x2f: {  	lr =	sadd.s32 s0, s3;
	s0 =	sld [smem:$0x3FA8]  }
0x30: {  	s3 =	sld [smem:$0x3FAB]  }
0x31: {  	[smem:$0x3FB4] =	sst s10  }
0x32: {  	s10 =	sld [smem:$0x3FB2];
	_ =	sdelay $0x3  }
0x33: {  	p0 =	seq.s32 s10, $0x1;
	s10 =	sld [smem:$0x3FB4];
	_ =	sdelay $0x3  }
0x34: {  	[smem:$0x3FB4] =	sst s10  }
0x35: {  	s10 =	sld [smem:$0x3FB3];
	_ =	sdelay $0x3  }
0x36: {  	p1 =	seq.s32 s10, $0x1;
	s10 =	sld [smem:$0x3FB4];
	_ =	sdelay $0x3  }
0x37: {  	[smem:$0x3FB4] =	sst s10  }
0x38: {  	s10 =	sld [smem:$0x3FB5]  }
0x39: {  	_ = 	snop;
	(pc) =	sbr.ind lr, $3  }
0x3a: {  	_ = 	snop  }
0x3b: {  	_ = 	snop  }
0x3c: {  	p2 =	seq.s32 s10, $0x1;
	s10 =	sld [smem:$0x3FB4]  }
0x3d: {  	_ =	shalt  }
0x3e: {  	_ =	shalt  }
0x3f: {  	_ =	shalt  }
0x40: {  	_ =	shalt  }
0x41: {  	_ =	shalt  }
0x42: {  	_ =	shalt  }
0x43: {  	_ =	shalt  }
0x44: {  	_ =	shalt  }
0x45: {  	_ =	shalt  }
0x46: {  	_ =	shalt  }
0x47: {  	_ =	shalt  }
0x48: {  	_ =	shalt  }
0x49: {  	_ =	shalt  }
0x4a: {  	_ =	shalt  }
0x4b: {  	_ =	shalt  }
0x4c: {  	_ =	shalt  }
0x4d: {  	_ =	shalt  }
0x4e: {  	_ =	shalt  }
0x4f: {  	_ =	shalt  }
0x50: {  	_ =	shalt  }
0x51: {  	_ =	shalt  }
0x52: {  	_ =	shalt  }
0x53: {  	_ =	shalt  }
0x54: {  	_ =	shalt  }
0x55: {  	_ =	shalt  }
0x56: {  	_ =	shalt  }
0x57: {  	_ =	shalt  }
0x58: {  	_ =	shalt  }
0x59: {  	_ =	shalt  }
0x5a: {  	_ =	shalt  }
0x5b: {  	_ =	shalt  }
0x5c: {  	_ =	shalt  }
0x5d: {  	_ =	shalt  }
0x5e: {  	_ =	shalt  }
0x5f: {  	_ =	shalt  }
0x60: {  	_ =	shalt  }
0x61: {  	_ =	shalt  }
0x62: {  	_ =	shalt  }
0x63: {  	_ =	shalt  }
0x64: {  	_ =	shalt  }
0x65: {  	_ =	shalt  }
0x66: {  	_ =	shalt  }
0x67: {  	_ =	shalt  }
0x68: {  	_ =	shalt  }
0x69: {  	_ =	shalt  }
0x6a: {  	_ =	shalt  }
0x6b: {  	_ =	shalt  }
0x6c: {  	_ =	shalt  }
0x6d: {  	_ =	shalt  }
0x6e: {  	_ =	shalt  }
0x6f: {  	_ =	shalt  }
0x70: {  	_ =	shalt  }
0x71: {  	_ =	shalt  }
0x72: {  	_ =	shalt  }
0x73: {  	_ =	shalt  }
0x74: {  	_ =	shalt  }
0x75: {  	_ =	shalt  }
0x76: {  	_ =	shalt  }
0x77: {  	_ =	shalt  }
0x78: {  	_ =	shalt  }
0x79: {  	_ =	shalt  }
0x7a: {  	_ =	shalt  }
0x7b: {  	_ =	shalt  }
0x7c: {  	_ =	shalt  }
0x7d: {  	_ =	shalt  }
0x7e: {  	_ =	shalt  }
0x7f: {  	_ =	shalt  }
0x80: {  	_ =	shalt  }
0x81: {  	_ =	shalt  }
0x82: {  	_ =	shalt  }
0x83: {  	_ =	shalt  }
0x84: {  	_ =	shalt  }
0x85: {  	_ =	shalt  }
0x86: {  	_ =	shalt  }
0x87: {  	_ =	shalt  }
.Lfunc_end0:
.L_simem_size_0:
called_computation.1_lowered:
.L_overlay_start_0:
0x88: {  	s2 =	sld [smem:$0x3FD9]  }
0x89: {  	s3 =	sld [smem:$0x3FFE];
	_ =	sdelay $0x1  }
0x8a: {  	s1 =	srdreg.scid  }
0x8b: {  	s0 =	sand.u32 $0x1, s1  }
0x8c: {  	s14 =	sshll.u32 s0, $0xA;
	s2 =	sadd.s32 s3, s2  }
0x8d: {  	s2 =	sadd.s32 s2, s14  }
0x8e: {  	[smem:$0x3FC0] =	sst s2  }
0x8f: {  	_ = 	snop  }
0x90: {  	s2 =	sld [smem:$0x3FD0];
	_ =	sdelay $0x2  }
0x91: {  	s15 =	simm.s32 $0xA;
	s4 =	simm.s32 $0x10  }
0x92: {  	[smem:s4], [sflag:s15] =	dma.local [hbm:s2], $0x1  }
0x93: {  	_ =	swait.eq [sflag:s15], $0x1  }
0x94: {  	[sflag:s15] =	ssyncset.done $0x0  }
0x95: {  	[sflag:s15] =	ssyncadd.s32 $0xFFFFFFFF  }
0x96: {  	s16 =	sld [smem:$0x12];
	(tm) =	ssettm $0x1  }
0x97: {  	s17 =	sld [smem:$0x3FFB];
	_ =	sdelay $0x3  }
0x98: {  	_ =	strace s17  }
0x99: {  	s3 =	sld [smem:$0x3FFC];
	_ =	sdelay $0x3  }
0x9a: {  	_ =	strace s3  }
0x9b: {  	s3 =	sld [smem:$0x3FFD];
	_ =	sdelay $0x3  }
0x9c: {  	_ =	strace s3  }
0x9d: {  	_ =	strace $0x8FFFFFFF  }
0x9e: {  	s18 =	sld [smem:$0x3FDB];
	_ =	sdelay $0x1  }
0x9f: {  	s19 =	simm.s32 $_scs_section_size  }
0xa0: {  	s5 =	simm.s32 $_size__tile_overlayer_lowered;
	s6 =	simm.s32 $_tile_overlayer_lowered  }
0xa1: {  	s22 =	simm.s32 $0x1BFF;
	s21 =	sshll.u32 s6, $0x1;
	s3 =	sadd.s32 s19, s18  }
0xa2: {  	s7 =	simm.s32 $0x0;
	s20 =	sshll.u32 s5, $0x1;
	s5 =	sadd.s32 s21, s3  }
0xa3: {  	[timem:s7], [sflag:s22] =	dma.local [hbm:s5], s20  }
0xa4: {  	_ =	swait.ge [sflag:s22], s20  }
0xa5: {  	s4 =	ssub.s32 $0x0, s20;
	[sflag:s22] =	ssyncset.done $0x0  }
0xa6: {  	[sflag:s22] =	ssyncadd.s32 s4;
	_ =	sdelay $0x1  }
0xa7: {  	s23 =	simm.s32 $0x1B8B  }
0xa8: {  	_ =	swait.ge [sflag:s23], $0x1  }
0xa9: {  	[sflag:s23] =	ssyncset.done $0x0  }
0xaa: {  	s25 =	simm.s32 $0x1B8E;
	s24 =	sld [smem:$0x3FFE];
	[sflag:s23] =	ssyncadd.s32 $0xFFFFFFFF  }
0xab: {  	s26 =	simm.s32 $execute0_lowered;
	[smem:$0x3FD2] =	sst s25  }
0xac: {  	s5 =	sshll.u32 s26, $0x1;
	_ =	strace $0x80000049;
	[dreg:$0x1] =	wrdreg $0xFFFFFFFF  }
0xad: {  	s28 =	simm.s32 $_size_execute0_lowered;
	s3 =	sadd.s32 s3, s5;
	[dreg:$0x0] =	wrdreg $0x0  }
0xae: {  	s5 =	sshll.u32 s28, $0x1;
	[dreg:$0x2] =	wrdreg s3  }
0xaf: {  	[dreg:$0x3] =	wrdreg s5  }
0xb0: {  	[dreg:$0x4] =	wrdreg $0xC0  }
0xb1: {  	_ =	task [dreg:s7], $0x5FFFF  }
0xb2: {  	[dreg:$0x1] =	wrdreg $0xFFFFFFFF  }
0xb3: {  	[dreg:$0x0] =	wrdreg $0x60  }
0xb4: {  	[dreg:$0x2] =	wrdreg s24  }
0xb5: {  	[dreg:$0x3] =	wrdreg s16  }
0xb6: {  	[dreg:$0x4] =	wrdreg $0x9E200  }
0xb7: {  	[dreg:$0x5] =	wrdreg $0x9  }
0xb8: {  	_ =	task.clear_ibuf [dreg:s7], $0x6FFFF;
	_ =	strace $0x90000049  }
0xb9: {  	s29 =	simm.s32 $0x9;
	_ =	strace $0x8000004B  }
0xba: {  	_ =	swait.ge [sflag:s29], $0x1  }
0xbb: {  	[sflag:s29] =	ssyncadd.s32 $0xFFFFFFFF  }
0xbc: {  	_ =	strace $0x9000004B  }
0xbd: {  	_ =	sfence  }
0xbe: {  	s30 =	sld [smem:$0x0];
	_ =	sdelay $0x2  }
0xbf: {  	s31 =	sshll.u32 s1, $0xD;
	s1 =	sshrl.u32 s1, $0x2  }
0xc0: {  	s3 =	sand.u32 $0x4000, s31;
	s1 =	sadd.s32 s1, s30  }
0xc1: {  	s0 =	sor.u32 s3, s0;
	s1 =	sshll.u32 s1, $0x11  }
0xc2: {  	s0 =	sor.u32 s1, s0  }
0xc3: {  	s0 =	sadd.s32 $0x8F2B, s0  }
0xc4: {  	[sflag:s0] =	ssyncadd.remote.s32 $0x1  }
0xc5: {  	_ =	sfence.sel $0xFFFF  }
0xc6: {  	[dreg:$0x0] =	wrdreg $0xFFFFFFFF;
	(pc) =	sbr.abs _section_cstart, $3  }
0xc7: {  	[dreg:$0x1] =	wrdreg $0xFFFFFFFF  }
0xc8: {  	_ =	task.clear_ibuf [dreg:s7], $0x2FFFF;
	_ =	strace $0x9FFFFFFF  }
0xc9: {  	(tm) =	ssettm $0x7FFFFFFF  }
tec
execute0_lowered:
.L_overlay_start_1:
0x0: {  	(tag) =	ssettag $0x1  }
0x1: {  	s0 =	srdreg.scid;
	s7 =	rddreg [dreg:$0x0]  }
0x2: {  	s31 =	stileid.u32;
	s3 =	rddreg [dreg:$0x2];
	s4 =	simm.s32 $0x0  }
0x3: {  	s18 =	simm.s32 $0x4E20;
	s19 =	simm.s32 $0x3;
	s20 =	simm.s32 $0x1  }
0x4: {  	s21 =	simm.s32 $0x50;
	s22 =	simm.s32 $0x4DD0;
	s23 =	simm.s32 $0x4  }
0x5: {  	s25 =	simm.s32 $0x0;
	s6 =	sand.u32 $0x1, s0;
	s10 =	smul.u32 $0x14000, s31  }
0x6: {  	[smem:$0x7FF] =	sst s4;
	s5 =	sadd.s32 $0x66600, s7;
	s12 =	smul.u32 $0x50000, s31  }
0x7: {  	s1 =	sshll.u32 s6, $0x4;
	s9 =	smul.u32 $0x140000, s6;
	s6 =	ssub.s32 $0x2, s6  }
0x8: {  	_ =	strace $0x8000004A;
	s1 =	sor.u32 s31, s1;
	s11 =	sshrl.u32 s6, $0x1  }
0x9: {  	s12 =	sshrl.u32 s12, $0x2;
	s24 =	sadd.s32 s10, s3;
	s8 =	smul.u32 $0x4E2, s1  }
0xa: {  	s9 =	sadd.s32 s10, s9;
	s11 =	ssub.s32 s6, s11;
	s10 =	sadd.s32 s12, s3  }
0xb: {  	s24 =	sshrl.u32 s24, $0x3;
	s9 =	sshrl.u32 s9, $0x3;
	s12 =	sadd.s32 $0x5000, s10  }
0xc: {  	s13 =	sadd.s32 $0x7800, s10;
	s14 =	sadd.s32 $0xA000, s10;
	s15 =	sadd.s32 $0xC800, s10  }
0xd: {  	s16 =	sadd.s32 $0xF000, s10;
	s17 =	sadd.s32 $0x11800, s10;
	s8 =	sadd.s32 s8, s7  }
0xe: {  	s9 =	sadd.s32 s9, s7;
	s6 =	sadd.s32 $0x2A00, s8;
	s7 =	sadd.s32 $0xC800, s8  }
0xf: {  	s8 =	sadd.s32 $0x8E200, s9;
	s9 =	smax.u32 s11, $0x1;
	s11 =	sadd.s32 $0x2800, s10  }
.LBB2_1:
0x10: {  	s0 =	rddreg [dreg:$0x1]  }
0x11: {  	[tilespmem:s18], [sflag:$0x3] =	stream.linear.gather [hbm4b:s0+s4], $0x2800, $0x38;
	[tilespmem:$0x1DE20] =	vst v63  }
0x12: {  	_ =	swait.ge [sflag:s19], $0x2800  }
0x13: {  	[sflag:s19] =	ssyncset.done $0x0  }
0x14: {  	[sflag:s19] =	ssyncadd.s32 $0xFFFFD800  }
0x15: {  	[spmem:s10] =	stream.linear.scatter [tilespmem:s18], [sflag:$0x3], $0x2800, $0x38;
	[tilespmem:$0x1DE20] =	vst v63  }
0x16: {  	_ =	swait.ge [sflag:s19], $0x2800  }
0x17: {  	[sflag:s19] =	ssyncset.done $0x0  }
0x18: {  	[sflag:s19] =	ssyncadd.s32 $0xFFFFD800  }
0x19: {  	[spmem:s11] =	stream.linear.scatter [tilespmem:s18], [sflag:$0x3], $0x2800, $0x38;
	[tilespmem:$0x1DE20] =	vst v63  }
0x1a: {  	_ =	swait.ge [sflag:s19], $0x2800  }
0x1b: {  	[sflag:s19] =	ssyncset.done $0x0  }
0x1c: {  	[sflag:s19] =	ssyncadd.s32 $0xFFFFD800  }
0x1d: {  	[spmem:s12] =	stream.linear.scatter [tilespmem:s18], [sflag:$0x3], $0x2800, $0x38;
	[tilespmem:$0x1DE20] =	vst v63  }
0x1e: {  	_ =	swait.ge [sflag:s19], $0x2800  }
0x1f: {  	[sflag:s19] =	ssyncset.done $0x0  }
0x20: {  	[sflag:s19] =	ssyncadd.s32 $0xFFFFD800  }
0x21: {  	[spmem:s13] =	stream.linear.scatter [tilespmem:s18], [sflag:$0x3], $0x2800, $0x38;
	[tilespmem:$0x1DE20] =	vst v63  }
0x22: {  	_ =	swait.ge [sflag:s19], $0x2800  }
0x23: {  	[sflag:s19] =	ssyncset.done $0x0  }
0x24: {  	[sflag:s19] =	ssyncadd.s32 $0xFFFFD800  }
0x25: {  	[spmem:s14] =	stream.linear.scatter [tilespmem:s18], [sflag:$0x3], $0x2800, $0x38;
	[tilespmem:$0x1DE20] =	vst v63  }
0x26: {  	_ =	swait.ge [sflag:s19], $0x2800  }
0x27: {  	[sflag:s19] =	ssyncset.done $0x0  }
0x28: {  	[sflag:s19] =	ssyncadd.s32 $0xFFFFD800  }
0x29: {  	[spmem:s15] =	stream.linear.scatter [tilespmem:s18], [sflag:$0x3], $0x2800, $0x38;
	[tilespmem:$0x1DE20] =	vst v63  }
0x2a: {  	_ =	swait.ge [sflag:s19], $0x2800  }
0x2b: {  	[sflag:s19] =	ssyncset.done $0x0  }
0x2c: {  	[sflag:s19] =	ssyncadd.s32 $0xFFFFD800  }
0x2d: {  	[spmem:s16] =	stream.linear.scatter [tilespmem:s18], [sflag:$0x3], $0x2800, $0x38;
	[tilespmem:$0x1DE20] =	vst v63  }
0x2e: {  	_ =	swait.ge [sflag:s19], $0x2800  }
0x2f: {  	[sflag:s19] =	ssyncset.done $0x0  }
0x30: {  	[sflag:s19] =	ssyncadd.s32 $0xFFFFD800  }
0x31: {  	[spmem:s17] =	stream.linear.scatter [tilespmem:s18], [sflag:$0x3], $0x2800, $0x38;
	[tilespmem:$0x1DE20] =	vst v63  }
0x32: {  	_ =	swait.ge [sflag:s19], $0x2800  }
0x33: {  	[sflag:s19] =	ssyncset.done $0x0  }
0x34: {  	[sflag:s19] =	ssyncadd.s32 $0xFFFFD800  }
0x35: {  	[tilespmem:s4], [sflag:$0x3] =	stream.linear.gather [hbm4b:s6+s4], $0x2710, $0x38;
	[tilespmem:$0x1DE20] =	vst v63  }
0x36: {  	_ =	swait.ge [sflag:s19], $0x2710  }
0x37: {  	[sflag:s19] =	ssyncset.done $0x0  }
0x38: {  	s26 =	simm.s32 $0x2710;
	[sflag:s19] =	ssyncadd.s32 $0xFFFFD8F0  }
0x39: {  	[tilespmem:s26], [sflag:$0x3] =	stream.linear.gather [hbm4b:s7+s4], $0x2710, $0x38;
	[tilespmem:$0x1DE20] =	vst v63  }
0x3a: {  	_ =	swait.ge [sflag:s19], $0x2710  }
0x3b: {  	s28 =	sand.u32 $0x1, s4;
	[sflag:s19] =	ssyncset.done $0x0  }
0x3c: {  	p0 =	seq.s32 s28, $0x1;
	[sflag:s19] =	ssyncadd.s32 $0xFFFFD8F0  }
0x3d: {  	s28 =	simm.s32 @p0 $0x2;
	[bflag:$0x0] =	sbarrier.arrive $0xFFFF  }
0x3e: {  	[tilespmem:s18], [sflag:$0x1] =	stream.indirect.gather [hbm4b:s5+s21], $0x80, s4, s21, $0xb8;
	[tilespmem:$0x1DE20] =	vst v63  }
0x3f: {  	_ =	swait.ge @p0 [sflag:s28], $0x2800  }
0x40: {  	[sflag:s28] =	ssyncset.done @p0 $0x0  }
0x41: {  	s29 =	simm.s32 @p0 $0x4E20;
	[sflag:s28] =	ssyncadd.s32 @p0 $0xFFFFD800;
	s28 =	simm.s32 @p0 $0x50  }
0x42: {  	[tilespmem:s29], [sflag:$0x1] =	stream.indirect.gather @p0 [hbm4b:s5+s28], $0x80, s21, s28, $0xb8;
	[tilespmem:$0x1DE20] =	vst v63  }
0x43: {  	s30 =	simm.s32 @!p0 $0x1;
	s29 =	simm.s32 @p0 $0x7620  }
0x44: {  	[spmem:s3] =	stream.indirect.scatter.add.f32 @p0 [tilespmem:s29], [sflag:$0x3], $0x80, s26, s28, $0xb8;
	[tilespmem:$0x1DE20] =	vst v63  }
0x45: {  	_ =	swait.ge @!p0 [sflag:s30], $0x2800  }
0x46: {  	s29 =	simm.s32 @!p0 $0x4;
	[sflag:s30] =	ssyncset.done @!p0 $0x0  }
0x47: {  	s28 =	simm.s32 @!p0 $0x50;
	[sflag:s30] =	ssyncadd.s32 @!p0 $0xFFFFD800;
	s30 =	simm.s32 @!p0 $0x7620  }
0x48: {  	[tilespmem:s30], [sflag:$0x2] =	stream.indirect.gather @!p0 [hbm4b:s5+s28], $0x80, s21, s28, $0xb8;
	[tilespmem:$0x1DE20] =	vst v63  }
0x49: {  	s31 =	simm.s32 $0x1;
	s29 =	simm.s32 @p0 $0x3;
	s30 =	simm.s32 @!p0 $0x4E20  }
0x4a: {  	[spmem:s3] =	stream.indirect.scatter.add.f32 @!p0 [tilespmem:s30], [sflag:$0x4], $0x80, s26, s28, $0xb8;
	[tilespmem:$0x1DE20] =	vst v63  }
0x4b: {  	s31 =	sand.u32 $0x1, s31;
	s30 =	simm.s32 $0x2;
	_ =	swait.ge [sflag:s29], $0x2800  }
0x4c: {  	s26 =	simm.s32 $0xA0;
	s28 =	simm.s32 $0x2760;
	[sflag:s29] =	ssyncset.done $0x0  }
.LBB2_2:
0x4d: {  	p1 =	seq.s32 s31, $0x1  }
0x4e: {  	[sflag:s29] =	ssyncadd.s32 $0xFFFFD800;
	s31 =	smov.u32 s30;
	s30 =	sadd.s32 $0x1, s30  }
0x4f: {  	p0 =	sne.s32 s30, $0x7C;
	s1 =	simm.s32 @p1 $0x2;
	s29 =	simm.s32 @!p1 $0x4  }
0x50: {  	_ =	swait.ge @p1 [sflag:s1], $0x2800  }
0x51: {  	[sflag:s1] =	ssyncset.done @p1 $0x0  }
0x52: {  	s2 =	simm.s32 @p1 $0x4E20;
	[sflag:s1] =	ssyncadd.s32 @p1 $0xFFFFD800;
	s1 =	simm.s32 @p1 $0x50  }
0x53: {  	[tilespmem:s2], [sflag:$0x1] =	stream.indirect.gather @p1 [hbm4b:s5+s1], $0x80, s26, s1, $0xb8;
	[tilespmem:$0x1DE20] =	vst v63  }
0x54: {  	s0 =	simm.s32 @!p1 $0x1;
	s2 =	simm.s32 @p1 $0x7620  }
0x55: {  	[spmem:s3] =	stream.indirect.scatter.add.f32 @p1 [tilespmem:s2], [sflag:$0x3], $0x80, s28, s1, $0xb8;
	[tilespmem:$0x1DE20] =	vst v63  }
0x56: {  	_ =	swait.ge @!p1 [sflag:s0], $0x2800  }
0x57: {  	[sflag:s0] =	ssyncset.done @!p1 $0x0  }
0x58: {  	s1 =	simm.s32 @!p1 $0x7620;
	[sflag:s0] =	ssyncadd.s32 @!p1 $0xFFFFD800;
	s0 =	simm.s32 @!p1 $0x50  }
0x59: {  	[tilespmem:s1], [sflag:$0x2] =	stream.indirect.gather @!p1 [hbm4b:s5+s0], $0x80, s26, s0, $0xb8;
	[tilespmem:$0x1DE20] =	vst v63  }
.Ltmp0:
0x5a: {  	_ = 	snop;
	(pc) =	sbr.rel @p0 .LBB2_2-.Ltmp0, $4  }
0x5b: {  	s29 =	simm.s32 @p1 $0x3;
	s1 =	simm.s32 @!p1 $0x4E20  }
0x5c: {  	[spmem:s3] =	stream.indirect.scatter.add.f32 @!p1 [tilespmem:s1], [sflag:$0x4], $0x80, s28, s0, $0xb8;
	[tilespmem:$0x1DE20] =	vst v63  }
0x5d: {  	s26 =	sadd.s32 $0x50, s26;
	_ =	swait.ge [sflag:s29], $0x2800  }
0x5e: {  	s31 =	sand.u32 $0x1, s31;
	s28 =	sadd.s32 $0x50, s28;
	[sflag:s29] =	ssyncset.done $0x0  }
0x5f: {  	p0 =	seq.s32 s31, $0x1  }
0x60: {  	[sflag:s29] =	ssyncadd.s32 $0xFFFFD800;
	s0 =	simm.s32 @p0 $0x2  }
0x61: {  	_ =	swait.ge @p0 [sflag:s0], $0x2800  }
0x62: {  	[sflag:s0] =	ssyncset.done @p0 $0x0  }
0x63: {  	s1 =	simm.s32 @p0 $0x4E20;
	[sflag:s0] =	ssyncadd.s32 @p0 $0xFFFFD800;
	s0 =	simm.s32 @p0 $0x50  }
0x64: {  	[tilespmem:s1], [sflag:$0x1] =	stream.indirect.gather @p0 [hbm4b:s5+s0], $0x80, s26, s0, $0xb8;
	[tilespmem:$0x1DE20] =	vst v63  }
0x65: {  	s2 =	simm.s32 @!p0 $0x1;
	s1 =	simm.s32 @p0 $0x7620  }
0x66: {  	[spmem:s3] =	stream.indirect.scatter.add.f32 @p0 [tilespmem:s1], [sflag:$0x3], $0x80, s28, s0, $0xb8;
	[tilespmem:$0x1DE20] =	vst v63  }
0x67: {  	_ =	swait.ge @!p0 [sflag:s2], $0x2800  }
0x68: {  	s0 =	simm.s32 @!p0 $0x4;
	[sflag:s2] =	ssyncset.done @!p0 $0x0  }
0x69: {  	s1 =	simm.s32 @!p0 $0x50;
	[sflag:s2] =	ssyncadd.s32 @!p0 $0xFFFFD800;
	s2 =	simm.s32 @!p0 $0x7620  }
0x6a: {  	[tilespmem:s2], [sflag:$0x2] =	stream.indirect.gather @!p0 [hbm4b:s5+s1], $0x80, s26, s1, $0xb8;
	[tilespmem:$0x1DE20] =	vst v63  }
0x6b: {  	s0 =	simm.s32 @p0 $0x3;
	s2 =	simm.s32 @!p0 $0x4E20  }
0x6c: {  	[spmem:s3] =	stream.indirect.scatter.add.f32 @!p0 [tilespmem:s2], [sflag:$0x4], $0x80, s28, s1, $0xb8;
	[tilespmem:$0x1DE20] =	vst v63  }
0x6d: {  	_ =	swait.ge [sflag:s0], $0x2800  }
0x6e: {  	[sflag:s0] =	ssyncset.done $0x0  }
0x6f: {  	[sflag:s0] =	ssyncadd.s32 $0xFFFFD800  }
0x70: {  	_ =	swait.ge [sflag:s20], $0x2800  }
0x71: {  	[sflag:s20] =	ssyncset.done $0x0  }
0x72: {  	[sflag:s20] =	ssyncadd.s32 $0xFFFFD800  }
0x73: {  	[spmem:s3] =	stream.indirect.scatter.add.f32 [tilespmem:s18], [sflag:$0x4], $0x80, s22, s21, $0xb8;
	[tilespmem:$0x1DE20] =	vst v63  }
0x74: {  	_ =	swait.ge [sflag:s23], $0x2800  }
0x75: {  	s31 =	stileid.u32;
	s25 =	sadd.s32 $0x1, s25;
	[sflag:s23] =	ssyncset.done $0x0  }
0x76: {  	p0 =	sne.s32 s25, s9;
	s0 =	sshll.u32 s31, $0x6;
	[sflag:s23] =	ssyncadd.s32 $0xFFFFD800  }
.Ltmp1:
0x77: {  	s0 =	sor.u32 $0x1C03, s0;
	[bflag:$0x0] =	sbarrier.arrive $0xFFFF;
	(pc) =	sbr.rel @p0 .LBB2_1-.Ltmp1, $4  }
0x78: {  	[hbm:s8], [sflag:s0] =	dma.local [spmem:s24], $0x2800  }
0x79: {  	_ =	swait.ge [sflag:s19], $0x2800  }
0x7a: {  	[sflag:s19] =	ssyncset.done $0x0  }
0x7b: {  	[sflag:s19] =	ssyncadd.s32 $0xFFFFD800  }
0x7c: {  	_ =	sfence.sel $0x180000  }
0x7d: {  	[bflag:$0x0] =	sbarrier.arrive $0xFFFF  }
0x7e: {  	_ =	strace $0x9000004A  }
0x7f: {  	s0 =	stileid.u32;
	[bflag:$0x2] =	sbarrier.arrive $0xFFFF  }
0x80: {  	p0 =	sne.s32 s0, $0x0;
	s0 =	rddreg [dreg:$0x3]  }
0x81: {  	s0 =	sadd.s32 @!p0 $0x100000, s0  }
0x82: {  	[sflag:s0] =	ssyncadd.tile.s32 @!p0 $0x1;
	_ =	shalt  }
.Lfunc_end2:
_tile_overlayer_lowered:
.L_overlay_start_2:
0x83: {  	(tag) =	ssettag $0x2  }
0x84: {  	s0 =	rddreg [dreg:$0x0];
	s2 =	stileid.u32  }
0x85: {  	s1 =	rddreg [dreg:$0x1];
	p0 =	sne.s32 s2, $0x0  }
0x86: {  	s3 =	rddreg [dreg:$0x2];
	[bflag:$0x3] =	sbarrier.arrive $0xFFFF;
	s2 =	simm.s32 @!p0 $0x1C03  }
0x87: {  	[timem:s3], [sflag:s2] =	dma.local @!p0 [hbm:s0], s1  }
0x88: {  	s0 =	simm.s32 @!p0 $0x3  }
0x89: {  	_ =	swait.ge @!p0 [sflag:s0], s1  }
0x8a: {  	s1 =	ssub.s32 @!p0 $0x0, s1;
	[sflag:s0] =	ssyncset.done @!p0 $0x0  }
0x8b: {  	[sflag:s0] =	ssyncadd.s32 @!p0 s1  }
0x8c: {  	[bflag:$0x3] =	sbarrier.arrive $0xFFFF  }
0x8d: {  	_ =	shalt  }

// kernel: kernel.18.cloned.1.call-start
scs
__scs_entry_jumppad:
0x0: {  	(pc) =	sbr.rel $0x88, $3  }
0x1: {  	(tag) =	ssettag $0x0;
	lr =	simm.s32 $0x1  }
0x2: {  	[smem:$0x3F99] =	sst lr;
	_ =	strace $0xD0000000  }
0x3: {  	_ = 	snop  }
0x4: {  	_ = 	snop  }
0x5: {  	_ = 	snop  }
0x6: {  	_ = 	snop  }
0x7: {  	_ = 	snop  }
__scs_overlays_trampoline_lowered:
0x8: {  	[smem:$0x3FA8] =	sst s0  }
0x9: {  	[smem:$0x3FA9] =	sst s1  }
0xa: {  	[smem:$0x3FAA] =	sst s2  }
0xb: {  	[smem:$0x3FAB] =	sst s3  }
0xc: {  	[smem:$0x3FAC] =	sst s4  }
0xd: {  	[smem:$0x3FAD] =	sst s5  }
0xe: {  	[smem:$0x3FAE] =	sst s6  }
0xf: {  	[smem:$0x3FAF] =	sst s7  }
0x10: {  	[smem:$0x3FB0] =	sst s8  }
0x11: {  	[smem:$0x3FB1] =	sst s9;
	s0 =	simm.s32 @!p0 $0x0  }
0x12: {  	s1 =	sld [smem:$0x3F97];
	s0 =	simm.s32 @p0 $0x1  }
0x13: {  	[smem:$0x3FB2] =	sst s0;
	s0 =	simm.s32 @!p1 $0x0  }
0x14: {  	s2 =	sld [smem:$0x3F96];
	s0 =	simm.s32 @p1 $0x1  }
0x15: {  	[smem:$0x3FB3] =	sst s0;
	s0 =	simm.s32 @!p2 $0x0  }
0x16: {  	s3 =	sld [smem:$0x3FDB];
	s0 =	simm.s32 @p2 $0x1  }
0x17: {  	s4 =	simm.s32 $0x1BF5;
	[smem:$0x3FB5] =	sst s0  }
0x18: {  	s0 =	sld [smem:$0x3F98];
	_ =	swait.ge [sflag:s4], $0x0  }
0x19: {  	s7 =	sld [smem:$0x3F99]  }
0x1a: {  	s8 =	sadd.s32 $0xFFFFE003, lr  }
0x1b: {  	s9 =	sadd.s32 $0xFFFFFEF7, lr;
	s5 =	simm.s32 $0xFFFFFFFF;
	p2 =	slt.u32 s8, $0xFFFFF086  }
0x1c: {  	p1 =	slt.u32 s9, $0xF7A;
	s5 =	simm.s32 @!p2 $0x0  }
0x1d: {  	s5 =	simm.s32 @p1 $0x1;
	p0 =	seq.s32 s7, s2  }
0x1e: {  	s7 =	smul.u32 @!p0 $0xF7A, s2;
	p2 =	seq.s32 @!p0 s5, $0x0  }
0x1f: {  	s9 =	smul.u32 $0xF7A, s1;
	s8 =	simm.s32 @!p0 $0x1BF5;
	p2 =	por !p2, p0  }
0x20: {  	[sflag:s8] =	ssyncset.s32 @!p0 $0xFFFFF086;
	s6 =	sadd.s32 @!p0 s3, s7;
	s7 =	simm.s32 @!p0 $0x108  }
0x21: {  	s3 =	sadd.s32 s3, s9;
	s6 =	sadd.s32 @!p0 $0x88, s6;
	s7 =	simm.s32 @p2 $0x1082  }
0x22: {  	[simem:s7], [sflag:s8] =	dma.local @!p0 [hbm:s6], $0xF7A  }
0x23: {  	s9 =	sor.u32 $0xD0000000, s2;
	s6 =	simm.s32 $0x108;
	_ =	swait.ge @!p0 [sflag:s8], $0x0  }
0x24: {  	s3 =	sadd.s32 $0x88, s3;
	s6 =	simm.s32 @!p1 $0x1082;
	[sflag:s4] =	ssyncset.s32 $0xFFFFF086  }
0x25: {  	[simem:s6], [sflag:s4] =	dma.local [hbm:s3], $0xF7A  }
0x26: {  	[smem:$0x3F99] =	sst s1;
	(tag) =	ssettag s2;
	_ =	strace s9  }
0x27: {  	s1 =	sld [smem:$0x3FA9]  }
0x28: {  	s2 =	sld [smem:$0x3FAA]  }
0x29: {  	s4 =	sld [smem:$0x3FAC]  }
0x2a: {  	p0 =	seq.s32 s5, $0x0;
	s5 =	sld [smem:$0x3FAD]  }
0x2b: {  	s6 =	sld [smem:$0x3FAE]  }
0x2c: {  	s7 =	sld [smem:$0x3FAF]  }
0x2d: {  	s3 =	simm.s32 $0x108;
	s8 =	sld [smem:$0x3FB0]  }
0x2e: {  	s3 =	simm.s32 @!p0 $0x1082;
	s9 =	sld [smem:$0x3FB1]  }
0x2f: {  	lr =	sadd.s32 s0, s3;
	s0 =	sld [smem:$0x3FA8]  }
0x30: {  	s3 =	sld [smem:$0x3FAB]  }
0x31: {  	[smem:$0x3FB4] =	sst s10  }
0x32: {  	s10 =	sld [smem:$0x3FB2];
	_ =	sdelay $0x3  }
0x33: {  	p0 =	seq.s32 s10, $0x1;
	s10 =	sld [smem:$0x3FB4];
	_ =	sdelay $0x3  }
0x34: {  	[smem:$0x3FB4] =	sst s10  }
0x35: {  	s10 =	sld [smem:$0x3FB3];
	_ =	sdelay $0x3  }
0x36: {  	p1 =	seq.s32 s10, $0x1;
	s10 =	sld [smem:$0x3FB4];
	_ =	sdelay $0x3  }
0x37: {  	[smem:$0x3FB4] =	sst s10  }
0x38: {  	s10 =	sld [smem:$0x3FB5]  }
0x39: {  	_ = 	snop;
	(pc) =	sbr.ind lr, $3  }
0x3a: {  	_ = 	snop  }
0x3b: {  	_ = 	snop  }
0x3c: {  	p2 =	seq.s32 s10, $0x1;
	s10 =	sld [smem:$0x3FB4]  }
0x3d: {  	_ =	shalt  }
0x3e: {  	_ =	shalt  }
0x3f: {  	_ =	shalt  }
0x40: {  	_ =	shalt  }
0x41: {  	_ =	shalt  }
0x42: {  	_ =	shalt  }
0x43: {  	_ =	shalt  }
0x44: {  	_ =	shalt  }
0x45: {  	_ =	shalt  }
0x46: {  	_ =	shalt  }
0x47: {  	_ =	shalt  }
0x48: {  	_ =	shalt  }
0x49: {  	_ =	shalt  }
0x4a: {  	_ =	shalt  }
0x4b: {  	_ =	shalt  }
0x4c: {  	_ =	shalt  }
0x4d: {  	_ =	shalt  }
0x4e: {  	_ =	shalt  }
0x4f: {  	_ =	shalt  }
0x50: {  	_ =	shalt  }
0x51: {  	_ =	shalt  }
0x52: {  	_ =	shalt  }
0x53: {  	_ =	shalt  }
0x54: {  	_ =	shalt  }
0x55: {  	_ =	shalt  }
0x56: {  	_ =	shalt  }
0x57: {  	_ =	shalt  }
0x58: {  	_ =	shalt  }
0x59: {  	_ =	shalt  }
0x5a: {  	_ =	shalt  }
0x5b: {  	_ =	shalt  }
0x5c: {  	_ =	shalt  }
0x5d: {  	_ =	shalt  }
0x5e: {  	_ =	shalt  }
0x5f: {  	_ =	shalt  }
0x60: {  	_ =	shalt  }
0x61: {  	_ =	shalt  }
0x62: {  	_ =	shalt  }
0x63: {  	_ =	shalt  }
0x64: {  	_ =	shalt  }
0x65: {  	_ =	shalt  }
0x66: {  	_ =	shalt  }
0x67: {  	_ =	shalt  }
0x68: {  	_ =	shalt  }
0x69: {  	_ =	shalt  }
0x6a: {  	_ =	shalt  }
0x6b: {  	_ =	shalt  }
0x6c: {  	_ =	shalt  }
0x6d: {  	_ =	shalt  }
0x6e: {  	_ =	shalt  }
0x6f: {  	_ =	shalt  }
0x70: {  	_ =	shalt  }
0x71: {  	_ =	shalt  }
0x72: {  	_ =	shalt  }
0x73: {  	_ =	shalt  }
0x74: {  	_ =	shalt  }
0x75: {  	_ =	shalt  }
0x76: {  	_ =	shalt  }
0x77: {  	_ =	shalt  }
0x78: {  	_ =	shalt  }
0x79: {  	_ =	shalt  }
0x7a: {  	_ =	shalt  }
0x7b: {  	_ =	shalt  }
0x7c: {  	_ =	shalt  }
0x7d: {  	_ =	shalt  }
0x7e: {  	_ =	shalt  }
0x7f: {  	_ =	shalt  }
0x80: {  	_ =	shalt  }
0x81: {  	_ =	shalt  }
0x82: {  	_ =	shalt  }
0x83: {  	_ =	shalt  }
0x84: {  	_ =	shalt  }
0x85: {  	_ =	shalt  }
0x86: {  	_ =	shalt  }
0x87: {  	_ =	shalt  }
.Lfunc_end0:
.L_simem_size_0:
called_computation.2_lowered:
.L_overlay_start_0:
0x88: {  	s2 =	sld [smem:$0x3FD9]  }
0x89: {  	s3 =	sld [smem:$0x3FFE];
	_ =	sdelay $0x1  }
0x8a: {  	s1 =	srdreg.scid  }
0x8b: {  	s0 =	sand.u32 $0x1, s1  }
0x8c: {  	s14 =	sshll.u32 s0, $0xA;
	s2 =	sadd.s32 s3, s2  }
0x8d: {  	s2 =	sadd.s32 s2, s14  }
0x8e: {  	[smem:$0x3FC0] =	sst s2  }
0x8f: {  	_ = 	snop  }
0x90: {  	s2 =	sld [smem:$0x3FD0];
	_ =	sdelay $0x2  }
0x91: {  	s15 =	simm.s32 $0xA;
	s4 =	simm.s32 $0x10  }
0x92: {  	[smem:s4], [sflag:s15] =	dma.local [hbm:s2], $0x1  }
0x93: {  	_ =	swait.eq [sflag:s15], $0x1  }
0x94: {  	[sflag:s15] =	ssyncset.done $0x0  }
0x95: {  	[sflag:s15] =	ssyncadd.s32 $0xFFFFFFFF  }
0x96: {  	s16 =	sld [smem:$0x12];
	(tm) =	ssettm $0x1  }
0x97: {  	s17 =	sld [smem:$0x3FFB];
	_ =	sdelay $0x3  }
0x98: {  	_ =	strace s17  }
0x99: {  	s3 =	sld [smem:$0x3FFC];
	_ =	sdelay $0x3  }
0x9a: {  	_ =	strace s3  }
0x9b: {  	s3 =	sld [smem:$0x3FFD];
	_ =	sdelay $0x3  }
0x9c: {  	_ =	strace s3  }
0x9d: {  	_ =	strace $0x8FFFFFFF  }
0x9e: {  	s18 =	sld [smem:$0x3FDB];
	_ =	sdelay $0x1  }
0x9f: {  	s19 =	simm.s32 $_scs_section_size  }
0xa0: {  	s5 =	simm.s32 $_size__tile_overlayer_lowered;
	s6 =	simm.s32 $_tile_overlayer_lowered  }
0xa1: {  	s22 =	simm.s32 $0x1BFF;
	s21 =	sshll.u32 s6, $0x1;
	s3 =	sadd.s32 s19, s18  }
0xa2: {  	s7 =	simm.s32 $0x0;
	s20 =	sshll.u32 s5, $0x1;
	s5 =	sadd.s32 s21, s3  }
0xa3: {  	[timem:s7], [sflag:s22] =	dma.local [hbm:s5], s20  }
0xa4: {  	_ =	swait.ge [sflag:s22], s20  }
0xa5: {  	s4 =	ssub.s32 $0x0, s20;
	[sflag:s22] =	ssyncset.done $0x0  }
0xa6: {  	[sflag:s22] =	ssyncadd.s32 s4;
	_ =	sdelay $0x1  }
0xa7: {  	s23 =	simm.s32 $0x1B8B  }
0xa8: {  	_ =	swait.ge [sflag:s23], $0x1  }
0xa9: {  	[sflag:s23] =	ssyncset.done $0x0  }
0xaa: {  	s25 =	simm.s32 $0x1B8E;
	s24 =	sld [smem:$0x3FFE];
	[sflag:s23] =	ssyncadd.s32 $0xFFFFFFFF  }
0xab: {  	s26 =	simm.s32 $execute0_lowered;
	[smem:$0x3FD2] =	sst s25  }
0xac: {  	s5 =	sshll.u32 s26, $0x1;
	_ =	strace $0x8000004C;
	[dreg:$0x1] =	wrdreg $0xFFFFFFFF  }
0xad: {  	s28 =	simm.s32 $_size_execute0_lowered;
	s3 =	sadd.s32 s3, s5;
	[dreg:$0x0] =	wrdreg $0x0  }
0xae: {  	s5 =	sshll.u32 s28, $0x1;
	[dreg:$0x2] =	wrdreg s3  }
0xaf: {  	[dreg:$0x3] =	wrdreg s5  }
0xb0: {  	[dreg:$0x4] =	wrdreg $0xC0  }
0xb1: {  	_ =	task [dreg:s7], $0x5FFFF  }
0xb2: {  	[dreg:$0x1] =	wrdreg $0xFFFFFFFF  }
0xb3: {  	[dreg:$0x0] =	wrdreg $0x60  }
0xb4: {  	[dreg:$0x2] =	wrdreg s24  }
0xb5: {  	[dreg:$0x3] =	wrdreg s16  }
0xb6: {  	[dreg:$0x4] =	wrdreg $0x5A000  }
0xb7: {  	[dreg:$0x5] =	wrdreg $0x9  }
0xb8: {  	_ =	task.clear_ibuf [dreg:s7], $0x6FFFF;
	_ =	strace $0x9000004C  }
0xb9: {  	s29 =	simm.s32 $0x9;
	_ =	strace $0x8000004E  }
0xba: {  	_ =	swait.ge [sflag:s29], $0x1  }
0xbb: {  	[sflag:s29] =	ssyncadd.s32 $0xFFFFFFFF  }
0xbc: {  	_ =	strace $0x9000004E  }
0xbd: {  	_ =	sfence  }
0xbe: {  	s30 =	sld [smem:$0x0];
	_ =	sdelay $0x2  }
0xbf: {  	s31 =	sshll.u32 s1, $0xD;
	s1 =	sshrl.u32 s1, $0x2  }
0xc0: {  	s3 =	sand.u32 $0x4000, s31;
	s1 =	sadd.s32 s1, s30  }
0xc1: {  	s0 =	sor.u32 s3, s0;
	s1 =	sshll.u32 s1, $0x11  }
0xc2: {  	s0 =	sor.u32 s1, s0  }
0xc3: {  	s0 =	sadd.s32 $0x8F2B, s0  }
0xc4: {  	[sflag:s0] =	ssyncadd.remote.s32 $0x1  }
0xc5: {  	_ =	sfence.sel $0xFFFF  }
0xc6: {  	[dreg:$0x0] =	wrdreg $0xFFFFFFFF;
	(pc) =	sbr.abs _section_cstart, $3  }
0xc7: {  	[dreg:$0x1] =	wrdreg $0xFFFFFFFF  }
0xc8: {  	_ =	task.clear_ibuf [dreg:s7], $0x2FFFF;
	_ =	strace $0x9FFFFFFF  }
0xc9: {  	(tm) =	ssettm $0x7FFFFFFF  }
tec
execute0_lowered:
.L_overlay_start_1:
0x0: {  	(tag) =	ssettag $0x1  }
0x1: {  	s7 =	rddreg [dreg:$0x0]  }
0x2: {  	s0 =	srdreg.scid;
	s8 =	rddreg [dreg:$0x1]  }
0x3: {  	s30 =	stileid.u32;
	s2 =	rddreg [dreg:$0x2];
	s3 =	simm.s32 $0x0  }
0x4: {  	s18 =	simm.s32 $0xA00;
	s19 =	simm.s32 $0x3;
	s20 =	simm.s32 $0x2  }
0x5: {  	s21 =	simm.s32 $0x50;
	s23 =	simm.s32 $0x3200;
	s25 =	simm.s32 $0x0  }
0x6: {  	s6 =	sand.u32 $0x1, s0;
	[smem:$0x7FF] =	sst s3;
	s11 =	smul.u32 $0x14000, s30  }
0x7: {  	s4 =	sadd.s32 $0x66600, s7;
	s5 =	sadd.s32 $0x8D800, s7;
	s14 =	smul.u32 $0x50000, s30  }
0x8: {  	s1 =	sshll.u32 s6, $0x4;
	s10 =	smul.u32 $0x140000, s6;
	s6 =	ssub.s32 $0x2, s6  }
0x9: {  	_ =	strace $0x8000004D;
	s1 =	sor.u32 s30, s1;
	s13 =	sshrl.u32 s6, $0x1  }
0xa: {  	s31 =	sshrl.u32 s14, $0x2;
	s9 =	smul.u32 $0xA0, s1;
	s10 =	sadd.s32 s11, s10  }
0xb: {  	s24 =	sadd.s32 s11, s2;
	s13 =	ssub.s32 s6, s13;
	s10 =	sshrl.u32 s10, $0x3  }
0xc: {  	s24 =	sshrl.u32 s24, $0x3;
	s12 =	sadd.s32 s9, s7;
	s10 =	sadd.s32 s10, s7  }
0xd: {  	s6 =	sadd.s32 s8, s9;
	s8 =	sadd.s32 $0x8E200, s10;
	s10 =	sadd.s32 s31, s2  }
0xe: {  	s9 =	smax.u32 s13, $0x1;
	s7 =	sadd.s32 $0xDE200, s12;
	s11 =	sadd.s32 $0x2800, s10  }
0xf: {  	s12 =	sadd.s32 $0x5000, s10;
	s13 =	sadd.s32 $0x7800, s10;
	s14 =	sadd.s32 $0xA000, s10  }
0x10: {  	s15 =	sadd.s32 $0xC800, s10;
	s16 =	sadd.s32 $0xF000, s10;
	s17 =	sadd.s32 $0x11800, s10  }
.LBB2_1:
0x11: {  	[tilespmem:s18], [sflag:$0x3] =	stream.linear.gather [hbm4b:s5+s3], $0x2800, $0x38;
	[tilespmem:$0x19A00] =	vst v63  }
0x12: {  	_ =	swait.ge [sflag:s19], $0x2800  }
0x13: {  	[sflag:s19] =	ssyncset.done $0x0  }
0x14: {  	[sflag:s19] =	ssyncadd.s32 $0xFFFFD800  }
0x15: {  	[spmem:s10] =	stream.linear.scatter [tilespmem:s18], [sflag:$0x3], $0x2800, $0x38;
	[tilespmem:$0x19A00] =	vst v63  }
0x16: {  	_ =	swait.ge [sflag:s19], $0x2800  }
0x17: {  	[sflag:s19] =	ssyncset.done $0x0  }
0x18: {  	[sflag:s19] =	ssyncadd.s32 $0xFFFFD800  }
0x19: {  	[spmem:s11] =	stream.linear.scatter [tilespmem:s18], [sflag:$0x3], $0x2800, $0x38;
	[tilespmem:$0x19A00] =	vst v63  }
0x1a: {  	_ =	swait.ge [sflag:s19], $0x2800  }
0x1b: {  	[sflag:s19] =	ssyncset.done $0x0  }
0x1c: {  	[sflag:s19] =	ssyncadd.s32 $0xFFFFD800  }
0x1d: {  	[spmem:s12] =	stream.linear.scatter [tilespmem:s18], [sflag:$0x3], $0x2800, $0x38;
	[tilespmem:$0x19A00] =	vst v63  }
0x1e: {  	_ =	swait.ge [sflag:s19], $0x2800  }
0x1f: {  	[sflag:s19] =	ssyncset.done $0x0  }
0x20: {  	[sflag:s19] =	ssyncadd.s32 $0xFFFFD800  }
0x21: {  	[spmem:s13] =	stream.linear.scatter [tilespmem:s18], [sflag:$0x3], $0x2800, $0x38;
	[tilespmem:$0x19A00] =	vst v63  }
0x22: {  	_ =	swait.ge [sflag:s19], $0x2800  }
0x23: {  	[sflag:s19] =	ssyncset.done $0x0  }
0x24: {  	[sflag:s19] =	ssyncadd.s32 $0xFFFFD800  }
0x25: {  	[spmem:s14] =	stream.linear.scatter [tilespmem:s18], [sflag:$0x3], $0x2800, $0x38;
	[tilespmem:$0x19A00] =	vst v63  }
0x26: {  	_ =	swait.ge [sflag:s19], $0x2800  }
0x27: {  	[sflag:s19] =	ssyncset.done $0x0  }
0x28: {  	[sflag:s19] =	ssyncadd.s32 $0xFFFFD800  }
0x29: {  	[spmem:s15] =	stream.linear.scatter [tilespmem:s18], [sflag:$0x3], $0x2800, $0x38;
	[tilespmem:$0x19A00] =	vst v63  }
0x2a: {  	_ =	swait.ge [sflag:s19], $0x2800  }
0x2b: {  	[sflag:s19] =	ssyncset.done $0x0  }
0x2c: {  	[sflag:s19] =	ssyncadd.s32 $0xFFFFD800  }
0x2d: {  	[spmem:s16] =	stream.linear.scatter [tilespmem:s18], [sflag:$0x3], $0x2800, $0x38;
	[tilespmem:$0x19A00] =	vst v63  }
0x2e: {  	_ =	swait.ge [sflag:s19], $0x2800  }
0x2f: {  	[sflag:s19] =	ssyncset.done $0x0  }
0x30: {  	[sflag:s19] =	ssyncadd.s32 $0xFFFFD800  }
0x31: {  	[spmem:s17] =	stream.linear.scatter [tilespmem:s18], [sflag:$0x3], $0x2800, $0x38;
	[tilespmem:$0x19A00] =	vst v63  }
0x32: {  	_ =	swait.ge [sflag:s19], $0x2800  }
0x33: {  	[sflag:s19] =	ssyncset.done $0x0  }
0x34: {  	[sflag:s19] =	ssyncadd.s32 $0xFFFFD800  }
0x35: {  	[tilespmem:s3], [sflag:$0x3] =	stream.linear.gather [hbm4b:s6+s3], $0x500, $0x38;
	[tilespmem:$0x19A00] =	vst v63  }
0x36: {  	_ =	swait.ge [sflag:s19], $0x500  }
0x37: {  	[sflag:s19] =	ssyncset.done $0x0  }
0x38: {  	s26 =	simm.s32 $0x500;
	[sflag:s19] =	ssyncadd.s32 $0xFFFFFB00  }
0x39: {  	[tilespmem:s26], [sflag:$0x3] =	stream.linear.gather [hbm4b:s7+s3], $0x500, $0x38;
	[tilespmem:$0x19A00] =	vst v63  }
0x3a: {  	_ =	swait.ge [sflag:s19], $0x500  }
0x3b: {  	s28 =	sand.u32 $0x1, s3;
	[sflag:s19] =	ssyncset.done $0x0  }
0x3c: {  	p0 =	seq.s32 s28, $0x1;
	[sflag:s19] =	ssyncadd.s32 $0xFFFFFB00  }
0x3d: {  	s28 =	simm.s32 @p0 $0x2;
	[bflag:$0x0] =	sbarrier.arrive $0xFFFF  }
0x3e: {  	[tilespmem:s18], [sflag:$0x1] =	stream.indirect.gather [hbm4b:s4+s21], $0x80, s3, s21, $0xb8;
	[tilespmem:$0x19A00] =	vst v63  }
0x3f: {  	_ =	swait.ge @p0 [sflag:s28], $0x2800  }
0x40: {  	[sflag:s28] =	ssyncset.done @p0 $0x0  }
0x41: {  	s29 =	simm.s32 @p0 $0xA00;
	[sflag:s28] =	ssyncadd.s32 @p0 $0xFFFFD800;
	s28 =	simm.s32 @p0 $0x50  }
0x42: {  	[tilespmem:s29], [sflag:$0x1] =	stream.indirect.gather @p0 [hbm4b:s4+s28], $0x80, s21, s28, $0xb8;
	[tilespmem:$0x19A00] =	vst v63  }
0x43: {  	s30 =	simm.s32 @!p0 $0x1;
	s29 =	simm.s32 @p0 $0x3200  }
0x44: {  	[spmem:s2] =	stream.indirect.scatter.add.f32 @p0 [tilespmem:s29], [sflag:$0x3], $0x80, s26, s28, $0xb8;
	[tilespmem:$0x19A00] =	vst v63  }
0x45: {  	_ =	swait.ge @!p0 [sflag:s30], $0x2800  }
0x46: {  	s29 =	simm.s32 @!p0 $0x4;
	[sflag:s30] =	ssyncset.done @!p0 $0x0  }
0x47: {  	s28 =	simm.s32 @!p0 $0x50;
	[sflag:s30] =	ssyncadd.s32 @!p0 $0xFFFFD800;
	s30 =	simm.s32 @!p0 $0x3200  }
0x48: {  	[tilespmem:s30], [sflag:$0x2] =	stream.indirect.gather @!p0 [hbm4b:s4+s28], $0x80, s21, s28, $0xb8;
	[tilespmem:$0x19A00] =	vst v63  }
0x49: {  	s31 =	simm.s32 $0x1;
	s29 =	simm.s32 @p0 $0x3;
	s30 =	simm.s32 @!p0 $0xA00  }
0x4a: {  	[spmem:s2] =	stream.indirect.scatter.add.f32 @!p0 [tilespmem:s30], [sflag:$0x4], $0x80, s26, s28, $0xb8;
	[tilespmem:$0x19A00] =	vst v63  }
0x4b: {  	s31 =	sand.u32 $0x1, s31;
	s30 =	simm.s32 $0x2;
	_ =	swait.ge [sflag:s29], $0x2800  }
0x4c: {  	s26 =	simm.s32 $0xA0;
	s28 =	simm.s32 $0x550;
	[sflag:s29] =	ssyncset.done $0x0  }
.LBB2_2:
0x4d: {  	p1 =	seq.s32 s31, $0x1  }
0x4e: {  	[sflag:s29] =	ssyncadd.s32 $0xFFFFD800;
	s31 =	smov.u32 s30;
	s30 =	sadd.s32 $0x1, s30  }
0x4f: {  	p0 =	sne.s32 s30, $0xF;
	s1 =	simm.s32 @p1 $0x2;
	s29 =	simm.s32 @!p1 $0x4  }
0x50: {  	_ =	swait.ge @p1 [sflag:s1], $0x2800  }
0x51: {  	[sflag:s1] =	ssyncset.done @p1 $0x0  }
0x52: {  	s0 =	simm.s32 @p1 $0xA00;
	[sflag:s1] =	ssyncadd.s32 @p1 $0xFFFFD800;
	s1 =	simm.s32 @p1 $0x50  }
0x53: {  	[tilespmem:s0], [sflag:$0x1] =	stream.indirect.gather @p1 [hbm4b:s4+s1], $0x80, s26, s1, $0xb8;
	[tilespmem:$0x19A00] =	vst v63  }
0x54: {  	s22 =	simm.s32 @!p1 $0x1;
	s0 =	simm.s32 @p1 $0x3200  }
0x55: {  	[spmem:s2] =	stream.indirect.scatter.add.f32 @p1 [tilespmem:s0], [sflag:$0x3], $0x80, s28, s1, $0xb8;
	[tilespmem:$0x19A00] =	vst v63  }
0x56: {  	_ =	swait.ge @!p1 [sflag:s22], $0x2800  }
0x57: {  	[sflag:s22] =	ssyncset.done @!p1 $0x0  }
0x58: {  	s0 =	simm.s32 @!p1 $0x50;
	s1 =	simm.s32 @!p1 $0x3200;
	[sflag:s22] =	ssyncadd.s32 @!p1 $0xFFFFD800  }
0x59: {  	[tilespmem:s1], [sflag:$0x2] =	stream.indirect.gather @!p1 [hbm4b:s4+s0], $0x80, s26, s0, $0xb8;
	[tilespmem:$0x19A00] =	vst v63  }
.Ltmp0:
0x5a: {  	_ = 	snop;
	(pc) =	sbr.rel @p0 .LBB2_2-.Ltmp0, $4  }
0x5b: {  	s29 =	simm.s32 @p1 $0x3;
	s1 =	simm.s32 @!p1 $0xA00  }
0x5c: {  	[spmem:s2] =	stream.indirect.scatter.add.f32 @!p1 [tilespmem:s1], [sflag:$0x4], $0x80, s28, s0, $0xb8;
	[tilespmem:$0x19A00] =	vst v63  }
0x5d: {  	s26 =	sadd.s32 $0x50, s26;
	_ =	swait.ge [sflag:s29], $0x2800  }
0x5e: {  	s31 =	sand.u32 $0x1, s31;
	s28 =	sadd.s32 $0x50, s28;
	[sflag:s29] =	ssyncset.done $0x0  }
0x5f: {  	p0 =	seq.s32 s31, $0x1  }
0x60: {  	[sflag:s29] =	ssyncadd.s32 $0xFFFFD800;
	s0 =	simm.s32 @p0 $0x2  }
0x61: {  	_ =	swait.ge @p0 [sflag:s0], $0x2800  }
0x62: {  	[sflag:s0] =	ssyncset.done @p0 $0x0  }
0x63: {  	s1 =	simm.s32 @p0 $0xA00;
	[sflag:s0] =	ssyncadd.s32 @p0 $0xFFFFD800;
	s0 =	simm.s32 @p0 $0x50  }
0x64: {  	[tilespmem:s1], [sflag:$0x1] =	stream.indirect.gather @p0 [hbm4b:s4+s0], $0x80, s26, s0, $0xb8;
	[tilespmem:$0x19A00] =	vst v63  }
0x65: {  	s22 =	simm.s32 @!p0 $0x1;
	s1 =	simm.s32 @p0 $0x3200  }
0x66: {  	[spmem:s2] =	stream.indirect.scatter.add.f32 @p0 [tilespmem:s1], [sflag:$0x3], $0x80, s28, s0, $0xb8;
	[tilespmem:$0x19A00] =	vst v63  }
0x67: {  	_ =	swait.ge @!p0 [sflag:s22], $0x2800  }
0x68: {  	s0 =	simm.s32 @!p0 $0x4;
	[sflag:s22] =	ssyncset.done @!p0 $0x0  }
0x69: {  	s1 =	simm.s32 @!p0 $0x50;
	[sflag:s22] =	ssyncadd.s32 @!p0 $0xFFFFD800;
	s22 =	simm.s32 @!p0 $0x3200  }
0x6a: {  	[tilespmem:s22], [sflag:$0x2] =	stream.indirect.gather @!p0 [hbm4b:s4+s1], $0x80, s26, s1, $0xb8;
	[tilespmem:$0x19A00] =	vst v63  }
0x6b: {  	s0 =	simm.s32 @p0 $0x3;
	s22 =	simm.s32 @!p0 $0xA00  }
0x6c: {  	[spmem:s2] =	stream.indirect.scatter.add.f32 @!p0 [tilespmem:s22], [sflag:$0x4], $0x80, s28, s1, $0xb8;
	[tilespmem:$0x19A00] =	vst v63  }
0x6d: {  	_ =	swait.ge [sflag:s0], $0x2800  }
0x6e: {  	[sflag:s0] =	ssyncset.done $0x0  }
0x6f: {  	[sflag:s0] =	ssyncadd.s32 $0xFFFFD800  }
0x70: {  	_ =	swait.ge [sflag:s20], $0x2800  }
0x71: {  	[sflag:s20] =	ssyncset.done $0x0  }
0x72: {  	s30 =	simm.s32 $0x9B0;
	[sflag:s20] =	ssyncadd.s32 $0xFFFFD800  }
0x73: {  	[spmem:s2] =	stream.indirect.scatter.add.f32 [tilespmem:s23], [sflag:$0x3], $0x80, s30, s21, $0xb8;
	[tilespmem:$0x19A00] =	vst v63  }
0x74: {  	_ =	swait.ge [sflag:s19], $0x2800  }
0x75: {  	s31 =	stileid.u32;
	s25 =	sadd.s32 $0x1, s25;
	[sflag:s19] =	ssyncset.done $0x0  }
0x76: {  	p0 =	sne.s32 s25, s9;
	s0 =	sshll.u32 s31, $0x6;
	[sflag:s19] =	ssyncadd.s32 $0xFFFFD800  }
.Ltmp1:
0x77: {  	s0 =	sor.u32 $0x1C03, s0;
	[bflag:$0x0] =	sbarrier.arrive $0xFFFF;
	(pc) =	sbr.rel @p0 .LBB2_1-.Ltmp1, $4  }
0x78: {  	[hbm:s8], [sflag:s0] =	dma.local [spmem:s24], $0x2800  }
0x79: {  	_ =	swait.ge [sflag:s19], $0x2800  }
0x7a: {  	[sflag:s19] =	ssyncset.done $0x0  }
0x7b: {  	[sflag:s19] =	ssyncadd.s32 $0xFFFFD800  }
0x7c: {  	_ =	sfence.sel $0x180000  }
0x7d: {  	[bflag:$0x0] =	sbarrier.arrive $0xFFFF  }
0x7e: {  	_ =	strace $0x9000004D  }
0x7f: {  	s0 =	stileid.u32;
	[bflag:$0x2] =	sbarrier.arrive $0xFFFF  }
0x80: {  	p0 =	sne.s32 s0, $0x0;
	s0 =	rddreg [dreg:$0x3]  }
0x81: {  	s0 =	sadd.s32 @!p0 $0x100000, s0  }
0x82: {  	[sflag:s0] =	ssyncadd.tile.s32 @!p0 $0x1;
	_ =	shalt  }
.Lfunc_end2:
_tile_overlayer_lowered:
.L_overlay_start_2:
0x83: {  	(tag) =	ssettag $0x2  }
0x84: {  	s0 =	rddreg [dreg:$0x0];
	s2 =	stileid.u32  }
0x85: {  	s1 =	rddreg [dreg:$0x1];
	p0 =	sne.s32 s2, $0x0  }
0x86: {  	s3 =	rddreg [dreg:$0x2];
	[bflag:$0x3] =	sbarrier.arrive $0xFFFF;
	s2 =	simm.s32 @!p0 $0x1C03  }
0x87: {  	[timem:s3], [sflag:s2] =	dma.local @!p0 [hbm:s0], s1  }
0x88: {  	s0 =	simm.s32 @!p0 $0x3  }
0x89: {  	_ =	swait.ge @!p0 [sflag:s0], s1  }
0x8a: {  	s1 =	ssub.s32 @!p0 $0x0, s1;
	[sflag:s0] =	ssyncset.done @!p0 $0x0  }
0x8b: {  	[sflag:s0] =	ssyncadd.s32 @!p0 s1  }
0x8c: {  	[bflag:$0x3] =	sbarrier.arrive $0xFFFF  }
0x8d: {  	_ =	shalt  }

// kernel: kernel.21.cloned.1.call-start
scs
__scs_entry_jumppad:
0x0: {  	(pc) =	sbr.rel $0x88, $3  }
0x1: {  	(tag) =	ssettag $0x0;
	lr =	simm.s32 $0x1  }
0x2: {  	[smem:$0x3F99] =	sst lr;
	_ =	strace $0xD0000000  }
0x3: {  	_ = 	snop  }
0x4: {  	_ = 	snop  }
0x5: {  	_ = 	snop  }
0x6: {  	_ = 	snop  }
0x7: {  	_ = 	snop  }
__scs_overlays_trampoline_lowered:
0x8: {  	[smem:$0x3FA8] =	sst s0  }
0x9: {  	[smem:$0x3FA9] =	sst s1  }
0xa: {  	[smem:$0x3FAA] =	sst s2  }
0xb: {  	[smem:$0x3FAB] =	sst s3  }
0xc: {  	[smem:$0x3FAC] =	sst s4  }
0xd: {  	[smem:$0x3FAD] =	sst s5  }
0xe: {  	[smem:$0x3FAE] =	sst s6  }
0xf: {  	[smem:$0x3FAF] =	sst s7  }
0x10: {  	[smem:$0x3FB0] =	sst s8  }
0x11: {  	[smem:$0x3FB1] =	sst s9;
	s0 =	simm.s32 @!p0 $0x0  }
0x12: {  	s1 =	sld [smem:$0x3F97];
	s0 =	simm.s32 @p0 $0x1  }
0x13: {  	[smem:$0x3FB2] =	sst s0;
	s0 =	simm.s32 @!p1 $0x0  }
0x14: {  	s2 =	sld [smem:$0x3F96];
	s0 =	simm.s32 @p1 $0x1  }
0x15: {  	[smem:$0x3FB3] =	sst s0;
	s0 =	simm.s32 @!p2 $0x0  }
0x16: {  	s3 =	sld [smem:$0x3FDB];
	s0 =	simm.s32 @p2 $0x1  }
0x17: {  	s4 =	simm.s32 $0x1BF5;
	[smem:$0x3FB5] =	sst s0  }
0x18: {  	s0 =	sld [smem:$0x3F98];
	_ =	swait.ge [sflag:s4], $0x0  }
0x19: {  	s7 =	sld [smem:$0x3F99]  }
0x1a: {  	s8 =	sadd.s32 $0xFFFFE003, lr  }
0x1b: {  	s9 =	sadd.s32 $0xFFFFFEF7, lr;
	s5 =	simm.s32 $0xFFFFFFFF;
	p2 =	slt.u32 s8, $0xFFFFF086  }
0x1c: {  	p1 =	slt.u32 s9, $0xF7A;
	s5 =	simm.s32 @!p2 $0x0  }
0x1d: {  	s5 =	simm.s32 @p1 $0x1;
	p0 =	seq.s32 s7, s2  }
0x1e: {  	s7 =	smul.u32 @!p0 $0xF7A, s2;
	p2 =	seq.s32 @!p0 s5, $0x0  }
0x1f: {  	s9 =	smul.u32 $0xF7A, s1;
	s8 =	simm.s32 @!p0 $0x1BF5;
	p2 =	por !p2, p0  }
0x20: {  	[sflag:s8] =	ssyncset.s32 @!p0 $0xFFFFF086;
	s6 =	sadd.s32 @!p0 s3, s7;
	s7 =	simm.s32 @!p0 $0x108  }
0x21: {  	s3 =	sadd.s32 s3, s9;
	s6 =	sadd.s32 @!p0 $0x88, s6;
	s7 =	simm.s32 @p2 $0x1082  }
0x22: {  	[simem:s7], [sflag:s8] =	dma.local @!p0 [hbm:s6], $0xF7A  }
0x23: {  	s9 =	sor.u32 $0xD0000000, s2;
	s6 =	simm.s32 $0x108;
	_ =	swait.ge @!p0 [sflag:s8], $0x0  }
0x24: {  	s3 =	sadd.s32 $0x88, s3;
	s6 =	simm.s32 @!p1 $0x1082;
	[sflag:s4] =	ssyncset.s32 $0xFFFFF086  }
0x25: {  	[simem:s6], [sflag:s4] =	dma.local [hbm:s3], $0xF7A  }
0x26: {  	[smem:$0x3F99] =	sst s1;
	(tag) =	ssettag s2;
	_ =	strace s9  }
0x27: {  	s1 =	sld [smem:$0x3FA9]  }
0x28: {  	s2 =	sld [smem:$0x3FAA]  }
0x29: {  	s4 =	sld [smem:$0x3FAC]  }
0x2a: {  	p0 =	seq.s32 s5, $0x0;
	s5 =	sld [smem:$0x3FAD]  }
0x2b: {  	s6 =	sld [smem:$0x3FAE]  }
0x2c: {  	s7 =	sld [smem:$0x3FAF]  }
0x2d: {  	s3 =	simm.s32 $0x108;
	s8 =	sld [smem:$0x3FB0]  }
0x2e: {  	s3 =	simm.s32 @!p0 $0x1082;
	s9 =	sld [smem:$0x3FB1]  }
0x2f: {  	lr =	sadd.s32 s0, s3;
	s0 =	sld [smem:$0x3FA8]  }
0x30: {  	s3 =	sld [smem:$0x3FAB]  }
0x31: {  	[smem:$0x3FB4] =	sst s10  }
0x32: {  	s10 =	sld [smem:$0x3FB2];
	_ =	sdelay $0x3  }
0x33: {  	p0 =	seq.s32 s10, $0x1;
	s10 =	sld [smem:$0x3FB4];
	_ =	sdelay $0x3  }
0x34: {  	[smem:$0x3FB4] =	sst s10  }
0x35: {  	s10 =	sld [smem:$0x3FB3];
	_ =	sdelay $0x3  }
0x36: {  	p1 =	seq.s32 s10, $0x1;
	s10 =	sld [smem:$0x3FB4];
	_ =	sdelay $0x3  }
0x37: {  	[smem:$0x3FB4] =	sst s10  }
0x38: {  	s10 =	sld [smem:$0x3FB5]  }
0x39: {  	_ = 	snop;
	(pc) =	sbr.ind lr, $3  }
0x3a: {  	_ = 	snop  }
0x3b: {  	_ = 	snop  }
0x3c: {  	p2 =	seq.s32 s10, $0x1;
	s10 =	sld [smem:$0x3FB4]  }
0x3d: {  	_ =	shalt  }
0x3e: {  	_ =	shalt  }
0x3f: {  	_ =	shalt  }
0x40: {  	_ =	shalt  }
0x41: {  	_ =	shalt  }
0x42: {  	_ =	shalt  }
0x43: {  	_ =	shalt  }
0x44: {  	_ =	shalt  }
0x45: {  	_ =	shalt  }
0x46: {  	_ =	shalt  }
0x47: {  	_ =	shalt  }
0x48: {  	_ =	shalt  }
0x49: {  	_ =	shalt  }
0x4a: {  	_ =	shalt  }
0x4b: {  	_ =	shalt  }
0x4c: {  	_ =	shalt  }
0x4d: {  	_ =	shalt  }
0x4e: {  	_ =	shalt  }
0x4f: {  	_ =	shalt  }
0x50: {  	_ =	shalt  }
0x51: {  	_ =	shalt  }
0x52: {  	_ =	shalt  }
0x53: {  	_ =	shalt  }
0x54: {  	_ =	shalt  }
0x55: {  	_ =	shalt  }
0x56: {  	_ =	shalt  }
0x57: {  	_ =	shalt  }
0x58: {  	_ =	shalt  }
0x59: {  	_ =	shalt  }
0x5a: {  	_ =	shalt  }
0x5b: {  	_ =	shalt  }
0x5c: {  	_ =	shalt  }
0x5d: {  	_ =	shalt  }
0x5e: {  	_ =	shalt  }
0x5f: {  	_ =	shalt  }
0x60: {  	_ =	shalt  }
0x61: {  	_ =	shalt  }
0x62: {  	_ =	shalt  }
0x63: {  	_ =	shalt  }
0x64: {  	_ =	shalt  }
0x65: {  	_ =	shalt  }
0x66: {  	_ =	shalt  }
0x67: {  	_ =	shalt  }
0x68: {  	_ =	shalt  }
0x69: {  	_ =	shalt  }
0x6a: {  	_ =	shalt  }
0x6b: {  	_ =	shalt  }
0x6c: {  	_ =	shalt  }
0x6d: {  	_ =	shalt  }
0x6e: {  	_ =	shalt  }
0x6f: {  	_ =	shalt  }
0x70: {  	_ =	shalt  }
0x71: {  	_ =	shalt  }
0x72: {  	_ =	shalt  }
0x73: {  	_ =	shalt  }
0x74: {  	_ =	shalt  }
0x75: {  	_ =	shalt  }
0x76: {  	_ =	shalt  }
0x77: {  	_ =	shalt  }
0x78: {  	_ =	shalt  }
0x79: {  	_ =	shalt  }
0x7a: {  	_ =	shalt  }
0x7b: {  	_ =	shalt  }
0x7c: {  	_ =	shalt  }
0x7d: {  	_ =	shalt  }
0x7e: {  	_ =	shalt  }
0x7f: {  	_ =	shalt  }
0x80: {  	_ =	shalt  }
0x81: {  	_ =	shalt  }
0x82: {  	_ =	shalt  }
0x83: {  	_ =	shalt  }
0x84: {  	_ =	shalt  }
0x85: {  	_ =	shalt  }
0x86: {  	_ =	shalt  }
0x87: {  	_ =	shalt  }
.Lfunc_end0:
.L_simem_size_0:
called_computation.3_lowered:
.L_overlay_start_0:
0x88: {  	s2 =	sld [smem:$0x3FD9]  }
0x89: {  	s3 =	sld [smem:$0x3FFE];
	_ =	sdelay $0x1  }
0x8a: {  	s1 =	srdreg.scid  }
0x8b: {  	s0 =	sand.u32 $0x1, s1  }
0x8c: {  	s14 =	sshll.u32 s0, $0xA;
	s2 =	sadd.s32 s3, s2  }
0x8d: {  	s2 =	sadd.s32 s2, s14  }
0x8e: {  	[smem:$0x3FC0] =	sst s2  }
0x8f: {  	_ = 	snop  }
0x90: {  	s2 =	sld [smem:$0x3FD0];
	_ =	sdelay $0x2  }
0x91: {  	s15 =	simm.s32 $0xA;
	s4 =	simm.s32 $0x10  }
0x92: {  	[smem:s4], [sflag:s15] =	dma.local [hbm:s2], $0x1  }
0x93: {  	_ =	swait.eq [sflag:s15], $0x1  }
0x94: {  	[sflag:s15] =	ssyncset.done $0x0  }
0x95: {  	[sflag:s15] =	ssyncadd.s32 $0xFFFFFFFF  }
0x96: {  	s16 =	sld [smem:$0x10];
	(tm) =	ssettm $0x1  }
0x97: {  	s17 =	sld [smem:$0x3FFB];
	_ =	sdelay $0x3  }
0x98: {  	_ =	strace s17  }
0x99: {  	s3 =	sld [smem:$0x3FFC];
	_ =	sdelay $0x3  }
0x9a: {  	_ =	strace s3  }
0x9b: {  	s3 =	sld [smem:$0x3FFD];
	_ =	sdelay $0x3  }
0x9c: {  	_ =	strace s3  }
0x9d: {  	_ =	strace $0x8FFFFFFF  }
0x9e: {  	s18 =	sld [smem:$0x3FDB];
	_ =	sdelay $0x1  }
0x9f: {  	s19 =	simm.s32 $_scs_section_size  }
0xa0: {  	s5 =	simm.s32 $_size__tile_overlayer_lowered;
	s6 =	simm.s32 $_tile_overlayer_lowered  }
0xa1: {  	s22 =	simm.s32 $0x1BFF;
	s21 =	sshll.u32 s6, $0x1;
	s3 =	sadd.s32 s19, s18  }
0xa2: {  	s7 =	simm.s32 $0x0;
	s20 =	sshll.u32 s5, $0x1;
	s5 =	sadd.s32 s21, s3  }
0xa3: {  	[timem:s7], [sflag:s22] =	dma.local [hbm:s5], s20  }
0xa4: {  	_ =	swait.ge [sflag:s22], s20  }
0xa5: {  	s4 =	ssub.s32 $0x0, s20;
	[sflag:s22] =	ssyncset.done $0x0  }
0xa6: {  	[sflag:s22] =	ssyncadd.s32 s4;
	_ =	sdelay $0x1  }
0xa7: {  	s23 =	simm.s32 $0x1B8B  }
0xa8: {  	_ =	swait.ge [sflag:s23], $0x1  }
0xa9: {  	[sflag:s23] =	ssyncset.done $0x0  }
0xaa: {  	s25 =	simm.s32 $0x1B8E;
	s24 =	sld [smem:$0x3FFE];
	[sflag:s23] =	ssyncadd.s32 $0xFFFFFFFF  }
0xab: {  	s26 =	simm.s32 $execute0_lowered;
	[smem:$0x3FD2] =	sst s25  }
0xac: {  	s5 =	sshll.u32 s26, $0x1;
	_ =	strace $0x8000004F;
	[dreg:$0x1] =	wrdreg $0xFFFFFFFF  }
0xad: {  	s28 =	simm.s32 $_size_execute0_lowered;
	s3 =	sadd.s32 s3, s5;
	[dreg:$0x0] =	wrdreg $0x0  }
0xae: {  	s5 =	sshll.u32 s28, $0x1;
	[dreg:$0x2] =	wrdreg s3  }
0xaf: {  	[dreg:$0x3] =	wrdreg s5  }
0xb0: {  	[dreg:$0x4] =	wrdreg $0xC0  }
0xb1: {  	_ =	task [dreg:s7], $0x5FFFF  }
0xb2: {  	[dreg:$0x1] =	wrdreg $0xFFFFFFFF  }
0xb3: {  	[dreg:$0x0] =	wrdreg $0x60  }
0xb4: {  	[dreg:$0x2] =	wrdreg s24  }
0xb5: {  	[dreg:$0x3] =	wrdreg s16  }
0xb6: {  	[dreg:$0x4] =	wrdreg $0x58200  }
0xb7: {  	[dreg:$0x5] =	wrdreg $0x80200  }
0xb8: {  	[dreg:$0x6] =	wrdreg $0x9  }
0xb9: {  	_ =	task.clear_ibuf [dreg:s7], $0x7FFFF;
	_ =	strace $0x9000004F  }
0xba: {  	s29 =	simm.s32 $0x9;
	_ =	strace $0x80000051  }
0xbb: {  	_ =	swait.ge [sflag:s29], $0x1  }
0xbc: {  	[sflag:s29] =	ssyncadd.s32 $0xFFFFFFFF  }
0xbd: {  	_ =	strace $0x90000051  }
0xbe: {  	_ =	sfence  }
0xbf: {  	s30 =	sld [smem:$0x0];
	_ =	sdelay $0x2  }
0xc0: {  	s31 =	sshll.u32 s1, $0xD;
	s1 =	sshrl.u32 s1, $0x2  }
0xc1: {  	s3 =	sand.u32 $0x4000, s31;
	s1 =	sadd.s32 s1, s30  }
0xc2: {  	s0 =	sor.u32 s3, s0;
	s1 =	sshll.u32 s1, $0x11  }
0xc3: {  	s0 =	sor.u32 s1, s0  }
0xc4: {  	s0 =	sadd.s32 $0x8F2B, s0  }
0xc5: {  	[sflag:s0] =	ssyncadd.remote.s32 $0x1  }
0xc6: {  	_ =	sfence.sel $0xFFFF  }
0xc7: {  	[dreg:$0x0] =	wrdreg $0xFFFFFFFF;
	(pc) =	sbr.abs _section_cstart, $3  }
0xc8: {  	[dreg:$0x1] =	wrdreg $0xFFFFFFFF  }
0xc9: {  	_ =	task.clear_ibuf [dreg:s7], $0x2FFFF;
	_ =	strace $0x9FFFFFFF  }
0xca: {  	(tm) =	ssettm $0x7FFFFFFF  }
0xcb: {  	_ =	shalt  }
tec
execute0_lowered:
.L_overlay_start_1:
0x0: {  	(tag) =	ssettag $0x1  }
0x1: {  	s0 =	rddreg [dreg:$0x0]  }
0x2: {  	s3 =	rddreg [dreg:$0x2]  }
0x3: {  	s4 =	rddreg [dreg:$0x3]  }
0x4: {  	s20 =	stileid.u32;
	s1 =	srdreg.scid  }
0x5: {  	s5 =	simm.s32 $0x0;
	s19 =	simm.s32 $0x4E20;
	s2 =	smul.u32 $0x2710, s20  }
0x6: {  	s28 =	simm.s32 $0x4;
	s29 =	simm.s32 $0x0;
	s10 =	smul.u32 $0x2800, s20  }
0x7: {  	s1 =	sand.u32 $0x1, s1;
	[smem:$0x7FF] =	sst s5;
	s11 =	smul.u32 $0xA000, s20  }
0x8: {  	s31 =	sshll.u32 s20, $0x6;
	s6 =	sshll.u32 s1, $0x4;
	s7 =	smul.u32 $0x28000, s1  }
0x9: {  	_ =	strace $0x80000050;
	s1 =	ssub.s32 $0x2, s1;
	s21 =	sor.u32 $0x1C03, s31  }
0xa: {  	s6 =	sor.u32 s20, s6;
	s8 =	sshrl.u32 s2, $0x3;
	s24 =	sshrl.u32 s1, $0x1  }
0xb: {  	s2 =	sadd.s32 s2, s4;
	s30 =	sshrl.u32 s11, $0x2;
	s20 =	simm.s32 $0x3  }
0xc: {  	s6 =	smul.u32 $0x4E2, s6;
	s8 =	sadd.s32 s8, s0;
	s7 =	sadd.s32 s10, s7  }
0xd: {  	s1 =	ssub.s32 s1, s24;
	s11 =	sadd.s32 s30, s3;
	s22 =	sshrl.u32 s2, $0x3  }
0xe: {  	s24 =	simm.s32 $0x50;
	s23 =	sshrl.u32 s7, $0x3;
	s25 =	sadd.s32 $0x66600, s8  }
0xf: {  	s12 =	sadd.s32 $0x500, s11;
	s13 =	sadd.s32 $0xA00, s11;
	s14 =	sadd.s32 $0xF00, s11  }
0x10: {  	s15 =	sadd.s32 $0x1400, s11;
	s16 =	sadd.s32 $0x1900, s11;
	s17 =	sadd.s32 $0x1E00, s11  }
0x11: {  	s18 =	sadd.s32 $0x2300, s11;
	s9 =	sadd.s32 s6, s0;
	s0 =	sadd.s32 s23, s0  }
0x12: {  	[dreg:$0x5] =	wrdreg s25;
	s25 =	sadd.s32 s10, s3;
	s10 =	smax.u32 s1, $0x1  }
0x13: {  	s23 =	simm.s32 $0x1;
	s26 =	sadd.s32 $0x2A00, s9;
	s8 =	sadd.s32 $0xC800, s9  }
0x14: {  	s9 =	sadd.s32 $0x6B600, s0;
	s25 =	sshrl.u32 s25, $0x3;
	[dreg:$0x6] =	wrdreg s26  }
.LBB2_1:
0x15: {  	s0 =	rddreg [dreg:$0x1]  }
0x16: {  	[tilespmem:s19], [sflag:$0x3] =	stream.linear.gather [hbm4b:s0+s5], $0x500, $0x38;
	[tilespmem:$0xA730] =	vst v63  }
0x17: {  	_ =	swait.ge [sflag:s20], $0x500  }
0x18: {  	[sflag:s20] =	ssyncset.done $0x0  }
0x19: {  	[sflag:s20] =	ssyncadd.s32 $0xFFFFFB00  }
0x1a: {  	[spmem:s11] =	stream.linear.scatter [tilespmem:s19], [sflag:$0x3], $0x500, $0x38;
	[tilespmem:$0xA730] =	vst v63  }
0x1b: {  	_ =	swait.ge [sflag:s20], $0x500  }
0x1c: {  	[sflag:s20] =	ssyncset.done $0x0  }
0x1d: {  	[sflag:s20] =	ssyncadd.s32 $0xFFFFFB00  }
0x1e: {  	[spmem:s12] =	stream.linear.scatter [tilespmem:s19], [sflag:$0x3], $0x500, $0x38;
	[tilespmem:$0xA730] =	vst v63  }
0x1f: {  	_ =	swait.ge [sflag:s20], $0x500  }
0x20: {  	[sflag:s20] =	ssyncset.done $0x0  }
0x21: {  	[sflag:s20] =	ssyncadd.s32 $0xFFFFFB00  }
0x22: {  	[spmem:s13] =	stream.linear.scatter [tilespmem:s19], [sflag:$0x3], $0x500, $0x38;
	[tilespmem:$0xA730] =	vst v63  }
0x23: {  	_ =	swait.ge [sflag:s20], $0x500  }
0x24: {  	[sflag:s20] =	ssyncset.done $0x0  }
0x25: {  	[sflag:s20] =	ssyncadd.s32 $0xFFFFFB00  }
0x26: {  	[spmem:s14] =	stream.linear.scatter [tilespmem:s19], [sflag:$0x3], $0x500, $0x38;
	[tilespmem:$0xA730] =	vst v63  }
0x27: {  	_ =	swait.ge [sflag:s20], $0x500  }
0x28: {  	[sflag:s20] =	ssyncset.done $0x0  }
0x29: {  	[sflag:s20] =	ssyncadd.s32 $0xFFFFFB00  }
0x2a: {  	[spmem:s15] =	stream.linear.scatter [tilespmem:s19], [sflag:$0x3], $0x500, $0x38;
	[tilespmem:$0xA730] =	vst v63  }
0x2b: {  	_ =	swait.ge [sflag:s20], $0x500  }
0x2c: {  	[sflag:s20] =	ssyncset.done $0x0  }
0x2d: {  	[sflag:s20] =	ssyncadd.s32 $0xFFFFFB00  }
0x2e: {  	[spmem:s16] =	stream.linear.scatter [tilespmem:s19], [sflag:$0x3], $0x500, $0x38;
	[tilespmem:$0xA730] =	vst v63  }
0x2f: {  	_ =	swait.ge [sflag:s20], $0x500  }
0x30: {  	[sflag:s20] =	ssyncset.done $0x0  }
0x31: {  	[sflag:s20] =	ssyncadd.s32 $0xFFFFFB00  }
0x32: {  	[spmem:s17] =	stream.linear.scatter [tilespmem:s19], [sflag:$0x3], $0x500, $0x38;
	[tilespmem:$0xA730] =	vst v63  }
0x33: {  	_ =	swait.ge [sflag:s20], $0x500  }
0x34: {  	[sflag:s20] =	ssyncset.done $0x0  }
0x35: {  	[sflag:s20] =	ssyncadd.s32 $0xFFFFFB00  }
0x36: {  	[spmem:s18] =	stream.linear.scatter [tilespmem:s19], [sflag:$0x3], $0x500, $0x38;
	[tilespmem:$0xA730] =	vst v63  }
0x37: {  	_ =	swait.ge [sflag:s20], $0x500  }
0x38: {  	[sflag:s20] =	ssyncset.done $0x0  }
0x39: {  	s6 =	rddreg [dreg:$0x5];
	[sflag:s20] =	ssyncadd.s32 $0xFFFFFB00  }
0x3a: {  	[spmem:s22], [sflag:s21] =	dma.local [hbm:s6], $0x4E2  }
0x3b: {  	_ =	swait.ge [sflag:s20], $0x4E2  }
0x3c: {  	[sflag:s20] =	ssyncset.done $0x0  }
0x3d: {  	s7 =	rddreg [dreg:$0x6];
	[sflag:s20] =	ssyncadd.s32 $0xFFFFFB1E  }
0x3e: {  	[tilespmem:s5], [sflag:$0x3] =	stream.linear.gather [hbm4b:s7+s5], $0x2710, $0x38;
	[tilespmem:$0xA730] =	vst v63  }
0x3f: {  	_ =	swait.ge [sflag:s20], $0x2710  }
0x40: {  	[sflag:s20] =	ssyncset.done $0x0  }
0x41: {  	s1 =	simm.s32 $0x2710;
	[sflag:s20] =	ssyncadd.s32 $0xFFFFD8F0  }
0x42: {  	[tilespmem:s1], [sflag:$0x3] =	stream.linear.gather [hbm4b:s8+s5], $0x2710, $0x38;
	[tilespmem:$0xA730] =	vst v63  }
0x43: {  	_ =	swait.ge [sflag:s20], $0x2710  }
0x44: {  	s26 =	sand.u32 $0x1, s5;
	[sflag:s20] =	ssyncset.done $0x0  }
0x45: {  	p0 =	seq.s32 s26, $0x1;
	[sflag:s20] =	ssyncadd.s32 $0xFFFFD8F0  }
0x46: {  	s0 =	simm.s32 @p0 $0x2;
	[bflag:$0x0] =	sbarrier.arrive $0xFFFF  }
0x47: {  	[tilespmem:s19], [sflag:$0x1] =	stream.indirect.gather [spmem:s4], $0x10, s5, s24, $0xb8;
	[tilespmem:$0xA730] =	vst v63  }
0x48: {  	_ =	swait.ge @p0 [sflag:s0], $0x500  }
0x49: {  	[sflag:s0] =	ssyncset.done @p0 $0x0  }
0x4a: {  	s2 =	simm.s32 @p0 $0x4E20;
	[sflag:s0] =	ssyncadd.s32 @p0 $0xFFFFFB00;
	s0 =	simm.s32 @p0 $0x50  }
0x4b: {  	[tilespmem:s2], [sflag:$0x1] =	stream.indirect.gather @p0 [spmem:s4], $0x10, s24, s0, $0xb8;
	[tilespmem:$0xA730] =	vst v63  }
0x4c: {  	s30 =	simm.s32 @!p0 $0x1;
	s2 =	simm.s32 @p0 $0x5320  }
0x4d: {  	[spmem:s3] =	stream.indirect.scatter.add.f32 @p0 [tilespmem:s2], [sflag:$0x3], $0x10, s1, s0, $0xb8;
	[tilespmem:$0xA730] =	vst v63  }
0x4e: {  	_ =	swait.ge @!p0 [sflag:s30], $0x500  }
0x4f: {  	s0 =	simm.s32 @!p0 $0x4;
	[sflag:s30] =	ssyncset.done @!p0 $0x0  }
0x50: {  	s2 =	simm.s32 @!p0 $0x50;
	[sflag:s30] =	ssyncadd.s32 @!p0 $0xFFFFFB00;
	s30 =	simm.s32 @!p0 $0x5320  }
0x51: {  	[tilespmem:s30], [sflag:$0x2] =	stream.indirect.gather @!p0 [spmem:s4], $0x10, s24, s2, $0xb8;
	[tilespmem:$0xA730] =	vst v63  }
0x52: {  	s31 =	simm.s32 $0x1;
	s0 =	simm.s32 @p0 $0x3;
	s30 =	simm.s32 @!p0 $0x4E20  }
0x53: {  	[spmem:s3] =	stream.indirect.scatter.add.f32 @!p0 [tilespmem:s30], [sflag:$0x4], $0x10, s1, s2, $0xb8;
	[tilespmem:$0xA730] =	vst v63  }
0x54: {  	s1 =	simm.s32 $0x2;
	s30 =	simm.s32 $0xA0;
	_ =	swait.ge [sflag:s0], $0x500  }
0x55: {  	s2 =	sand.u32 $0x1, s31;
	s31 =	simm.s32 $0x2760;
	[sflag:s0] =	ssyncset.done $0x0  }
.LBB2_2:
0x56: {  	p1 =	seq.s32 s2, $0x1  }
0x57: {  	[sflag:s0] =	ssyncadd.s32 $0xFFFFFB00;
	s2 =	smov.u32 s1;
	s1 =	sadd.s32 $0x1, s1  }
0x58: {  	p0 =	sne.s32 s1, $0x7C;
	s26 =	simm.s32 @p1 $0x2;
	s0 =	simm.s32 @!p1 $0x4  }
0x59: {  	_ =	swait.ge @p1 [sflag:s26], $0x500  }
0x5a: {  	[sflag:s26] =	ssyncset.done @p1 $0x0  }
0x5b: {  	s6 =	simm.s32 @p1 $0x4E20;
	[sflag:s26] =	ssyncadd.s32 @p1 $0xFFFFFB00;
	s26 =	simm.s32 @p1 $0x50  }
0x5c: {  	[tilespmem:s6], [sflag:$0x1] =	stream.indirect.gather @p1 [spmem:s4], $0x10, s30, s26, $0xb8;
	[tilespmem:$0xA730] =	vst v63  }
0x5d: {  	s7 =	simm.s32 @!p1 $0x1;
	s6 =	simm.s32 @p1 $0x5320  }
0x5e: {  	[spmem:s3] =	stream.indirect.scatter.add.f32 @p1 [tilespmem:s6], [sflag:$0x3], $0x10, s31, s26, $0xb8;
	[tilespmem:$0xA730] =	vst v63  }
0x5f: {  	_ =	swait.ge @!p1 [sflag:s7], $0x500  }
0x60: {  	[sflag:s7] =	ssyncset.done @!p1 $0x0  }
0x61: {  	s6 =	simm.s32 @!p1 $0x50;
	[sflag:s7] =	ssyncadd.s32 @!p1 $0xFFFFFB00;
	s7 =	simm.s32 @!p1 $0x5320  }
0x62: {  	[tilespmem:s7], [sflag:$0x2] =	stream.indirect.gather @!p1 [spmem:s4], $0x10, s30, s6, $0xb8;
	[tilespmem:$0xA730] =	vst v63  }
.Ltmp0:
0x63: {  	_ = 	snop;
	(pc) =	sbr.rel @p0 .LBB2_2-.Ltmp0, $4  }
0x64: {  	s0 =	simm.s32 @p1 $0x3;
	s7 =	simm.s32 @!p1 $0x4E20  }
0x65: {  	[spmem:s3] =	stream.indirect.scatter.add.f32 @!p1 [tilespmem:s7], [sflag:$0x4], $0x10, s31, s6, $0xb8;
	[tilespmem:$0xA730] =	vst v63  }
0x66: {  	s30 =	sadd.s32 $0x50, s30;
	_ =	swait.ge [sflag:s0], $0x500  }
0x67: {  	s2 =	sand.u32 $0x1, s2;
	s31 =	sadd.s32 $0x50, s31;
	[sflag:s0] =	ssyncset.done $0x0  }
0x68: {  	p0 =	seq.s32 s2, $0x1  }
0x69: {  	[sflag:s0] =	ssyncadd.s32 $0xFFFFFB00;
	s0 =	simm.s32 @p0 $0x2  }
0x6a: {  	_ =	swait.ge @p0 [sflag:s0], $0x500  }
0x6b: {  	[sflag:s0] =	ssyncset.done @p0 $0x0  }
0x6c: {  	s1 =	simm.s32 @p0 $0x4E20;
	[sflag:s0] =	ssyncadd.s32 @p0 $0xFFFFFB00;
	s0 =	simm.s32 @p0 $0x50  }
0x6d: {  	[tilespmem:s1], [sflag:$0x1] =	stream.indirect.gather @p0 [spmem:s4], $0x10, s30, s0, $0xb8;
	[tilespmem:$0xA730] =	vst v63  }
0x6e: {  	s2 =	simm.s32 @!p0 $0x1;
	s1 =	simm.s32 @p0 $0x5320  }
0x6f: {  	[spmem:s3] =	stream.indirect.scatter.add.f32 @p0 [tilespmem:s1], [sflag:$0x3], $0x10, s31, s0, $0xb8;
	[tilespmem:$0xA730] =	vst v63  }
0x70: {  	_ =	swait.ge @!p0 [sflag:s2], $0x500  }
0x71: {  	s0 =	simm.s32 @!p0 $0x4;
	[sflag:s2] =	ssyncset.done @!p0 $0x0  }
0x72: {  	s1 =	simm.s32 @!p0 $0x50;
	[sflag:s2] =	ssyncadd.s32 @!p0 $0xFFFFFB00;
	s2 =	simm.s32 @!p0 $0x5320  }
0x73: {  	[tilespmem:s2], [sflag:$0x2] =	stream.indirect.gather @!p0 [spmem:s4], $0x10, s30, s1, $0xb8;
	[tilespmem:$0xA730] =	vst v63  }
0x74: {  	s0 =	simm.s32 @p0 $0x3;
	s2 =	simm.s32 @!p0 $0x4E20  }
0x75: {  	[spmem:s3] =	stream.indirect.scatter.add.f32 @!p0 [tilespmem:s2], [sflag:$0x4], $0x10, s31, s1, $0xb8;
	[tilespmem:$0xA730] =	vst v63  }
0x76: {  	_ =	swait.ge [sflag:s0], $0x500  }
0x77: {  	[sflag:s0] =	ssyncset.done $0x0  }
0x78: {  	[sflag:s0] =	ssyncadd.s32 $0xFFFFFB00  }
0x79: {  	_ =	swait.ge [sflag:s23], $0x500  }
0x7a: {  	[sflag:s23] =	ssyncset.done $0x0  }
0x7b: {  	s31 =	simm.s32 $0x4DD0;
	[sflag:s23] =	ssyncadd.s32 $0xFFFFFB00  }
0x7c: {  	[spmem:s3] =	stream.indirect.scatter.add.f32 [tilespmem:s19], [sflag:$0x4], $0x10, s31, s24, $0xb8;
	[tilespmem:$0xA730] =	vst v63  }
0x7d: {  	_ =	swait.ge [sflag:s28], $0x500  }
0x7e: {  	s29 =	sadd.s32 $0x1, s29;
	[sflag:s28] =	ssyncset.done $0x0  }
0x7f: {  	p0 =	sne.s32 s29, s10;
	[sflag:s28] =	ssyncadd.s32 $0xFFFFFB00  }
.Ltmp1:
0x80: {  	[bflag:$0x0] =	sbarrier.arrive $0xFFFF;
	(pc) =	sbr.rel @p0 .LBB2_1-.Ltmp1, $4  }
0x81: {  	[hbm:s9], [sflag:s21] =	dma.local [spmem:s25], $0x500  }
0x82: {  	_ =	swait.ge [sflag:s20], $0x500  }
0x83: {  	[sflag:s20] =	ssyncset.done $0x0  }
0x84: {  	[sflag:s20] =	ssyncadd.s32 $0xFFFFFB00  }
0x85: {  	_ =	sfence.sel $0x180000  }
0x86: {  	[bflag:$0x0] =	sbarrier.arrive $0xFFFF  }
0x87: {  	_ =	strace $0x90000050  }
0x88: {  	s0 =	stileid.u32;
	[bflag:$0x2] =	sbarrier.arrive $0xFFFF  }
0x89: {  	p0 =	sne.s32 s0, $0x0;
	s0 =	rddreg [dreg:$0x4]  }
0x8a: {  	s0 =	sadd.s32 @!p0 $0x100000, s0  }
0x8b: {  	[sflag:s0] =	ssyncadd.tile.s32 @!p0 $0x1;
	_ =	shalt  }
.Lfunc_end2:
_tile_overlayer_lowered:
.L_overlay_start_2:
0x8c: {  	(tag) =	ssettag $0x2  }
0x8d: {  	s0 =	rddreg [dreg:$0x0];
	s2 =	stileid.u32  }
0x8e: {  	s1 =	rddreg [dreg:$0x1];
	p0 =	sne.s32 s2, $0x0  }
0x8f: {  	s3 =	rddreg [dreg:$0x2];
	[bflag:$0x3] =	sbarrier.arrive $0xFFFF;
	s2 =	simm.s32 @!p0 $0x1C03  }
0x90: {  	[timem:s3], [sflag:s2] =	dma.local @!p0 [hbm:s0], s1  }
0x91: {  	s0 =	simm.s32 @!p0 $0x3  }
0x92: {  	_ =	swait.ge @!p0 [sflag:s0], s1  }
0x93: {  	s1 =	ssub.s32 @!p0 $0x0, s1;
	[sflag:s0] =	ssyncset.done @!p0 $0x0  }
0x94: {  	[sflag:s0] =	ssyncadd.s32 @!p0 s1  }
0x95: {  	[bflag:$0x3] =	sbarrier.arrive $0xFFFF  }
0x96: {  	_ =	shalt  }

</sc_bundles>
